<compile_context>
chip_gen: v7x
topology: tpu7x:2x2x1
jax: 0.10.2.dev20260603
libtpu: 0.0.44.dev20260713+nightly
codegen_flags: <defaults>
</compile_context>

<pallas_src>
import functools
import math

import numpy as np
import jax
import jax.numpy as jnp
from jax import lax
from jax.experimental import pallas as pl
from jax.experimental.pallas import tpu as pltpu
from jax.experimental.pallas import tpu_sc as plsc

_NF = 13
_NE = 100001
_B = 4096
_NW = 32
_BPW = _B // _NW

_VC = 102400
_NCH = -(-_NE // _VC)
_VROW = _NCH * (_VC // 128)
_PLV = _VROW * 128

_NP16 = _NF * 16
_NP32 = _NF * 32
_DEPTH = 8



def _repack_body(mu_ref, rho_ref, out_ref):
    m = lax.bitcast_convert_type(mu_ref[0], jnp.uint32)
    r = lax.bitcast_convert_type(rho_ref[0], jnp.uint32)
    pair = (m & np.uint32(0xFFFF0000)) | (r >> np.uint32(16))
    out_ref[...] = pair.reshape(8, _VC // 128, 128)


def _repack(mu_t, rho_t, d):
    np_planes = _NF * d
    spec_in = pl.BlockSpec((1, 8, _VC), lambda g, c: (g // (d // 8), g % (d // 8), c))
    spec_out = pl.BlockSpec((8, _VC // 128, 128), lambda g, c: (g, c, 0))
    return pl.pallas_call(
        _repack_body,
        grid=(np_planes // 8, _NCH),
        in_specs=[spec_in, spec_in],
        out_specs=spec_out,
        out_shape=jax.ShapeDtypeStruct((np_planes, _VROW, 128), jnp.uint32),
    )(mu_t, rho_t)



def _sc_gather_body(dlog2, xt_hbm, p_hbm, g_hbm, xv, idx, dst, sem):
    w = lax.axis_index("s") * 2 + lax.axis_index("c")
    for i in range(_NF):
        pltpu.sync_copy(xt_hbm.at[pl.ds(i * _B + w * _BPW, _BPW)], xv.at[i])

    nrounds = (_NF << dlog2) // _NP16

    def build_idx(plane_base):
        def row(c, carry):
            plane = plane_base + c
            i = lax.shift_right_logical(plane, dlog2)
            pbase = plane * _PLV
            for k in range(_BPW // 16):
                idx[c, pl.ds(k * 16, 16)] = xv[i, pl.ds(k * 16, 16)] + pbase
            return carry
        lax.fori_loop(0, _NP16, row, 0)

    def gather_round():
        dummy = p_hbm.at[pl.ds(0, 128)]

        def fire(j, carry):
            pltpu.async_copy(p_hbm.at[idx.at[j]], dst.at[j], sem)
            return carry

        lax.fori_loop(0, _NP16, fire, 0)

        def drain(j, carry):
            pltpu.make_async_copy(dummy, dst.at[j], sem).wait()
            return carry

        lax.fori_loop(0, _NP16, drain, 0)

    for h in range(nrounds):
        build_idx(h * _NP16)
        gather_round()
        pltpu.sync_copy(dst, g_hbm.at[w, pl.ds(h * _NP16, _NP16)])


def _sc_gather(xt1d, p_1d, dlog2):
    mesh = plsc.VectorSubcoreMesh(core_axis_name="c", subcore_axis_name="s")
    nplanes = _NF << dlog2
    kfn = pl.kernel(
        functools.partial(_sc_gather_body, dlog2),
        mesh=mesh,
        out_type=jax.ShapeDtypeStruct((_NW, nplanes, _BPW), jnp.uint32),
        scratch_types=[
            pltpu.VMEM((_NF, _BPW), jnp.int32),
            pltpu.VMEM((_NP16, _BPW), jnp.int32),
            pltpu.VMEM((_NP16, _BPW), jnp.uint32),
            pltpu.SemaphoreType.DMA,
        ],
    )
    return kfn(xt1d, p_1d)



def _threefry_xor(x1, k2):
    ks0 = np.uint32(0)
    ks1 = np.uint32(k2)
    ks2 = np.uint32(0 ^ k2 ^ 0x1BD11BDA)
    rot_a = (13, 15, 26, 6)
    rot_b = (17, 29, 16, 24)

    def rounds(x0, x1, rots):
        for r in rots:
            x0 = x0 + x1
            x1 = (x1 << np.uint32(r)) | (x1 >> np.uint32(32 - r))
            x1 = x0 ^ x1
        return x0, x1

    x0 = jnp.full_like(x1, ks0)
    x1 = x1 + ks1
    x0, x1 = rounds(x0, x1, rot_a)
    x0 = x0 + ks1
    x1 = x1 + np.uint32(ks2 + np.uint32(1))
    x0, x1 = rounds(x0, x1, rot_b)
    x0 = x0 + ks2
    x1 = x1 + np.uint32(ks0 + np.uint32(2))
    x0, x1 = rounds(x0, x1, rot_a)
    x0 = x0 + ks0
    x1 = x1 + np.uint32(ks1 + np.uint32(3))
    x0, x1 = rounds(x0, x1, rot_b)
    x0 = x0 + ks1
    x1 = x1 + np.uint32(ks2 + np.uint32(4))
    x0, x1 = rounds(x0, x1, rot_a)
    x0 = x0 + ks2
    x1 = x1 + np.uint32(ks0 + np.uint32(5))
    return x0 ^ x1


def _bits_to_eps(bits):
    f = lax.bitcast_convert_type(
        (bits >> np.uint32(9)) | np.uint32(0x3F800000), jnp.float32
    ) - np.float32(1.0)
    lo = np.float32(np.nextafter(np.float32(-1.0), np.float32(0.0)))
    hi = np.float32(1.0)
    u = f * (hi - lo) + lo
    u = jnp.maximum(lo, u)
    ww = -jnp.log1p(-(u * u))
    small = ww < np.float32(5.0)
    ws = ww - np.float32(2.5)
    wl = jnp.sqrt(ww) - np.float32(3.0)
    cs = (2.81022636e-08, 3.43273939e-07, -3.5233877e-06, -4.39150654e-06,
          0.00021858087, -0.00125372503, -0.00417768164, 0.246640727,
          1.50140941)
    cl = (-0.000200214257, 0.000100950558, 0.00134934322, -0.00367342844,
          0.00573950773, -0.0076224613, 0.00943887047, 1.00167406,
          2.83297682)
    ps = jnp.full_like(u, np.float32(cs[0]))
    for c in cs[1:]:
        ps = ps * ws + np.float32(c)
    pp = jnp.full_like(u, np.float32(cl[0]))
    for c in cl[1:]:
        pp = pp * wl + np.float32(c)
    p = jnp.where(small, ps, pp)
    return np.float32(math.sqrt(2.0)) * p * u


def _sample_half(xr, packed, dim_log2, key2):
    dim = 1 << dim_log2
    c = lax.broadcasted_iota(jnp.int32, xr.shape, 0)
    fld = c >> dim_log2
    d = c & (dim - 1)
    flat = (xr << dim_log2) + fld * (_NE * dim) + d
    eps = _bits_to_eps(_threefry_xor(flat.astype(jnp.uint32), key2))
    mu = lax.bitcast_convert_type(packed & np.uint32(0xFFFF0000), jnp.float32)
    rho = lax.bitcast_convert_type(packed << np.uint32(16), jnp.float32)
    sigma = jnp.log1p(jnp.exp(rho))
    return mu + sigma * eps


def _tc_sample_body(dlog2, key2, xr, g, o):
    o[...] = _sample_half(xr[...], g[0], dlog2, key2)


def _tc_sample(xr_t, g, dlog2, key2):
    nplanes = _NF << dlog2
    return pl.pallas_call(
        functools.partial(_tc_sample_body, dlog2, key2),
        grid=(_NW,),
        in_specs=[
            pl.BlockSpec((nplanes, _BPW), lambda b: (0, b)),
            pl.BlockSpec((1, nplanes, _BPW), lambda b: (b, 0, 0)),
        ],
        out_specs=pl.BlockSpec((nplanes, _BPW), lambda b: (0, b)),
        out_shape=jax.ShapeDtypeStruct((nplanes, _B), jnp.float32),
    )(xr_t, g)



def kernel(X, mu16, rho16, mu32, rho32):
    mu16_t = jnp.transpose(mu16, (0, 2, 1))
    rho16_t = jnp.transpose(rho16, (0, 2, 1))
    mu32_t = jnp.transpose(mu32, (0, 2, 1))
    rho32_t = jnp.transpose(rho32, (0, 2, 1))

    xt = X.T
    xt16 = xt[:_NF]
    xt32 = xt[_NF:]

    p16 = _repack(mu16_t, rho16_t, 16).reshape(-1)
    g16 = _sc_gather(xt16.reshape(-1), p16, 4)
    p32 = _repack(mu32_t, rho32_t, 32).reshape(-1)
    g32 = _sc_gather(xt32.reshape(-1), p32, 5)

    xr16_t = jnp.repeat(xt16, 16, axis=0)
    xr32_t = jnp.repeat(xt32, 32, axis=0)

    out16_t = _tc_sample(xr16_t, g16, 4, 1)
    out32_t = _tc_sample(xr32_t, g32, 5, 2)
    return jnp.concatenate([out16_t, out32_t], axis=0).T

# --- scband reference (transcript-rebuilt; emitter-appended) ---
"""Pipeline reference for scband-bayesian-diff-size-cat-embeddings-49950469652678 (READ-ONLY COPY).

The authoritative reference and input builder live on the scoring server;
editing this copy changes nothing except your own understanding.
"""

import jax, jax.numpy as jnp
import numpy as np

N_FIELDS = 26
VOCAB = 100000
N_EMB = VOCAB + 1  # module builds Embedding(val + 1, dim, padding_idx=0)
BATCH = 4096
MU_INIT = 0.0
RHO_INIT = -6.0


def setup_inputs(seed: int = 0) -> dict:
    key = jax.random.key(seed)
    k1, k2, k3, k4, k5 = jax.random.split(key, 5)
    X = jax.random.randint(k1, (BATCH, N_FIELDS), 0, VOCAB, dtype=jnp.int32)
    # 13 fields with embed_dim=16, 13 fields with embed_dim=32
    mu16 = jax.random.normal(k2, (13, N_EMB, 16), dtype=jnp.float32) * 0.1 + MU_INIT
    rho16 = jax.random.normal(k3, (13, N_EMB, 16), dtype=jnp.float32) * 0.1 + RHO_INIT
    mu32 = jax.random.normal(k4, (13, N_EMB, 32), dtype=jnp.float32) * 0.1 + MU_INIT
    rho32 = jax.random.normal(k5, (13, N_EMB, 32), dtype=jnp.float32) * 0.1 + RHO_INIT
    return {"X": X, "mu16": mu16, "rho16": rho16, "mu32": mu32, "rho32": rho32}


def _sample_weight(mu, rho, key):
    # GaussianPosterior: w = mu + log1p(exp(rho)) * eps,  eps ~ N(0, 1)
    eps = jax.random.normal(key, mu.shape, dtype=mu.dtype)
    w = mu + jnp.log1p(jnp.exp(rho)) * eps
    # padding_idx=0: gradient to row 0 is zeroed in torch F.embedding
    w = w.at[:, 0, :].set(jax.lax.stop_gradient(w[:, 0, :]))
    return w


def reference(X, mu16, rho16, mu32, rho32):
    # training-mode forward: sample a weight per field, gather rows, concat over feature dim
    w16 = _sample_weight(mu16, rho16, jax.random.key(1))
    w32 = _sample_weight(mu32, rho32, jax.random.key(2))
    outs = []
    for i in range(13):
        outs.append(jnp.take(w16[i], X[:, i], axis=0))
    for i in range(13):
        outs.append(jnp.take(w32[i], X[:, 13 + i], axis=0))
    return jnp.concatenate(outs, axis=1)

if __name__ == "__main__":
    import jax
    _d = setup_inputs()
    print(jax.jit(kernel)(*tuple(_d.values())))

</pallas_src>

<mosaic_0001>
#map = affine_map<(d0, d1) -> (0)>
#map1 = affine_map<(d0, d1) -> (0, 0, 0)>
module attributes {stable_mosaic.version = 14 : i64} {
  func.func @_sc_gather_body(%arg0: i32, %arg1: i32, %arg2: memref<53248xi32, #tpu.memory_space<hbm>>, %arg3: memref<42598400xi32, #tpu.memory_space<hbm>>, %arg4: memref<32x416x128xi32, #tpu.memory_space<hbm>>, %arg5: memref<13x128xi32, #tpu.memory_space<vmem>>, %arg6: memref<208x128xi32, #tpu.memory_space<vmem>>, %arg7: memref<208x128xi32, #tpu.memory_space<vmem>>, %arg8: memref<!tpu.dma_semaphore, #tpu.memory_space<semaphore_mem>>) attributes {dimension_semantics = [#tpu.dimension_semantics<core_parallel>, #tpu.dimension_semantics<subcore_parallel>], iteration_bounds = array<i64: 2, 16>, scalar_prefetch = 0 : i64, scratch_operands = 4 : i64, tpu.core_type = #tpu.core_type<sc_vector_subcore>, window_params = [{transform_indices = #map}, {transform_indices = #map}, {transform_indices = #map1}]} {
    %mul3A = arith.constant 2 : i32
    %mul3A_0 = arith.muli %arg1, %mul3A : i32
    %add3A = arith.addi %mul3A_0, %arg0 : i32
    %mul3A_1 = arith.constant 128 : i32
    %mul3A_2 = arith.muli %add3A, %mul3A_1 : i32
    %add3A_3 = arith.constant 0 : i32
    %add3A_4 = arith.addi %add3A_3, %mul3A_2 : i32
    %run_scoped3A = arith.constant 0 : i32
    "tpu.region"() ({
      %run_scoped3A_100 = tpu.sem_alloc : memref<!tpu.dma_semaphore, #tpu.memory_space<semaphore_mem>>
      %dma_start3A = arith.constant 0 : i32
      %dma_start3A_101 = tpu.memref_slice %arg5[%run_scoped3A, %dma_start3A] : memref<13x128xi32, #tpu.memory_space<vmem>> -> memref<1x128xi32, #tpu.memory_space<vmem>>
      %dma_start3A_102 = tpu.memref_squeeze %dma_start3A_101 : memref<1x128xi32, #tpu.memory_space<vmem>> -> memref<128xi32, #tpu.memory_space<vmem>>
      %dma_start3A_103 = tpu.memref_slice %arg2[%add3A_4] : memref<53248xi32, #tpu.memory_space<hbm>> -> memref<128xi32, #tpu.memory_space<hbm>>
      %dma_start3A_104 = arith.constant 0 : i32
      %dma_start3A_105 = tpu.memref_slice %arg5[%run_scoped3A, %dma_start3A_104] : memref<13x128xi32, #tpu.memory_space<vmem>> -> memref<1x128xi32, #tpu.memory_space<vmem>>
      %dma_start3A_106 = tpu.memref_squeeze %dma_start3A_105 : memref<1x128xi32, #tpu.memory_space<vmem>> -> memref<128xi32, #tpu.memory_space<vmem>>
      %dma_start3A_107 = tpu.memref_slice %arg2[%add3A_4] : memref<53248xi32, #tpu.memory_space<hbm>> -> memref<128xi32, #tpu.memory_space<hbm>>
      tpu.enqueue_dma source(%dma_start3A_107 : memref<128xi32, #tpu.memory_space<hbm>>) target(%dma_start3A_106 : memref<128xi32, #tpu.memory_space<vmem>>) target_semaphore(%run_scoped3A_100 : memref<!tpu.dma_semaphore, #tpu.memory_space<semaphore_mem>>)
      %dma_wait3A = arith.constant 0 : i32
      %dma_wait3A_108 = tpu.memref_slice %arg5[%run_scoped3A, %dma_wait3A] : memref<13x128xi32, #tpu.memory_space<vmem>> -> memref<1x128xi32, #tpu.memory_space<vmem>>
      %dma_wait3A_109 = tpu.memref_squeeze %dma_wait3A_108 : memref<1x128xi32, #tpu.memory_space<vmem>> -> memref<128xi32, #tpu.memory_space<vmem>>
      %dma_wait3A_110 = tpu.memref_slice %arg2[%add3A_4] : memref<53248xi32, #tpu.memory_space<hbm>> -> memref<128xi32, #tpu.memory_space<hbm>>
      %dma_wait3A_111 = arith.constant 0 : i32
      %dma_wait3A_112 = tpu.memref_slice %arg5[%run_scoped3A, %dma_wait3A_111] : memref<13x128xi32, #tpu.memory_space<vmem>> -> memref<1x128xi32, #tpu.memory_space<vmem>>
      %dma_wait3A_113 = tpu.memref_squeeze %dma_wait3A_112 : memref<1x128xi32, #tpu.memory_space<vmem>> -> memref<128xi32, #tpu.memory_space<vmem>>
      %dma_wait3A_114 = tpu.memref_slice %arg2[%add3A_4] : memref<53248xi32, #tpu.memory_space<hbm>> -> memref<128xi32, #tpu.memory_space<hbm>>
      tpu.wait_dma2 semaphore(%run_scoped3A_100 : memref<!tpu.dma_semaphore, #tpu.memory_space<semaphore_mem>>) src(%dma_wait3A_114 : memref<128xi32, #tpu.memory_space<hbm>>) dst(%dma_wait3A_113 : memref<128xi32, #tpu.memory_space<vmem>>)
      tpu.yield
    }) : () -> ()
    %mul3A_5 = arith.constant 128 : i32
    %mul3A_6 = arith.muli %add3A, %mul3A_5 : i32
    %add3A_7 = arith.constant 4096 : i32
    %add3A_8 = arith.addi %add3A_7, %mul3A_6 : i32
    %run_scoped3A_9 = arith.constant 1 : i32
    "tpu.region"() ({
      %run_scoped3A_100 = tpu.sem_alloc : memref<!tpu.dma_semaphore, #tpu.memory_space<semaphore_mem>>
      %dma_start3A = arith.constant 0 : i32
      %dma_start3A_101 = tpu.memref_slice %arg5[%run_scoped3A_9, %dma_start3A] : memref<13x128xi32, #tpu.memory_space<vmem>> -> memref<1x128xi32, #tpu.memory_space<vmem>>
      %dma_start3A_102 = tpu.memref_squeeze %dma_start3A_101 : memref<1x128xi32, #tpu.memory_space<vmem>> -> memref<128xi32, #tpu.memory_space<vmem>>
      %dma_start3A_103 = tpu.memref_slice %arg2[%add3A_8] : memref<53248xi32, #tpu.memory_space<hbm>> -> memref<128xi32, #tpu.memory_space<hbm>>
      %dma_start3A_104 = arith.constant 0 : i32
      %dma_start3A_105 = tpu.memref_slice %arg5[%run_scoped3A_9, %dma_start3A_104] : memref<13x128xi32, #tpu.memory_space<vmem>> -> memref<1x128xi32, #tpu.memory_space<vmem>>
      %dma_start3A_106 = tpu.memref_squeeze %dma_start3A_105 : memref<1x128xi32, #tpu.memory_space<vmem>> -> memref<128xi32, #tpu.memory_space<vmem>>
      %dma_start3A_107 = tpu.memref_slice %arg2[%add3A_8] : memref<53248xi32, #tpu.memory_space<hbm>> -> memref<128xi32, #tpu.memory_space<hbm>>
      tpu.enqueue_dma source(%dma_start3A_107 : memref<128xi32, #tpu.memory_space<hbm>>) target(%dma_start3A_106 : memref<128xi32, #tpu.memory_space<vmem>>) target_semaphore(%run_scoped3A_100 : memref<!tpu.dma_semaphore, #tpu.memory_space<semaphore_mem>>)
      %dma_wait3A = arith.constant 0 : i32
      %dma_wait3A_108 = tpu.memref_slice %arg5[%run_scoped3A_9, %dma_wait3A] : memref<13x128xi32, #tpu.memory_space<vmem>> -> memref<1x128xi32, #tpu.memory_space<vmem>>
      %dma_wait3A_109 = tpu.memref_squeeze %dma_wait3A_108 : memref<1x128xi32, #tpu.memory_space<vmem>> -> memref<128xi32, #tpu.memory_space<vmem>>
      %dma_wait3A_110 = tpu.memref_slice %arg2[%add3A_8] : memref<53248xi32, #tpu.memory_space<hbm>> -> memref<128xi32, #tpu.memory_space<hbm>>
      %dma_wait3A_111 = arith.constant 0 : i32
      %dma_wait3A_112 = tpu.memref_slice %arg5[%run_scoped3A_9, %dma_wait3A_111] : memref<13x128xi32, #tpu.memory_space<vmem>> -> memref<1x128xi32, #tpu.memory_space<vmem>>
      %dma_wait3A_113 = tpu.memref_squeeze %dma_wait3A_112 : memref<1x128xi32, #tpu.memory_space<vmem>> -> memref<128xi32, #tpu.memory_space<vmem>>
      %dma_wait3A_114 = tpu.memref_slice %arg2[%add3A_8] : memref<53248xi32, #tpu.memory_space<hbm>> -> memref<128xi32, #tpu.memory_space<hbm>>
      tpu.wait_dma2 semaphore(%run_scoped3A_100 : memref<!tpu.dma_semaphore, #tpu.memory_space<semaphore_mem>>) src(%dma_wait3A_114 : memref<128xi32, #tpu.memory_space<hbm>>) dst(%dma_wait3A_113 : memref<128xi32, #tpu.memory_space<vmem>>)
      tpu.yield
    }) : () -> ()
    %mul3A_10 = arith.constant 128 : i32
    %mul3A_11 = arith.muli %add3A, %mul3A_10 : i32
    %add3A_12 = arith.constant 8192 : i32
    %add3A_13 = arith.addi %add3A_12, %mul3A_11 : i32
    %run_scoped3A_14 = arith.constant 2 : i32
    "tpu.region"() ({
      %run_scoped3A_100 = tpu.sem_alloc : memref<!tpu.dma_semaphore, #tpu.memory_space<semaphore_mem>>
      %dma_start3A = arith.constant 0 : i32
      %dma_start3A_101 = tpu.memref_slice %arg5[%run_scoped3A_14, %dma_start3A] : memref<13x128xi32, #tpu.memory_space<vmem>> -> memref<1x128xi32, #tpu.memory_space<vmem>>
      %dma_start3A_102 = tpu.memref_squeeze %dma_start3A_101 : memref<1x128xi32, #tpu.memory_space<vmem>> -> memref<128xi32, #tpu.memory_space<vmem>>
      %dma_start3A_103 = tpu.memref_slice %arg2[%add3A_13] : memref<53248xi32, #tpu.memory_space<hbm>> -> memref<128xi32, #tpu.memory_space<hbm>>
      %dma_start3A_104 = arith.constant 0 : i32
      %dma_start3A_105 = tpu.memref_slice %arg5[%run_scoped3A_14, %dma_start3A_104] : memref<13x128xi32, #tpu.memory_space<vmem>> -> memref<1x128xi32, #tpu.memory_space<vmem>>
      %dma_start3A_106 = tpu.memref_squeeze %dma_start3A_105 : memref<1x128xi32, #tpu.memory_space<vmem>> -> memref<128xi32, #tpu.memory_space<vmem>>
      %dma_start3A_107 = tpu.memref_slice %arg2[%add3A_13] : memref<53248xi32, #tpu.memory_space<hbm>> -> memref<128xi32, #tpu.memory_space<hbm>>
      tpu.enqueue_dma source(%dma_start3A_107 : memref<128xi32, #tpu.memory_space<hbm>>) target(%dma_start3A_106 : memref<128xi32, #tpu.memory_space<vmem>>) target_semaphore(%run_scoped3A_100 : memref<!tpu.dma_semaphore, #tpu.memory_space<semaphore_mem>>)
      %dma_wait3A = arith.constant 0 : i32
      %dma_wait3A_108 = tpu.memref_slice %arg5[%run_scoped3A_14, %dma_wait3A] : memref<13x128xi32, #tpu.memory_space<vmem>> -> memref<1x128xi32, #tpu.memory_space<vmem>>
      %dma_wait3A_109 = tpu.memref_squeeze %dma_wait3A_108 : memref<1x128xi32, #tpu.memory_space<vmem>> -> memref<128xi32, #tpu.memory_space<vmem>>
      %dma_wait3A_110 = tpu.memref_slice %arg2[%add3A_13] : memref<53248xi32, #tpu.memory_space<hbm>> -> memref<128xi32, #tpu.memory_space<hbm>>
      %dma_wait3A_111 = arith.constant 0 : i32
      %dma_wait3A_112 = tpu.memref_slice %arg5[%run_scoped3A_14, %dma_wait3A_111] : memref<13x128xi32, #tpu.memory_space<vmem>> -> memref<1x128xi32, #tpu.memory_space<vmem>>
      %dma_wait3A_113 = tpu.memref_squeeze %dma_wait3A_112 : memref<1x128xi32, #tpu.memory_space<vmem>> -> memref<128xi32, #tpu.memory_space<vmem>>
      %dma_wait3A_114 = tpu.memref_slice %arg2[%add3A_13] : memref<53248xi32, #tpu.memory_space<hbm>> -> memref<128xi32, #tpu.memory_space<hbm>>
      tpu.wait_dma2 semaphore(%run_scoped3A_100 : memref<!tpu.dma_semaphore, #tpu.memory_space<semaphore_mem>>) src(%dma_wait3A_114 : memref<128xi32, #tpu.memory_space<hbm>>) dst(%dma_wait3A_113 : memref<128xi32, #tpu.memory_space<vmem>>)
      tpu.yield
    }) : () -> ()
    %mul3A_15 = arith.constant 128 : i32
    %mul3A_16 = arith.muli %add3A, %mul3A_15 : i32
    %add3A_17 = arith.constant 12288 : i32
    %add3A_18 = arith.addi %add3A_17, %mul3A_16 : i32
    %run_scoped3A_19 = arith.constant 3 : i32
    "tpu.region"() ({
      %run_scoped3A_100 = tpu.sem_alloc : memref<!tpu.dma_semaphore, #tpu.memory_space<semaphore_mem>>
      %dma_start3A = arith.constant 0 : i32
      %dma_start3A_101 = tpu.memref_slice %arg5[%run_scoped3A_19, %dma_start3A] : memref<13x128xi32, #tpu.memory_space<vmem>> -> memref<1x128xi32, #tpu.memory_space<vmem>>
      %dma_start3A_102 = tpu.memref_squeeze %dma_start3A_101 : memref<1x128xi32, #tpu.memory_space<vmem>> -> memref<128xi32, #tpu.memory_space<vmem>>
      %dma_start3A_103 = tpu.memref_slice %arg2[%add3A_18] : memref<53248xi32, #tpu.memory_space<hbm>> -> memref<128xi32, #tpu.memory_space<hbm>>
      %dma_start3A_104 = arith.constant 0 : i32
      %dma_start3A_105 = tpu.memref_slice %arg5[%run_scoped3A_19, %dma_start3A_104] : memref<13x128xi32, #tpu.memory_space<vmem>> -> memref<1x128xi32, #tpu.memory_space<vmem>>
      %dma_start3A_106 = tpu.memref_squeeze %dma_start3A_105 : memref<1x128xi32, #tpu.memory_space<vmem>> -> memref<128xi32, #tpu.memory_space<vmem>>
      %dma_start3A_107 = tpu.memref_slice %arg2[%add3A_18] : memref<53248xi32, #tpu.memory_space<hbm>> -> memref<128xi32, #tpu.memory_space<hbm>>
      tpu.enqueue_dma source(%dma_start3A_107 : memref<128xi32, #tpu.memory_space<hbm>>) target(%dma_start3A_106 : memref<128xi32, #tpu.memory_space<vmem>>) target_semaphore(%run_scoped3A_100 : memref<!tpu.dma_semaphore, #tpu.memory_space<semaphore_mem>>)
      %dma_wait3A = arith.constant 0 : i32
      %dma_wait3A_108 = tpu.memref_slice %arg5[%run_scoped3A_19, %dma_wait3A] : memref<13x128xi32, #tpu.memory_space<vmem>> -> memref<1x128xi32, #tpu.memory_space<vmem>>
      %dma_wait3A_109 = tpu.memref_squeeze %dma_wait3A_108 : memref<1x128xi32, #tpu.memory_space<vmem>> -> memref<128xi32, #tpu.memory_space<vmem>>
      %dma_wait3A_110 = tpu.memref_slice %arg2[%add3A_18] : memref<53248xi32, #tpu.memory_space<hbm>> -> memref<128xi32, #tpu.memory_space<hbm>>
      %dma_wait3A_111 = arith.constant 0 : i32
      %dma_wait3A_112 = tpu.memref_slice %arg5[%run_scoped3A_19, %dma_wait3A_111] : memref<13x128xi32, #tpu.memory_space<vmem>> -> memref<1x128xi32, #tpu.memory_space<vmem>>
      %dma_wait3A_113 = tpu.memref_squeeze %dma_wait3A_112 : memref<1x128xi32, #tpu.memory_space<vmem>> -> memref<128xi32, #tpu.memory_space<vmem>>
      %dma_wait3A_114 = tpu.memref_slice %arg2[%add3A_18] : memref<53248xi32, #tpu.memory_space<hbm>> -> memref<128xi32, #tpu.memory_space<hbm>>
      tpu.wait_dma2 semaphore(%run_scoped3A_100 : memref<!tpu.dma_semaphore, #tpu.memory_space<semaphore_mem>>) src(%dma_wait3A_114 : memref<128xi32, #tpu.memory_space<hbm>>) dst(%dma_wait3A_113 : memref<128xi32, #tpu.memory_space<vmem>>)
      tpu.yield
    }) : () -> ()
    %mul3A_20 = arith.constant 128 : i32
    %mul3A_21 = arith.muli %add3A, %mul3A_20 : i32
    %add3A_22 = arith.constant 16384 : i32
    %add3A_23 = arith.addi %add3A_22, %mul3A_21 : i32
    %run_scoped3A_24 = arith.constant 4 : i32
    "tpu.region"() ({
      %run_scoped3A_100 = tpu.sem_alloc : memref<!tpu.dma_semaphore, #tpu.memory_space<semaphore_mem>>
      %dma_start3A = arith.constant 0 : i32
      %dma_start3A_101 = tpu.memref_slice %arg5[%run_scoped3A_24, %dma_start3A] : memref<13x128xi32, #tpu.memory_space<vmem>> -> memref<1x128xi32, #tpu.memory_space<vmem>>
      %dma_start3A_102 = tpu.memref_squeeze %dma_start3A_101 : memref<1x128xi32, #tpu.memory_space<vmem>> -> memref<128xi32, #tpu.memory_space<vmem>>
      %dma_start3A_103 = tpu.memref_slice %arg2[%add3A_23] : memref<53248xi32, #tpu.memory_space<hbm>> -> memref<128xi32, #tpu.memory_space<hbm>>
      %dma_start3A_104 = arith.constant 0 : i32
      %dma_start3A_105 = tpu.memref_slice %arg5[%run_scoped3A_24, %dma_start3A_104] : memref<13x128xi32, #tpu.memory_space<vmem>> -> memref<1x128xi32, #tpu.memory_space<vmem>>
      %dma_start3A_106 = tpu.memref_squeeze %dma_start3A_105 : memref<1x128xi32, #tpu.memory_space<vmem>> -> memref<128xi32, #tpu.memory_space<vmem>>
      %dma_start3A_107 = tpu.memref_slice %arg2[%add3A_23] : memref<53248xi32, #tpu.memory_space<hbm>> -> memref<128xi32, #tpu.memory_space<hbm>>
      tpu.enqueue_dma source(%dma_start3A_107 : memref<128xi32, #tpu.memory_space<hbm>>) target(%dma_start3A_106 : memref<128xi32, #tpu.memory_space<vmem>>) target_semaphore(%run_scoped3A_100 : memref<!tpu.dma_semaphore, #tpu.memory_space<semaphore_mem>>)
      %dma_wait3A = arith.constant 0 : i32
      %dma_wait3A_108 = tpu.memref_slice %arg5[%run_scoped3A_24, %dma_wait3A] : memref<13x128xi32, #tpu.memory_space<vmem>> -> memref<1x128xi32, #tpu.memory_space<vmem>>
      %dma_wait3A_109 = tpu.memref_squeeze %dma_wait3A_108 : memref<1x128xi32, #tpu.memory_space<vmem>> -> memref<128xi32, #tpu.memory_space<vmem>>
      %dma_wait3A_110 = tpu.memref_slice %arg2[%add3A_23] : memref<53248xi32, #tpu.memory_space<hbm>> -> memref<128xi32, #tpu.memory_space<hbm>>
      %dma_wait3A_111 = arith.constant 0 : i32
      %dma_wait3A_112 = tpu.memref_slice %arg5[%run_scoped3A_24, %dma_wait3A_111] : memref<13x128xi32, #tpu.memory_space<vmem>> -> memref<1x128xi32, #tpu.memory_space<vmem>>
      %dma_wait3A_113 = tpu.memref_squeeze %dma_wait3A_112 : memref<1x128xi32, #tpu.memory_space<vmem>> -> memref<128xi32, #tpu.memory_space<vmem>>
      %dma_wait3A_114 = tpu.memref_slice %arg2[%add3A_23] : memref<53248xi32, #tpu.memory_space<hbm>> -> memref<128xi32, #tpu.memory_space<hbm>>
      tpu.wait_dma2 semaphore(%run_scoped3A_100 : memref<!tpu.dma_semaphore, #tpu.memory_space<semaphore_mem>>) src(%dma_wait3A_114 : memref<128xi32, #tpu.memory_space<hbm>>) dst(%dma_wait3A_113 : memref<128xi32, #tpu.memory_space<vmem>>)
      tpu.yield
    }) : () -> ()
    %mul3A_25 = arith.constant 128 : i32
    %mul3A_26 = arith.muli %add3A, %mul3A_25 : i32
    %add3A_27 = arith.constant 20480 : i32
    %add3A_28 = arith.addi %add3A_27, %mul3A_26 : i32
    %run_scoped3A_29 = arith.constant 5 : i32
    "tpu.region"() ({
      %run_scoped3A_100 = tpu.sem_alloc : memref<!tpu.dma_semaphore, #tpu.memory_space<semaphore_mem>>
      %dma_start3A = arith.constant 0 : i32
      %dma_start3A_101 = tpu.memref_slice %arg5[%run_scoped3A_29, %dma_start3A] : memref<13x128xi32, #tpu.memory_space<vmem>> -> memref<1x128xi32, #tpu.memory_space<vmem>>
      %dma_start3A_102 = tpu.memref_squeeze %dma_start3A_101 : memref<1x128xi32, #tpu.memory_space<vmem>> -> memref<128xi32, #tpu.memory_space<vmem>>
      %dma_start3A_103 = tpu.memref_slice %arg2[%add3A_28] : memref<53248xi32, #tpu.memory_space<hbm>> -> memref<128xi32, #tpu.memory_space<hbm>>
      %dma_start3A_104 = arith.constant 0 : i32
      %dma_start3A_105 = tpu.memref_slice %arg5[%run_scoped3A_29, %dma_start3A_104] : memref<13x128xi32, #tpu.memory_space<vmem>> -> memref<1x128xi32, #tpu.memory_space<vmem>>
      %dma_start3A_106 = tpu.memref_squeeze %dma_start3A_105 : memref<1x128xi32, #tpu.memory_space<vmem>> -> memref<128xi32, #tpu.memory_space<vmem>>
      %dma_start3A_107 = tpu.memref_slice %arg2[%add3A_28] : memref<53248xi32, #tpu.memory_space<hbm>> -> memref<128xi32, #tpu.memory_space<hbm>>
      tpu.enqueue_dma source(%dma_start3A_107 : memref<128xi32, #tpu.memory_space<hbm>>) target(%dma_start3A_106 : memref<128xi32, #tpu.memory_space<vmem>>) target_semaphore(%run_scoped3A_100 : memref<!tpu.dma_semaphore, #tpu.memory_space<semaphore_mem>>)
      %dma_wait3A = arith.constant 0 : i32
      %dma_wait3A_108 = tpu.memref_slice %arg5[%run_scoped3A_29, %dma_wait3A] : memref<13x128xi32, #tpu.memory_space<vmem>> -> memref<1x128xi32, #tpu.memory_space<vmem>>
      %dma_wait3A_109 = tpu.memref_squeeze %dma_wait3A_108 : memref<1x128xi32, #tpu.memory_space<vmem>> -> memref<128xi32, #tpu.memory_space<vmem>>
      %dma_wait3A_110 = tpu.memref_slice %arg2[%add3A_28] : memref<53248xi32, #tpu.memory_space<hbm>> -> memref<128xi32, #tpu.memory_space<hbm>>
      %dma_wait3A_111 = arith.constant 0 : i32
      %dma_wait3A_112 = tpu.memref_slice %arg5[%run_scoped3A_29, %dma_wait3A_111] : memref<13x128xi32, #tpu.memory_space<vmem>> -> memref<1x128xi32, #tpu.memory_space<vmem>>
      %dma_wait3A_113 = tpu.memref_squeeze %dma_wait3A_112 : memref<1x128xi32, #tpu.memory_space<vmem>> -> memref<128xi32, #tpu.memory_space<vmem>>
      %dma_wait3A_114 = tpu.memref_slice %arg2[%add3A_28] : memref<53248xi32, #tpu.memory_space<hbm>> -> memref<128xi32, #tpu.memory_space<hbm>>
      tpu.wait_dma2 semaphore(%run_scoped3A_100 : memref<!tpu.dma_semaphore, #tpu.memory_space<semaphore_mem>>) src(%dma_wait3A_114 : memref<128xi32, #tpu.memory_space<hbm>>) dst(%dma_wait3A_113 : memref<128xi32, #tpu.memory_space<vmem>>)
      tpu.yield
    }) : () -> ()
    %mul3A_30 = arith.constant 128 : i32
    %mul3A_31 = arith.muli %add3A, %mul3A_30 : i32
    %add3A_32 = arith.constant 24576 : i32
    %add3A_33 = arith.addi %add3A_32, %mul3A_31 : i32
    %run_scoped3A_34 = arith.constant 6 : i32
    "tpu.region"() ({
      %run_scoped3A_100 = tpu.sem_alloc : memref<!tpu.dma_semaphore, #tpu.memory_space<semaphore_mem>>
      %dma_start3A = arith.constant 0 : i32
      %dma_start3A_101 = tpu.memref_slice %arg5[%run_scoped3A_34, %dma_start3A] : memref<13x128xi32, #tpu.memory_space<vmem>> -> memref<1x128xi32, #tpu.memory_space<vmem>>
      %dma_start3A_102 = tpu.memref_squeeze %dma_start3A_101 : memref<1x128xi32, #tpu.memory_space<vmem>> -> memref<128xi32, #tpu.memory_space<vmem>>
      %dma_start3A_103 = tpu.memref_slice %arg2[%add3A_33] : memref<53248xi32, #tpu.memory_space<hbm>> -> memref<128xi32, #tpu.memory_space<hbm>>
      %dma_start3A_104 = arith.constant 0 : i32
      %dma_start3A_105 = tpu.memref_slice %arg5[%run_scoped3A_34, %dma_start3A_104] : memref<13x128xi32, #tpu.memory_space<vmem>> -> memref<1x128xi32, #tpu.memory_space<vmem>>
      %dma_start3A_106 = tpu.memref_squeeze %dma_start3A_105 : memref<1x128xi32, #tpu.memory_space<vmem>> -> memref<128xi32, #tpu.memory_space<vmem>>
      %dma_start3A_107 = tpu.memref_slice %arg2[%add3A_33] : memref<53248xi32, #tpu.memory_space<hbm>> -> memref<128xi32, #tpu.memory_space<hbm>>
      tpu.enqueue_dma source(%dma_start3A_107 : memref<128xi32, #tpu.memory_space<hbm>>) target(%dma_start3A_106 : memref<128xi32, #tpu.memory_space<vmem>>) target_semaphore(%run_scoped3A_100 : memref<!tpu.dma_semaphore, #tpu.memory_space<semaphore_mem>>)
      %dma_wait3A = arith.constant 0 : i32
      %dma_wait3A_108 = tpu.memref_slice %arg5[%run_scoped3A_34, %dma_wait3A] : memref<13x128xi32, #tpu.memory_space<vmem>> -> memref<1x128xi32, #tpu.memory_space<vmem>>
      %dma_wait3A_109 = tpu.memref_squeeze %dma_wait3A_108 : memref<1x128xi32, #tpu.memory_space<vmem>> -> memref<128xi32, #tpu.memory_space<vmem>>
      %dma_wait3A_110 = tpu.memref_slice %arg2[%add3A_33] : memref<53248xi32, #tpu.memory_space<hbm>> -> memref<128xi32, #tpu.memory_space<hbm>>
      %dma_wait3A_111 = arith.constant 0 : i32
      %dma_wait3A_112 = tpu.memref_slice %arg5[%run_scoped3A_34, %dma_wait3A_111] : memref<13x128xi32, #tpu.memory_space<vmem>> -> memref<1x128xi32, #tpu.memory_space<vmem>>
      %dma_wait3A_113 = tpu.memref_squeeze %dma_wait3A_112 : memref<1x128xi32, #tpu.memory_space<vmem>> -> memref<128xi32, #tpu.memory_space<vmem>>
      %dma_wait3A_114 = tpu.memref_slice %arg2[%add3A_33] : memref<53248xi32, #tpu.memory_space<hbm>> -> memref<128xi32, #tpu.memory_space<hbm>>
      tpu.wait_dma2 semaphore(%run_scoped3A_100 : memref<!tpu.dma_semaphore, #tpu.memory_space<semaphore_mem>>) src(%dma_wait3A_114 : memref<128xi32, #tpu.memory_space<hbm>>) dst(%dma_wait3A_113 : memref<128xi32, #tpu.memory_space<vmem>>)
      tpu.yield
    }) : () -> ()
    %mul3A_35 = arith.constant 128 : i32
    %mul3A_36 = arith.muli %add3A, %mul3A_35 : i32
    %add3A_37 = arith.constant 28672 : i32
    %add3A_38 = arith.addi %add3A_37, %mul3A_36 : i32
    %run_scoped3A_39 = arith.constant 7 : i32
    "tpu.region"() ({
      %run_scoped3A_100 = tpu.sem_alloc : memref<!tpu.dma_semaphore, #tpu.memory_space<semaphore_mem>>
      %dma_start3A = arith.constant 0 : i32
      %dma_start3A_101 = tpu.memref_slice %arg5[%run_scoped3A_39, %dma_start3A] : memref<13x128xi32, #tpu.memory_space<vmem>> -> memref<1x128xi32, #tpu.memory_space<vmem>>
      %dma_start3A_102 = tpu.memref_squeeze %dma_start3A_101 : memref<1x128xi32, #tpu.memory_space<vmem>> -> memref<128xi32, #tpu.memory_space<vmem>>
      %dma_start3A_103 = tpu.memref_slice %arg2[%add3A_38] : memref<53248xi32, #tpu.memory_space<hbm>> -> memref<128xi32, #tpu.memory_space<hbm>>
      %dma_start3A_104 = arith.constant 0 : i32
      %dma_start3A_105 = tpu.memref_slice %arg5[%run_scoped3A_39, %dma_start3A_104] : memref<13x128xi32, #tpu.memory_space<vmem>> -> memref<1x128xi32, #tpu.memory_space<vmem>>
      %dma_start3A_106 = tpu.memref_squeeze %dma_start3A_105 : memref<1x128xi32, #tpu.memory_space<vmem>> -> memref<128xi32, #tpu.memory_space<vmem>>
      %dma_start3A_107 = tpu.memref_slice %arg2[%add3A_38] : memref<53248xi32, #tpu.memory_space<hbm>> -> memref<128xi32, #tpu.memory_space<hbm>>
      tpu.enqueue_dma source(%dma_start3A_107 : memref<128xi32, #tpu.memory_space<hbm>>) target(%dma_start3A_106 : memref<128xi32, #tpu.memory_space<vmem>>) target_semaphore(%run_scoped3A_100 : memref<!tpu.dma_semaphore, #tpu.memory_space<semaphore_mem>>)
      %dma_wait3A = arith.constant 0 : i32
      %dma_wait3A_108 = tpu.memref_slice %arg5[%run_scoped3A_39, %dma_wait3A] : memref<13x128xi32, #tpu.memory_space<vmem>> -> memref<1x128xi32, #tpu.memory_space<vmem>>
      %dma_wait3A_109 = tpu.memref_squeeze %dma_wait3A_108 : memref<1x128xi32, #tpu.memory_space<vmem>> -> memref<128xi32, #tpu.memory_space<vmem>>
      %dma_wait3A_110 = tpu.memref_slice %arg2[%add3A_38] : memref<53248xi32, #tpu.memory_space<hbm>> -> memref<128xi32, #tpu.memory_space<hbm>>
      %dma_wait3A_111 = arith.constant 0 : i32
      %dma_wait3A_112 = tpu.memref_slice %arg5[%run_scoped3A_39, %dma_wait3A_111] : memref<13x128xi32, #tpu.memory_space<vmem>> -> memref<1x128xi32, #tpu.memory_space<vmem>>
      %dma_wait3A_113 = tpu.memref_squeeze %dma_wait3A_112 : memref<1x128xi32, #tpu.memory_space<vmem>> -> memref<128xi32, #tpu.memory_space<vmem>>
      %dma_wait3A_114 = tpu.memref_slice %arg2[%add3A_38] : memref<53248xi32, #tpu.memory_space<hbm>> -> memref<128xi32, #tpu.memory_space<hbm>>
      tpu.wait_dma2 semaphore(%run_scoped3A_100 : memref<!tpu.dma_semaphore, #tpu.memory_space<semaphore_mem>>) src(%dma_wait3A_114 : memref<128xi32, #tpu.memory_space<hbm>>) dst(%dma_wait3A_113 : memref<128xi32, #tpu.memory_space<vmem>>)
      tpu.yield
    }) : () -> ()
    %mul3A_40 = arith.constant 128 : i32
    %mul3A_41 = arith.muli %add3A, %mul3A_40 : i32
    %add3A_42 = arith.constant 32768 : i32
    %add3A_43 = arith.addi %add3A_42, %mul3A_41 : i32
    %run_scoped3A_44 = arith.constant 8 : i32
    "tpu.region"() ({
      %run_scoped3A_100 = tpu.sem_alloc : memref<!tpu.dma_semaphore, #tpu.memory_space<semaphore_mem>>
      %dma_start3A = arith.constant 0 : i32
      %dma_start3A_101 = tpu.memref_slice %arg5[%run_scoped3A_44, %dma_start3A] : memref<13x128xi32, #tpu.memory_space<vmem>> -> memref<1x128xi32, #tpu.memory_space<vmem>>
      %dma_start3A_102 = tpu.memref_squeeze %dma_start3A_101 : memref<1x128xi32, #tpu.memory_space<vmem>> -> memref<128xi32, #tpu.memory_space<vmem>>
      %dma_start3A_103 = tpu.memref_slice %arg2[%add3A_43] : memref<53248xi32, #tpu.memory_space<hbm>> -> memref<128xi32, #tpu.memory_space<hbm>>
      %dma_start3A_104 = arith.constant 0 : i32
      %dma_start3A_105 = tpu.memref_slice %arg5[%run_scoped3A_44, %dma_start3A_104] : memref<13x128xi32, #tpu.memory_space<vmem>> -> memref<1x128xi32, #tpu.memory_space<vmem>>
      %dma_start3A_106 = tpu.memref_squeeze %dma_start3A_105 : memref<1x128xi32, #tpu.memory_space<vmem>> -> memref<128xi32, #tpu.memory_space<vmem>>
      %dma_start3A_107 = tpu.memref_slice %arg2[%add3A_43] : memref<53248xi32, #tpu.memory_space<hbm>> -> memref<128xi32, #tpu.memory_space<hbm>>
      tpu.enqueue_dma source(%dma_start3A_107 : memref<128xi32, #tpu.memory_space<hbm>>) target(%dma_start3A_106 : memref<128xi32, #tpu.memory_space<vmem>>) target_semaphore(%run_scoped3A_100 : memref<!tpu.dma_semaphore, #tpu.memory_space<semaphore_mem>>)
      %dma_wait3A = arith.constant 0 : i32
      %dma_wait3A_108 = tpu.memref_slice %arg5[%run_scoped3A_44, %dma_wait3A] : memref<13x128xi32, #tpu.memory_space<vmem>> -> memref<1x128xi32, #tpu.memory_space<vmem>>
      %dma_wait3A_109 = tpu.memref_squeeze %dma_wait3A_108 : memref<1x128xi32, #tpu.memory_space<vmem>> -> memref<128xi32, #tpu.memory_space<vmem>>
      %dma_wait3A_110 = tpu.memref_slice %arg2[%add3A_43] : memref<53248xi32, #tpu.memory_space<hbm>> -> memref<128xi32, #tpu.memory_space<hbm>>
      %dma_wait3A_111 = arith.constant 0 : i32
      %dma_wait3A_112 = tpu.memref_slice %arg5[%run_scoped3A_44, %dma_wait3A_111] : memref<13x128xi32, #tpu.memory_space<vmem>> -> memref<1x128xi32, #tpu.memory_space<vmem>>
      %dma_wait3A_113 = tpu.memref_squeeze %dma_wait3A_112 : memref<1x128xi32, #tpu.memory_space<vmem>> -> memref<128xi32, #tpu.memory_space<vmem>>
      %dma_wait3A_114 = tpu.memref_slice %arg2[%add3A_43] : memref<53248xi32, #tpu.memory_space<hbm>> -> memref<128xi32, #tpu.memory_space<hbm>>
      tpu.wait_dma2 semaphore(%run_scoped3A_100 : memref<!tpu.dma_semaphore, #tpu.memory_space<semaphore_mem>>) src(%dma_wait3A_114 : memref<128xi32, #tpu.memory_space<hbm>>) dst(%dma_wait3A_113 : memref<128xi32, #tpu.memory_space<vmem>>)
      tpu.yield
    }) : () -> ()
    %mul3A_45 = arith.constant 128 : i32
    %mul3A_46 = arith.muli %add3A, %mul3A_45 : i32
    %add3A_47 = arith.constant 36864 : i32
    %add3A_48 = arith.addi %add3A_47, %mul3A_46 : i32
    %run_scoped3A_49 = arith.constant 9 : i32
    "tpu.region"() ({
      %run_scoped3A_100 = tpu.sem_alloc : memref<!tpu.dma_semaphore, #tpu.memory_space<semaphore_mem>>
      %dma_start3A = arith.constant 0 : i32
      %dma_start3A_101 = tpu.memref_slice %arg5[%run_scoped3A_49, %dma_start3A] : memref<13x128xi32, #tpu.memory_space<vmem>> -> memref<1x128xi32, #tpu.memory_space<vmem>>
      %dma_start3A_102 = tpu.memref_squeeze %dma_start3A_101 : memref<1x128xi32, #tpu.memory_space<vmem>> -> memref<128xi32, #tpu.memory_space<vmem>>
      %dma_start3A_103 = tpu.memref_slice %arg2[%add3A_48] : memref<53248xi32, #tpu.memory_space<hbm>> -> memref<128xi32, #tpu.memory_space<hbm>>
      %dma_start3A_104 = arith.constant 0 : i32
      %dma_start3A_105 = tpu.memref_slice %arg5[%run_scoped3A_49, %dma_start3A_104] : memref<13x128xi32, #tpu.memory_space<vmem>> -> memref<1x128xi32, #tpu.memory_space<vmem>>
      %dma_start3A_106 = tpu.memref_squeeze %dma_start3A_105 : memref<1x128xi32, #tpu.memory_space<vmem>> -> memref<128xi32, #tpu.memory_space<vmem>>
      %dma_start3A_107 = tpu.memref_slice %arg2[%add3A_48] : memref<53248xi32, #tpu.memory_space<hbm>> -> memref<128xi32, #tpu.memory_space<hbm>>
      tpu.enqueue_dma source(%dma_start3A_107 : memref<128xi32, #tpu.memory_space<hbm>>) target(%dma_start3A_106 : memref<128xi32, #tpu.memory_space<vmem>>) target_semaphore(%run_scoped3A_100 : memref<!tpu.dma_semaphore, #tpu.memory_space<semaphore_mem>>)
      %dma_wait3A = arith.constant 0 : i32
      %dma_wait3A_108 = tpu.memref_slice %arg5[%run_scoped3A_49, %dma_wait3A] : memref<13x128xi32, #tpu.memory_space<vmem>> -> memref<1x128xi32, #tpu.memory_space<vmem>>
      %dma_wait3A_109 = tpu.memref_squeeze %dma_wait3A_108 : memref<1x128xi32, #tpu.memory_space<vmem>> -> memref<128xi32, #tpu.memory_space<vmem>>
      %dma_wait3A_110 = tpu.memref_slice %arg2[%add3A_48] : memref<53248xi32, #tpu.memory_space<hbm>> -> memref<128xi32, #tpu.memory_space<hbm>>
      %dma_wait3A_111 = arith.constant 0 : i32
      %dma_wait3A_112 = tpu.memref_slice %arg5[%run_scoped3A_49, %dma_wait3A_111] : memref<13x128xi32, #tpu.memory_space<vmem>> -> memref<1x128xi32, #tpu.memory_space<vmem>>
      %dma_wait3A_113 = tpu.memref_squeeze %dma_wait3A_112 : memref<1x128xi32, #tpu.memory_space<vmem>> -> memref<128xi32, #tpu.memory_space<vmem>>
      %dma_wait3A_114 = tpu.memref_slice %arg2[%add3A_48] : memref<53248xi32, #tpu.memory_space<hbm>> -> memref<128xi32, #tpu.memory_space<hbm>>
      tpu.wait_dma2 semaphore(%run_scoped3A_100 : memref<!tpu.dma_semaphore, #tpu.memory_space<semaphore_mem>>) src(%dma_wait3A_114 : memref<128xi32, #tpu.memory_space<hbm>>) dst(%dma_wait3A_113 : memref<128xi32, #tpu.memory_space<vmem>>)
      tpu.yield
    }) : () -> ()
    %mul3A_50 = arith.constant 128 : i32
    %mul3A_51 = arith.muli %add3A, %mul3A_50 : i32
    %add3A_52 = arith.constant 40960 : i32
    %add3A_53 = arith.addi %add3A_52, %mul3A_51 : i32
    %run_scoped3A_54 = arith.constant 10 : i32
    "tpu.region"() ({
      %run_scoped3A_100 = tpu.sem_alloc : memref<!tpu.dma_semaphore, #tpu.memory_space<semaphore_mem>>
      %dma_start3A = arith.constant 0 : i32
      %dma_start3A_101 = tpu.memref_slice %arg5[%run_scoped3A_54, %dma_start3A] : memref<13x128xi32, #tpu.memory_space<vmem>> -> memref<1x128xi32, #tpu.memory_space<vmem>>
      %dma_start3A_102 = tpu.memref_squeeze %dma_start3A_101 : memref<1x128xi32, #tpu.memory_space<vmem>> -> memref<128xi32, #tpu.memory_space<vmem>>
      %dma_start3A_103 = tpu.memref_slice %arg2[%add3A_53] : memref<53248xi32, #tpu.memory_space<hbm>> -> memref<128xi32, #tpu.memory_space<hbm>>
      %dma_start3A_104 = arith.constant 0 : i32
      %dma_start3A_105 = tpu.memref_slice %arg5[%run_scoped3A_54, %dma_start3A_104] : memref<13x128xi32, #tpu.memory_space<vmem>> -> memref<1x128xi32, #tpu.memory_space<vmem>>
      %dma_start3A_106 = tpu.memref_squeeze %dma_start3A_105 : memref<1x128xi32, #tpu.memory_space<vmem>> -> memref<128xi32, #tpu.memory_space<vmem>>
      %dma_start3A_107 = tpu.memref_slice %arg2[%add3A_53] : memref<53248xi32, #tpu.memory_space<hbm>> -> memref<128xi32, #tpu.memory_space<hbm>>
      tpu.enqueue_dma source(%dma_start3A_107 : memref<128xi32, #tpu.memory_space<hbm>>) target(%dma_start3A_106 : memref<128xi32, #tpu.memory_space<vmem>>) target_semaphore(%run_scoped3A_100 : memref<!tpu.dma_semaphore, #tpu.memory_space<semaphore_mem>>)
      %dma_wait3A = arith.constant 0 : i32
      %dma_wait3A_108 = tpu.memref_slice %arg5[%run_scoped3A_54, %dma_wait3A] : memref<13x128xi32, #tpu.memory_space<vmem>> -> memref<1x128xi32, #tpu.memory_space<vmem>>
      %dma_wait3A_109 = tpu.memref_squeeze %dma_wait3A_108 : memref<1x128xi32, #tpu.memory_space<vmem>> -> memref<128xi32, #tpu.memory_space<vmem>>
      %dma_wait3A_110 = tpu.memref_slice %arg2[%add3A_53] : memref<53248xi32, #tpu.memory_space<hbm>> -> memref<128xi32, #tpu.memory_space<hbm>>
      %dma_wait3A_111 = arith.constant 0 : i32
      %dma_wait3A_112 = tpu.memref_slice %arg5[%run_scoped3A_54, %dma_wait3A_111] : memref<13x128xi32, #tpu.memory_space<vmem>> -> memref<1x128xi32, #tpu.memory_space<vmem>>
      %dma_wait3A_113 = tpu.memref_squeeze %dma_wait3A_112 : memref<1x128xi32, #tpu.memory_space<vmem>> -> memref<128xi32, #tpu.memory_space<vmem>>
      %dma_wait3A_114 = tpu.memref_slice %arg2[%add3A_53] : memref<53248xi32, #tpu.memory_space<hbm>> -> memref<128xi32, #tpu.memory_space<hbm>>
      tpu.wait_dma2 semaphore(%run_scoped3A_100 : memref<!tpu.dma_semaphore, #tpu.memory_space<semaphore_mem>>) src(%dma_wait3A_114 : memref<128xi32, #tpu.memory_space<hbm>>) dst(%dma_wait3A_113 : memref<128xi32, #tpu.memory_space<vmem>>)
      tpu.yield
    }) : () -> ()
    %mul3A_55 = arith.constant 128 : i32
    %mul3A_56 = arith.muli %add3A, %mul3A_55 : i32
    %add3A_57 = arith.constant 45056 : i32
    %add3A_58 = arith.addi %add3A_57, %mul3A_56 : i32
    %run_scoped3A_59 = arith.constant 11 : i32
    "tpu.region"() ({
      %run_scoped3A_100 = tpu.sem_alloc : memref<!tpu.dma_semaphore, #tpu.memory_space<semaphore_mem>>
      %dma_start3A = arith.constant 0 : i32
      %dma_start3A_101 = tpu.memref_slice %arg5[%run_scoped3A_59, %dma_start3A] : memref<13x128xi32, #tpu.memory_space<vmem>> -> memref<1x128xi32, #tpu.memory_space<vmem>>
      %dma_start3A_102 = tpu.memref_squeeze %dma_start3A_101 : memref<1x128xi32, #tpu.memory_space<vmem>> -> memref<128xi32, #tpu.memory_space<vmem>>
      %dma_start3A_103 = tpu.memref_slice %arg2[%add3A_58] : memref<53248xi32, #tpu.memory_space<hbm>> -> memref<128xi32, #tpu.memory_space<hbm>>
      %dma_start3A_104 = arith.constant 0 : i32
      %dma_start3A_105 = tpu.memref_slice %arg5[%run_scoped3A_59, %dma_start3A_104] : memref<13x128xi32, #tpu.memory_space<vmem>> -> memref<1x128xi32, #tpu.memory_space<vmem>>
      %dma_start3A_106 = tpu.memref_squeeze %dma_start3A_105 : memref<1x128xi32, #tpu.memory_space<vmem>> -> memref<128xi32, #tpu.memory_space<vmem>>
      %dma_start3A_107 = tpu.memref_slice %arg2[%add3A_58] : memref<53248xi32, #tpu.memory_space<hbm>> -> memref<128xi32, #tpu.memory_space<hbm>>
      tpu.enqueue_dma source(%dma_start3A_107 : memref<128xi32, #tpu.memory_space<hbm>>) target(%dma_start3A_106 : memref<128xi32, #tpu.memory_space<vmem>>) target_semaphore(%run_scoped3A_100 : memref<!tpu.dma_semaphore, #tpu.memory_space<semaphore_mem>>)
      %dma_wait3A = arith.constant 0 : i32
      %dma_wait3A_108 = tpu.memref_slice %arg5[%run_scoped3A_59, %dma_wait3A] : memref<13x128xi32, #tpu.memory_space<vmem>> -> memref<1x128xi32, #tpu.memory_space<vmem>>
      %dma_wait3A_109 = tpu.memref_squeeze %dma_wait3A_108 : memref<1x128xi32, #tpu.memory_space<vmem>> -> memref<128xi32, #tpu.memory_space<vmem>>
      %dma_wait3A_110 = tpu.memref_slice %arg2[%add3A_58] : memref<53248xi32, #tpu.memory_space<hbm>> -> memref<128xi32, #tpu.memory_space<hbm>>
      %dma_wait3A_111 = arith.constant 0 : i32
      %dma_wait3A_112 = tpu.memref_slice %arg5[%run_scoped3A_59, %dma_wait3A_111] : memref<13x128xi32, #tpu.memory_space<vmem>> -> memref<1x128xi32, #tpu.memory_space<vmem>>
      %dma_wait3A_113 = tpu.memref_squeeze %dma_wait3A_112 : memref<1x128xi32, #tpu.memory_space<vmem>> -> memref<128xi32, #tpu.memory_space<vmem>>
      %dma_wait3A_114 = tpu.memref_slice %arg2[%add3A_58] : memref<53248xi32, #tpu.memory_space<hbm>> -> memref<128xi32, #tpu.memory_space<hbm>>
      tpu.wait_dma2 semaphore(%run_scoped3A_100 : memref<!tpu.dma_semaphore, #tpu.memory_space<semaphore_mem>>) src(%dma_wait3A_114 : memref<128xi32, #tpu.memory_space<hbm>>) dst(%dma_wait3A_113 : memref<128xi32, #tpu.memory_space<vmem>>)
      tpu.yield
    }) : () -> ()
    %mul3A_60 = arith.constant 128 : i32
    %mul3A_61 = arith.muli %add3A, %mul3A_60 : i32
    %add3A_62 = arith.constant 49152 : i32
    %add3A_63 = arith.addi %add3A_62, %mul3A_61 : i32
    %run_scoped3A_64 = arith.constant 12 : i32
    "tpu.region"() ({
      %run_scoped3A_100 = tpu.sem_alloc : memref<!tpu.dma_semaphore, #tpu.memory_space<semaphore_mem>>
      %dma_start3A = arith.constant 0 : i32
      %dma_start3A_101 = tpu.memref_slice %arg5[%run_scoped3A_64, %dma_start3A] : memref<13x128xi32, #tpu.memory_space<vmem>> -> memref<1x128xi32, #tpu.memory_space<vmem>>
      %dma_start3A_102 = tpu.memref_squeeze %dma_start3A_101 : memref<1x128xi32, #tpu.memory_space<vmem>> -> memref<128xi32, #tpu.memory_space<vmem>>
      %dma_start3A_103 = tpu.memref_slice %arg2[%add3A_63] : memref<53248xi32, #tpu.memory_space<hbm>> -> memref<128xi32, #tpu.memory_space<hbm>>
      %dma_start3A_104 = arith.constant 0 : i32
      %dma_start3A_105 = tpu.memref_slice %arg5[%run_scoped3A_64, %dma_start3A_104] : memref<13x128xi32, #tpu.memory_space<vmem>> -> memref<1x128xi32, #tpu.memory_space<vmem>>
      %dma_start3A_106 = tpu.memref_squeeze %dma_start3A_105 : memref<1x128xi32, #tpu.memory_space<vmem>> -> memref<128xi32, #tpu.memory_space<vmem>>
      %dma_start3A_107 = tpu.memref_slice %arg2[%add3A_63] : memref<53248xi32, #tpu.memory_space<hbm>> -> memref<128xi32, #tpu.memory_space<hbm>>
      tpu.enqueue_dma source(%dma_start3A_107 : memref<128xi32, #tpu.memory_space<hbm>>) target(%dma_start3A_106 : memref<128xi32, #tpu.memory_space<vmem>>) target_semaphore(%run_scoped3A_100 : memref<!tpu.dma_semaphore, #tpu.memory_space<semaphore_mem>>)
      %dma_wait3A = arith.constant 0 : i32
      %dma_wait3A_108 = tpu.memref_slice %arg5[%run_scoped3A_64, %dma_wait3A] : memref<13x128xi32, #tpu.memory_space<vmem>> -> memref<1x128xi32, #tpu.memory_space<vmem>>
      %dma_wait3A_109 = tpu.memref_squeeze %dma_wait3A_108 : memref<1x128xi32, #tpu.memory_space<vmem>> -> memref<128xi32, #tpu.memory_space<vmem>>
      %dma_wait3A_110 = tpu.memref_slice %arg2[%add3A_63] : memref<53248xi32, #tpu.memory_space<hbm>> -> memref<128xi32, #tpu.memory_space<hbm>>
      %dma_wait3A_111 = arith.constant 0 : i32
      %dma_wait3A_112 = tpu.memref_slice %arg5[%run_scoped3A_64, %dma_wait3A_111] : memref<13x128xi32, #tpu.memory_space<vmem>> -> memref<1x128xi32, #tpu.memory_space<vmem>>
      %dma_wait3A_113 = tpu.memref_squeeze %dma_wait3A_112 : memref<1x128xi32, #tpu.memory_space<vmem>> -> memref<128xi32, #tpu.memory_space<vmem>>
      %dma_wait3A_114 = tpu.memref_slice %arg2[%add3A_63] : memref<53248xi32, #tpu.memory_space<hbm>> -> memref<128xi32, #tpu.memory_space<hbm>>
      tpu.wait_dma2 semaphore(%run_scoped3A_100 : memref<!tpu.dma_semaphore, #tpu.memory_space<semaphore_mem>>) src(%dma_wait3A_114 : memref<128xi32, #tpu.memory_space<hbm>>) dst(%dma_wait3A_113 : memref<128xi32, #tpu.memory_space<vmem>>)
      tpu.yield
    }) : () -> ()
    %scan3A = arith.constant 0 : i32
    %scan3A_65 = arith.constant 0 : i32
    %scan3A_66 = arith.constant 208 : i32
    %scan3A_67 = arith.addi %scan3A_65, %scan3A_66 : i32
    %scan3A_68 = arith.constant 1 : i32
    scf.for %scan3A_100 = %scan3A_65 to %scan3A_67 step %scan3A_68  : i32 {
      %add3A_101 = arith.constant 0 : i32
      %add3A_102 = arith.addi %add3A_101, %scan3A_100 : i32
      %shift_right_logical3A = arith.constant 5 : i32
      %shift_right_logical3A_103 = arith.shrui %add3A_102, %shift_right_logical3A : i32
      %mul3A_104 = arith.constant 102400 : i32
      %mul3A_105 = arith.muli %add3A_102, %mul3A_104 : i32
      %get3A = arith.index_cast %shift_right_logical3A_103 : i32 to index
      %get3A_106 = arith.constant 0 : index
      %get3A_107 = tpu.vector_load %arg5[%get3A, %get3A_106] {strides = array<i32>} : memref<13x128xi32, #tpu.memory_space<vmem>>, vector<1x16xi32>,
      %get3A_108 = vector.shape_cast %get3A_107 : vector<1x16xi32> to vector<16xi32>
      %add3A_109 = vector.broadcast %mul3A_105 : i32 to vector<16xi32>
      %add3A_110 = arith.addi %get3A_108, %add3A_109 : vector<16xi32>
      %swap3A = arith.index_cast %scan3A_100 : i32 to index
      %swap3A_111 = arith.constant 0 : index
      %swap3A_112 = tpu.vector_load %arg6[%swap3A, %swap3A_111] {strides = array<i32>} : memref<208x128xi32, #tpu.memory_space<vmem>>, vector<1x16xi32>,
      %swap3A_113 = vector.shape_cast %swap3A_112 : vector<1x16xi32> to vector<16xi32>
      %swap3A_114 = vector.shape_cast %add3A_110 : vector<16xi32> to vector<1x16xi32>
      tpu.vector_store %arg6[%swap3A, %swap3A_111], %swap3A_114 {strides = array<i32>} : memref<208x128xi32, #tpu.memory_space<vmem>>, vector<1x16xi32>,
      %get3A_115 = arith.index_cast %shift_right_logical3A_103 : i32 to index
      %get3A_116 = arith.constant 16 : index
      %get3A_117 = tpu.vector_load %arg5[%get3A_115, %get3A_116] {strides = array<i32>} : memref<13x128xi32, #tpu.memory_space<vmem>>, vector<1x16xi32>,
      %get3A_118 = vector.shape_cast %get3A_117 : vector<1x16xi32> to vector<16xi32>
      %add3A_119 = vector.broadcast %mul3A_105 : i32 to vector<16xi32>
      %add3A_120 = arith.addi %get3A_118, %add3A_119 : vector<16xi32>
      %swap3A_121 = arith.index_cast %scan3A_100 : i32 to index
      %swap3A_122 = arith.constant 16 : index
      %swap3A_123 = tpu.vector_load %arg6[%swap3A_121, %swap3A_122] {strides = array<i32>} : memref<208x128xi32, #tpu.memory_space<vmem>>, vector<1x16xi32>,
      %swap3A_124 = vector.shape_cast %swap3A_123 : vector<1x16xi32> to vector<16xi32>
      %swap3A_125 = vector.shape_cast %add3A_120 : vector<16xi32> to vector<1x16xi32>
      tpu.vector_store %arg6[%swap3A_121, %swap3A_122], %swap3A_125 {strides = array<i32>} : memref<208x128xi32, #tpu.memory_space<vmem>>, vector<1x16xi32>,
      %get3A_126 = arith.index_cast %shift_right_logical3A_103 : i32 to index
      %get3A_127 = arith.constant 32 : index
      %get3A_128 = tpu.vector_load %arg5[%get3A_126, %get3A_127] {strides = array<i32>} : memref<13x128xi32, #tpu.memory_space<vmem>>, vector<1x16xi32>,
      %get3A_129 = vector.shape_cast %get3A_128 : vector<1x16xi32> to vector<16xi32>
      %add3A_130 = vector.broadcast %mul3A_105 : i32 to vector<16xi32>
      %add3A_131 = arith.addi %get3A_129, %add3A_130 : vector<16xi32>
      %swap3A_132 = arith.index_cast %scan3A_100 : i32 to index
      %swap3A_133 = arith.constant 32 : index
      %swap3A_134 = tpu.vector_load %arg6[%swap3A_132, %swap3A_133] {strides = array<i32>} : memref<208x128xi32, #tpu.memory_space<vmem>>, vector<1x16xi32>,
      %swap3A_135 = vector.shape_cast %swap3A_134 : vector<1x16xi32> to vector<16xi32>
      %swap3A_136 = vector.shape_cast %add3A_131 : vector<16xi32> to vector<1x16xi32>
      tpu.vector_store %arg6[%swap3A_132, %swap3A_133], %swap3A_136 {strides = array<i32>} : memref<208x128xi32, #tpu.memory_space<vmem>>, vector<1x16xi32>,
      %get3A_137 = arith.index_cast %shift_right_logical3A_103 : i32 to index
      %get3A_138 = arith.constant 48 : index
      %get3A_139 = tpu.vector_load %arg5[%get3A_137, %get3A_138] {strides = array<i32>} : memref<13x128xi32, #tpu.memory_space<vmem>>, vector<1x16xi32>,
      %get3A_140 = vector.shape_cast %get3A_139 : vector<1x16xi32> to vector<16xi32>
      %add3A_141 = vector.broadcast %mul3A_105 : i32 to vector<16xi32>
      %add3A_142 = arith.addi %get3A_140, %add3A_141 : vector<16xi32>
      %swap3A_143 = arith.index_cast %scan3A_100 : i32 to index
      %swap3A_144 = arith.constant 48 : index
      %swap3A_145 = tpu.vector_load %arg6[%swap3A_143, %swap3A_144] {strides = array<i32>} : memref<208x128xi32, #tpu.memory_space<vmem>>, vector<1x16xi32>,
      %swap3A_146 = vector.shape_cast %swap3A_145 : vector<1x16xi32> to vector<16xi32>
      %swap3A_147 = vector.shape_cast %add3A_142 : vector<16xi32> to vector<1x16xi32>
      tpu.vector_store %arg6[%swap3A_143, %swap3A_144], %swap3A_147 {strides = array<i32>} : memref<208x128xi32, #tpu.memory_space<vmem>>, vector<1x16xi32>,
      %get3A_148 = arith.index_cast %shift_right_logical3A_103 : i32 to index
      %get3A_149 = arith.constant 64 : index
      %get3A_150 = tpu.vector_load %arg5[%get3A_148, %get3A_149] {strides = array<i32>} : memref<13x128xi32, #tpu.memory_space<vmem>>, vector<1x16xi32>,
      %get3A_151 = vector.shape_cast %get3A_150 : vector<1x16xi32> to vector<16xi32>
      %add3A_152 = vector.broadcast %mul3A_105 : i32 to vector<16xi32>
      %add3A_153 = arith.addi %get3A_151, %add3A_152 : vector<16xi32>
      %swap3A_154 = arith.index_cast %scan3A_100 : i32 to index
      %swap3A_155 = arith.constant 64 : index
      %swap3A_156 = tpu.vector_load %arg6[%swap3A_154, %swap3A_155] {strides = array<i32>} : memref<208x128xi32, #tpu.memory_space<vmem>>, vector<1x16xi32>,
      %swap3A_157 = vector.shape_cast %swap3A_156 : vector<1x16xi32> to vector<16xi32>
      %swap3A_158 = vector.shape_cast %add3A_153 : vector<16xi32> to vector<1x16xi32>
      tpu.vector_store %arg6[%swap3A_154, %swap3A_155], %swap3A_158 {strides = array<i32>} : memref<208x128xi32, #tpu.memory_space<vmem>>, vector<1x16xi32>,
      %get3A_159 = arith.index_cast %shift_right_logical3A_103 : i32 to index
      %get3A_160 = arith.constant 80 : index
      %get3A_161 = tpu.vector_load %arg5[%get3A_159, %get3A_160] {strides = array<i32>} : memref<13x128xi32, #tpu.memory_space<vmem>>, vector<1x16xi32>,
      %get3A_162 = vector.shape_cast %get3A_161 : vector<1x16xi32> to vector<16xi32>
      %add3A_163 = vector.broadcast %mul3A_105 : i32 to vector<16xi32>
      %add3A_164 = arith.addi %get3A_162, %add3A_163 : vector<16xi32>
      %swap3A_165 = arith.index_cast %scan3A_100 : i32 to index
      %swap3A_166 = arith.constant 80 : index
      %swap3A_167 = tpu.vector_load %arg6[%swap3A_165, %swap3A_166] {strides = array<i32>} : memref<208x128xi32, #tpu.memory_space<vmem>>, vector<1x16xi32>,
      %swap3A_168 = vector.shape_cast %swap3A_167 : vector<1x16xi32> to vector<16xi32>
      %swap3A_169 = vector.shape_cast %add3A_164 : vector<16xi32> to vector<1x16xi32>
      tpu.vector_store %arg6[%swap3A_165, %swap3A_166], %swap3A_169 {strides = array<i32>} : memref<208x128xi32, #tpu.memory_space<vmem>>, vector<1x16xi32>,
      %get3A_170 = arith.index_cast %shift_right_logical3A_103 : i32 to index
      %get3A_171 = arith.constant 96 : index
      %get3A_172 = tpu.vector_load %arg5[%get3A_170, %get3A_171] {strides = array<i32>} : memref<13x128xi32, #tpu.memory_space<vmem>>, vector<1x16xi32>,
      %get3A_173 = vector.shape_cast %get3A_172 : vector<1x16xi32> to vector<16xi32>
      %add3A_174 = vector.broadcast %mul3A_105 : i32 to vector<16xi32>
      %add3A_175 = arith.addi %get3A_173, %add3A_174 : vector<16xi32>
      %swap3A_176 = arith.index_cast %scan3A_100 : i32 to index
      %swap3A_177 = arith.constant 96 : index
      %swap3A_178 = tpu.vector_load %arg6[%swap3A_176, %swap3A_177] {strides = array<i32>} : memref<208x128xi32, #tpu.memory_space<vmem>>, vector<1x16xi32>,
      %swap3A_179 = vector.shape_cast %swap3A_178 : vector<1x16xi32> to vector<16xi32>
      %swap3A_180 = vector.shape_cast %add3A_175 : vector<16xi32> to vector<1x16xi32>
      tpu.vector_store %arg6[%swap3A_176, %swap3A_177], %swap3A_180 {strides = array<i32>} : memref<208x128xi32, #tpu.memory_space<vmem>>, vector<1x16xi32>,
      %get3A_181 = arith.index_cast %shift_right_logical3A_103 : i32 to index
      %get3A_182 = arith.constant 112 : index
      %get3A_183 = tpu.vector_load %arg5[%get3A_181, %get3A_182] {strides = array<i32>} : memref<13x128xi32, #tpu.memory_space<vmem>>, vector<1x16xi32>,
      %get3A_184 = vector.shape_cast %get3A_183 : vector<1x16xi32> to vector<16xi32>
      %add3A_185 = vector.broadcast %mul3A_105 : i32 to vector<16xi32>
      %add3A_186 = arith.addi %get3A_184, %add3A_185 : vector<16xi32>
      %swap3A_187 = arith.index_cast %scan3A_100 : i32 to index
      %swap3A_188 = arith.constant 112 : index
      %swap3A_189 = tpu.vector_load %arg6[%swap3A_187, %swap3A_188] {strides = array<i32>} : memref<208x128xi32, #tpu.memory_space<vmem>>, vector<1x16xi32>,
      %swap3A_190 = vector.shape_cast %swap3A_189 : vector<1x16xi32> to vector<16xi32>
      %swap3A_191 = vector.shape_cast %add3A_186 : vector<16xi32> to vector<1x16xi32>
      tpu.vector_store %arg6[%swap3A_187, %swap3A_188], %swap3A_191 {strides = array<i32>} : memref<208x128xi32, #tpu.memory_space<vmem>>, vector<1x16xi32>,
    }
    %scan3A_69 = arith.constant 208 : i32
    %scan3A_70 = arith.constant 0 : i32
    %scan3A_71 = arith.constant 0 : i32
    %scan3A_72 = arith.constant 208 : i32
    %scan3A_73 = arith.addi %scan3A_71, %scan3A_72 : i32
    %scan3A_74 = arith.constant 1 : i32
    scf.for %scan3A_100 = %scan3A_71 to %scan3A_73 step %scan3A_74  : i32 {
      %dma_start3A = arith.constant 0 : i32
      %dma_start3A_101 = tpu.memref_slice %arg7[%scan3A_100, %dma_start3A] : memref<208x128xi32, #tpu.memory_space<vmem>> -> memref<1x128xi32, #tpu.memory_space<vmem>>
      %dma_start3A_102 = tpu.memref_squeeze %dma_start3A_101 : memref<1x128xi32, #tpu.memory_space<vmem>> -> memref<128xi32, #tpu.memory_space<vmem>>
      %dma_start3A_103 = arith.constant 0 : i32
      %dma_start3A_104 = tpu.memref_slice %arg6[%scan3A_100, %dma_start3A_103] : memref<208x128xi32, #tpu.memory_space<vmem>> -> memref<1x128xi32, #tpu.memory_space<vmem>>
      %dma_start3A_105 = tpu.memref_squeeze %dma_start3A_104 : memref<1x128xi32, #tpu.memory_space<vmem>> -> memref<128xi32, #tpu.memory_space<vmem>>
      %dma_start3A_106 = arith.constant 0 : i32
      %dma_start3A_107 = tpu.memref_slice %arg3[%dma_start3A_106] : memref<42598400xi32, #tpu.memory_space<hbm>> -> memref<42598400xi32, #tpu.memory_space<hbm>>
      tpu.enqueue_indirect_dma source(%dma_start3A_107 : memref<42598400xi32, #tpu.memory_space<hbm>>) target(%dma_start3A_102 : memref<128xi32, #tpu.memory_space<vmem>>) offsets(%dma_start3A_105 : memref<128xi32, #tpu.memory_space<vmem>>) semaphore(%arg8 : memref<!tpu.dma_semaphore, #tpu.memory_space<semaphore_mem>>)
    }
    %scan3A_75 = arith.constant 208 : i32
    %scan3A_76 = arith.constant 0 : i32
    %scan3A_77 = arith.constant 0 : i32
    %scan3A_78 = arith.constant 208 : i32
    %scan3A_79 = arith.addi %scan3A_77, %scan3A_78 : i32
    %scan3A_80 = arith.constant 1 : i32
    scf.for %scan3A_100 = %scan3A_77 to %scan3A_79 step %scan3A_80  : i32 {
      %dma_wait3A = arith.constant 0 : i32
      %dma_wait3A_101 = tpu.memref_slice %arg7[%scan3A_100, %dma_wait3A] : memref<208x128xi32, #tpu.memory_space<vmem>> -> memref<1x128xi32, #tpu.memory_space<vmem>>
      %dma_wait3A_102 = tpu.memref_squeeze %dma_wait3A_101 : memref<1x128xi32, #tpu.memory_space<vmem>> -> memref<128xi32, #tpu.memory_space<vmem>>
      %dma_wait3A_103 = arith.constant 0 : i32
      %dma_wait3A_104 = tpu.memref_slice %arg3[%dma_wait3A_103] : memref<42598400xi32, #tpu.memory_space<hbm>> -> memref<128xi32, #tpu.memory_space<hbm>>
      %dma_wait3A_105 = arith.constant 0 : i32
      %dma_wait3A_106 = tpu.memref_slice %arg7[%scan3A_100, %dma_wait3A_105] : memref<208x128xi32, #tpu.memory_space<vmem>> -> memref<1x128xi32, #tpu.memory_space<vmem>>
      %dma_wait3A_107 = tpu.memref_squeeze %dma_wait3A_106 : memref<1x128xi32, #tpu.memory_space<vmem>> -> memref<128xi32, #tpu.memory_space<vmem>>
      %dma_wait3A_108 = arith.constant 0 : i32
      %dma_wait3A_109 = tpu.memref_slice %arg3[%dma_wait3A_108] : memref<42598400xi32, #tpu.memory_space<hbm>> -> memref<128xi32, #tpu.memory_space<hbm>>
      tpu.wait_dma2 semaphore(%arg8 : memref<!tpu.dma_semaphore, #tpu.memory_space<semaphore_mem>>) src(%dma_wait3A_109 : memref<128xi32, #tpu.memory_space<hbm>>) dst(%dma_wait3A_107 : memref<128xi32, #tpu.memory_space<vmem>>)
    }
    %scan3A_81 = arith.constant 208 : i32
    "tpu.region"() ({
      %run_scoped3A_100 = tpu.sem_alloc : memref<!tpu.dma_semaphore, #tpu.memory_space<semaphore_mem>>
      %dma_start3A = arith.constant 0 : i32
      %dma_start3A_101 = arith.constant 0 : i32
      %dma_start3A_102 = tpu.memref_slice %arg4[%add3A, %dma_start3A, %dma_start3A_101] : memref<32x416x128xi32, #tpu.memory_space<hbm>> -> memref<1x208x128xi32, #tpu.memory_space<hbm>>
      %dma_start3A_103 = tpu.memref_squeeze %dma_start3A_102 : memref<1x208x128xi32, #tpu.memory_space<hbm>> -> memref<208x128xi32, #tpu.memory_space<hbm>>
      %dma_start3A_104 = arith.constant 0 : i32
      %dma_start3A_105 = arith.constant 0 : i32
      %dma_start3A_106 = tpu.memref_slice %arg4[%add3A, %dma_start3A_104, %dma_start3A_105] : memref<32x416x128xi32, #tpu.memory_space<hbm>> -> memref<1x208x128xi32, #tpu.memory_space<hbm>>
      %dma_start3A_107 = tpu.memref_squeeze %dma_start3A_106 : memref<1x208x128xi32, #tpu.memory_space<hbm>> -> memref<208x128xi32, #tpu.memory_space<hbm>>
      tpu.enqueue_dma source(%arg7 : memref<208x128xi32, #tpu.memory_space<vmem>>) target(%dma_start3A_107 : memref<208x128xi32, #tpu.memory_space<hbm>>) target_semaphore(%run_scoped3A_100 : memref<!tpu.dma_semaphore, #tpu.memory_space<semaphore_mem>>)
      %dma_wait3A = arith.constant 0 : i32
      %dma_wait3A_108 = arith.constant 0 : i32
      %dma_wait3A_109 = tpu.memref_slice %arg4[%add3A, %dma_wait3A, %dma_wait3A_108] : memref<32x416x128xi32, #tpu.memory_space<hbm>> -> memref<1x208x128xi32, #tpu.memory_space<hbm>>
      %dma_wait3A_110 = tpu.memref_squeeze %dma_wait3A_109 : memref<1x208x128xi32, #tpu.memory_space<hbm>> -> memref<208x128xi32, #tpu.memory_space<hbm>>
      %dma_wait3A_111 = arith.constant 0 : i32
      %dma_wait3A_112 = arith.constant 0 : i32
      %dma_wait3A_113 = tpu.memref_slice %arg4[%add3A, %dma_wait3A_111, %dma_wait3A_112] : memref<32x416x128xi32, #tpu.memory_space<hbm>> -> memref<1x208x128xi32, #tpu.memory_space<hbm>>
      %dma_wait3A_114 = tpu.memref_squeeze %dma_wait3A_113 : memref<1x208x128xi32, #tpu.memory_space<hbm>> -> memref<208x128xi32, #tpu.memory_space<hbm>>
      tpu.wait_dma2 semaphore(%run_scoped3A_100 : memref<!tpu.dma_semaphore, #tpu.memory_space<semaphore_mem>>) src(%arg7 : memref<208x128xi32, #tpu.memory_space<vmem>>) dst(%dma_wait3A_114 : memref<208x128xi32, #tpu.memory_space<hbm>>)
      tpu.yield
    }) : () -> ()
    %scan3A_82 = arith.constant 0 : i32
    %scan3A_83 = arith.constant 0 : i32
    %scan3A_84 = arith.constant 208 : i32
    %scan3A_85 = arith.addi %scan3A_83, %scan3A_84 : i32
    %scan3A_86 = arith.constant 1 : i32
    scf.for %scan3A_100 = %scan3A_83 to %scan3A_85 step %scan3A_86  : i32 {
      %add3A_101 = arith.constant 208 : i32
      %add3A_102 = arith.addi %add3A_101, %scan3A_100 : i32
      %shift_right_logical3A = arith.constant 5 : i32
      %shift_right_logical3A_103 = arith.shrui %add3A_102, %shift_right_logical3A : i32
      %mul3A_104 = arith.constant 102400 : i32
      %mul3A_105 = arith.muli %add3A_102, %mul3A_104 : i32
      %get3A = arith.index_cast %shift_right_logical3A_103 : i32 to index
      %get3A_106 = arith.constant 0 : index
      %get3A_107 = tpu.vector_load %arg5[%get3A, %get3A_106] {strides = array<i32>} : memref<13x128xi32, #tpu.memory_space<vmem>>, vector<1x16xi32>,
      %get3A_108 = vector.shape_cast %get3A_107 : vector<1x16xi32> to vector<16xi32>
      %add3A_109 = vector.broadcast %mul3A_105 : i32 to vector<16xi32>
      %add3A_110 = arith.addi %get3A_108, %add3A_109 : vector<16xi32>
      %swap3A = arith.index_cast %scan3A_100 : i32 to index
      %swap3A_111 = arith.constant 0 : index
      %swap3A_112 = tpu.vector_load %arg6[%swap3A, %swap3A_111] {strides = array<i32>} : memref<208x128xi32, #tpu.memory_space<vmem>>, vector<1x16xi32>,
      %swap3A_113 = vector.shape_cast %swap3A_112 : vector<1x16xi32> to vector<16xi32>
      %swap3A_114 = vector.shape_cast %add3A_110 : vector<16xi32> to vector<1x16xi32>
      tpu.vector_store %arg6[%swap3A, %swap3A_111], %swap3A_114 {strides = array<i32>} : memref<208x128xi32, #tpu.memory_space<vmem>>, vector<1x16xi32>,
      %get3A_115 = arith.index_cast %shift_right_logical3A_103 : i32 to index
      %get3A_116 = arith.constant 16 : index
      %get3A_117 = tpu.vector_load %arg5[%get3A_115, %get3A_116] {strides = array<i32>} : memref<13x128xi32, #tpu.memory_space<vmem>>, vector<1x16xi32>,
      %get3A_118 = vector.shape_cast %get3A_117 : vector<1x16xi32> to vector<16xi32>
      %add3A_119 = vector.broadcast %mul3A_105 : i32 to vector<16xi32>
      %add3A_120 = arith.addi %get3A_118, %add3A_119 : vector<16xi32>
      %swap3A_121 = arith.index_cast %scan3A_100 : i32 to index
      %swap3A_122 = arith.constant 16 : index
      %swap3A_123 = tpu.vector_load %arg6[%swap3A_121, %swap3A_122] {strides = array<i32>} : memref<208x128xi32, #tpu.memory_space<vmem>>, vector<1x16xi32>,
      %swap3A_124 = vector.shape_cast %swap3A_123 : vector<1x16xi32> to vector<16xi32>
      %swap3A_125 = vector.shape_cast %add3A_120 : vector<16xi32> to vector<1x16xi32>
      tpu.vector_store %arg6[%swap3A_121, %swap3A_122], %swap3A_125 {strides = array<i32>} : memref<208x128xi32, #tpu.memory_space<vmem>>, vector<1x16xi32>,
      %get3A_126 = arith.index_cast %shift_right_logical3A_103 : i32 to index
      %get3A_127 = arith.constant 32 : index
      %get3A_128 = tpu.vector_load %arg5[%get3A_126, %get3A_127] {strides = array<i32>} : memref<13x128xi32, #tpu.memory_space<vmem>>, vector<1x16xi32>,
      %get3A_129 = vector.shape_cast %get3A_128 : vector<1x16xi32> to vector<16xi32>
      %add3A_130 = vector.broadcast %mul3A_105 : i32 to vector<16xi32>
      %add3A_131 = arith.addi %get3A_129, %add3A_130 : vector<16xi32>
      %swap3A_132 = arith.index_cast %scan3A_100 : i32 to index
      %swap3A_133 = arith.constant 32 : index
      %swap3A_134 = tpu.vector_load %arg6[%swap3A_132, %swap3A_133] {strides = array<i32>} : memref<208x128xi32, #tpu.memory_space<vmem>>, vector<1x16xi32>,
      %swap3A_135 = vector.shape_cast %swap3A_134 : vector<1x16xi32> to vector<16xi32>
      %swap3A_136 = vector.shape_cast %add3A_131 : vector<16xi32> to vector<1x16xi32>
      tpu.vector_store %arg6[%swap3A_132, %swap3A_133], %swap3A_136 {strides = array<i32>} : memref<208x128xi32, #tpu.memory_space<vmem>>, vector<1x16xi32>,
      %get3A_137 = arith.index_cast %shift_right_logical3A_103 : i32 to index
      %get3A_138 = arith.constant 48 : index
      %get3A_139 = tpu.vector_load %arg5[%get3A_137, %get3A_138] {strides = array<i32>} : memref<13x128xi32, #tpu.memory_space<vmem>>, vector<1x16xi32>,
      %get3A_140 = vector.shape_cast %get3A_139 : vector<1x16xi32> to vector<16xi32>
      %add3A_141 = vector.broadcast %mul3A_105 : i32 to vector<16xi32>
      %add3A_142 = arith.addi %get3A_140, %add3A_141 : vector<16xi32>
      %swap3A_143 = arith.index_cast %scan3A_100 : i32 to index
      %swap3A_144 = arith.constant 48 : index
      %swap3A_145 = tpu.vector_load %arg6[%swap3A_143, %swap3A_144] {strides = array<i32>} : memref<208x128xi32, #tpu.memory_space<vmem>>, vector<1x16xi32>,
      %swap3A_146 = vector.shape_cast %swap3A_145 : vector<1x16xi32> to vector<16xi32>
      %swap3A_147 = vector.shape_cast %add3A_142 : vector<16xi32> to vector<1x16xi32>
      tpu.vector_store %arg6[%swap3A_143, %swap3A_144], %swap3A_147 {strides = array<i32>} : memref<208x128xi32, #tpu.memory_space<vmem>>, vector<1x16xi32>,
      %get3A_148 = arith.index_cast %shift_right_logical3A_103 : i32 to index
      %get3A_149 = arith.constant 64 : index
      %get3A_150 = tpu.vector_load %arg5[%get3A_148, %get3A_149] {strides = array<i32>} : memref<13x128xi32, #tpu.memory_space<vmem>>, vector<1x16xi32>,
      %get3A_151 = vector.shape_cast %get3A_150 : vector<1x16xi32> to vector<16xi32>
      %add3A_152 = vector.broadcast %mul3A_105 : i32 to vector<16xi32>
      %add3A_153 = arith.addi %get3A_151, %add3A_152 : vector<16xi32>
      %swap3A_154 = arith.index_cast %scan3A_100 : i32 to index
      %swap3A_155 = arith.constant 64 : index
      %swap3A_156 = tpu.vector_load %arg6[%swap3A_154, %swap3A_155] {strides = array<i32>} : memref<208x128xi32, #tpu.memory_space<vmem>>, vector<1x16xi32>,
      %swap3A_157 = vector.shape_cast %swap3A_156 : vector<1x16xi32> to vector<16xi32>
      %swap3A_158 = vector.shape_cast %add3A_153 : vector<16xi32> to vector<1x16xi32>
      tpu.vector_store %arg6[%swap3A_154, %swap3A_155], %swap3A_158 {strides = array<i32>} : memref<208x128xi32, #tpu.memory_space<vmem>>, vector<1x16xi32>,
      %get3A_159 = arith.index_cast %shift_right_logical3A_103 : i32 to index
      %get3A_160 = arith.constant 80 : index
      %get3A_161 = tpu.vector_load %arg5[%get3A_159, %get3A_160] {strides = array<i32>} : memref<13x128xi32, #tpu.memory_space<vmem>>, vector<1x16xi32>,
      %get3A_162 = vector.shape_cast %get3A_161 : vector<1x16xi32> to vector<16xi32>
      %add3A_163 = vector.broadcast %mul3A_105 : i32 to vector<16xi32>
      %add3A_164 = arith.addi %get3A_162, %add3A_163 : vector<16xi32>
      %swap3A_165 = arith.index_cast %scan3A_100 : i32 to index
      %swap3A_166 = arith.constant 80 : index
      %swap3A_167 = tpu.vector_load %arg6[%swap3A_165, %swap3A_166] {strides = array<i32>} : memref<208x128xi32, #tpu.memory_space<vmem>>, vector<1x16xi32>,
      %swap3A_168 = vector.shape_cast %swap3A_167 : vector<1x16xi32> to vector<16xi32>
      %swap3A_169 = vector.shape_cast %add3A_164 : vector<16xi32> to vector<1x16xi32>
      tpu.vector_store %arg6[%swap3A_165, %swap3A_166], %swap3A_169 {strides = array<i32>} : memref<208x128xi32, #tpu.memory_space<vmem>>, vector<1x16xi32>,
      %get3A_170 = arith.index_cast %shift_right_logical3A_103 : i32 to index
      %get3A_171 = arith.constant 96 : index
      %get3A_172 = tpu.vector_load %arg5[%get3A_170, %get3A_171] {strides = array<i32>} : memref<13x128xi32, #tpu.memory_space<vmem>>, vector<1x16xi32>,
      %get3A_173 = vector.shape_cast %get3A_172 : vector<1x16xi32> to vector<16xi32>
      %add3A_174 = vector.broadcast %mul3A_105 : i32 to vector<16xi32>
      %add3A_175 = arith.addi %get3A_173, %add3A_174 : vector<16xi32>
      %swap3A_176 = arith.index_cast %scan3A_100 : i32 to index
      %swap3A_177 = arith.constant 96 : index
      %swap3A_178 = tpu.vector_load %arg6[%swap3A_176, %swap3A_177] {strides = array<i32>} : memref<208x128xi32, #tpu.memory_space<vmem>>, vector<1x16xi32>,
      %swap3A_179 = vector.shape_cast %swap3A_178 : vector<1x16xi32> to vector<16xi32>
      %swap3A_180 = vector.shape_cast %add3A_175 : vector<16xi32> to vector<1x16xi32>
      tpu.vector_store %arg6[%swap3A_176, %swap3A_177], %swap3A_180 {strides = array<i32>} : memref<208x128xi32, #tpu.memory_space<vmem>>, vector<1x16xi32>,
      %get3A_181 = arith.index_cast %shift_right_logical3A_103 : i32 to index
      %get3A_182 = arith.constant 112 : index
      %get3A_183 = tpu.vector_load %arg5[%get3A_181, %get3A_182] {strides = array<i32>} : memref<13x128xi32, #tpu.memory_space<vmem>>, vector<1x16xi32>,
      %get3A_184 = vector.shape_cast %get3A_183 : vector<1x16xi32> to vector<16xi32>
      %add3A_185 = vector.broadcast %mul3A_105 : i32 to vector<16xi32>
      %add3A_186 = arith.addi %get3A_184, %add3A_185 : vector<16xi32>
      %swap3A_187 = arith.index_cast %scan3A_100 : i32 to index
      %swap3A_188 = arith.constant 112 : index
      %swap3A_189 = tpu.vector_load %arg6[%swap3A_187, %swap3A_188] {strides = array<i32>} : memref<208x128xi32, #tpu.memory_space<vmem>>, vector<1x16xi32>,
      %swap3A_190 = vector.shape_cast %swap3A_189 : vector<1x16xi32> to vector<16xi32>
      %swap3A_191 = vector.shape_cast %add3A_186 : vector<16xi32> to vector<1x16xi32>
      tpu.vector_store %arg6[%swap3A_187, %swap3A_188], %swap3A_191 {strides = array<i32>} : memref<208x128xi32, #tpu.memory_space<vmem>>, vector<1x16xi32>,
    }
    %scan3A_87 = arith.constant 208 : i32
    %scan3A_88 = arith.constant 0 : i32
    %scan3A_89 = arith.constant 0 : i32
    %scan3A_90 = arith.constant 208 : i32
    %scan3A_91 = arith.addi %scan3A_89, %scan3A_90 : i32
    %scan3A_92 = arith.constant 1 : i32
    scf.for %scan3A_100 = %scan3A_89 to %scan3A_91 step %scan3A_92  : i32 {
      %dma_start3A = arith.constant 0 : i32
      %dma_start3A_101 = tpu.memref_slice %arg7[%scan3A_100, %dma_start3A] : memref<208x128xi32, #tpu.memory_space<vmem>> -> memref<1x128xi32, #tpu.memory_space<vmem>>
      %dma_start3A_102 = tpu.memref_squeeze %dma_start3A_101 : memref<1x128xi32, #tpu.memory_space<vmem>> -> memref<128xi32, #tpu.memory_space<vmem>>
      %dma_start3A_103 = arith.constant 0 : i32
      %dma_start3A_104 = tpu.memref_slice %arg6[%scan3A_100, %dma_start3A_103] : memref<208x128xi32, #tpu.memory_space<vmem>> -> memref<1x128xi32, #tpu.memory_space<vmem>>
      %dma_start3A_105 = tpu.memref_squeeze %dma_start3A_104 : memref<1x128xi32, #tpu.memory_space<vmem>> -> memref<128xi32, #tpu.memory_space<vmem>>
      %dma_start3A_106 = arith.constant 0 : i32
      %dma_start3A_107 = tpu.memref_slice %arg3[%dma_start3A_106] : memref<42598400xi32, #tpu.memory_space<hbm>> -> memref<42598400xi32, #tpu.memory_space<hbm>>
      tpu.enqueue_indirect_dma source(%dma_start3A_107 : memref<42598400xi32, #tpu.memory_space<hbm>>) target(%dma_start3A_102 : memref<128xi32, #tpu.memory_space<vmem>>) offsets(%dma_start3A_105 : memref<128xi32, #tpu.memory_space<vmem>>) semaphore(%arg8 : memref<!tpu.dma_semaphore, #tpu.memory_space<semaphore_mem>>)
    }
    %scan3A_93 = arith.constant 208 : i32
    %scan3A_94 = arith.constant 0 : i32
    %scan3A_95 = arith.constant 0 : i32
    %scan3A_96 = arith.constant 208 : i32
    %scan3A_97 = arith.addi %scan3A_95, %scan3A_96 : i32
    %scan3A_98 = arith.constant 1 : i32
    scf.for %scan3A_100 = %scan3A_95 to %scan3A_97 step %scan3A_98  : i32 {
      %dma_wait3A = arith.constant 0 : i32
      %dma_wait3A_101 = tpu.memref_slice %arg7[%scan3A_100, %dma_wait3A] : memref<208x128xi32, #tpu.memory_space<vmem>> -> memref<1x128xi32, #tpu.memory_space<vmem>>
      %dma_wait3A_102 = tpu.memref_squeeze %dma_wait3A_101 : memref<1x128xi32, #tpu.memory_space<vmem>> -> memref<128xi32, #tpu.memory_space<vmem>>
      %dma_wait3A_103 = arith.constant 0 : i32
      %dma_wait3A_104 = tpu.memref_slice %arg3[%dma_wait3A_103] : memref<42598400xi32, #tpu.memory_space<hbm>> -> memref<128xi32, #tpu.memory_space<hbm>>
      %dma_wait3A_105 = arith.constant 0 : i32
      %dma_wait3A_106 = tpu.memref_slice %arg7[%scan3A_100, %dma_wait3A_105] : memref<208x128xi32, #tpu.memory_space<vmem>> -> memref<1x128xi32, #tpu.memory_space<vmem>>
      %dma_wait3A_107 = tpu.memref_squeeze %dma_wait3A_106 : memref<1x128xi32, #tpu.memory_space<vmem>> -> memref<128xi32, #tpu.memory_space<vmem>>
      %dma_wait3A_108 = arith.constant 0 : i32
      %dma_wait3A_109 = tpu.memref_slice %arg3[%dma_wait3A_108] : memref<42598400xi32, #tpu.memory_space<hbm>> -> memref<128xi32, #tpu.memory_space<hbm>>
      tpu.wait_dma2 semaphore(%arg8 : memref<!tpu.dma_semaphore, #tpu.memory_space<semaphore_mem>>) src(%dma_wait3A_109 : memref<128xi32, #tpu.memory_space<hbm>>) dst(%dma_wait3A_107 : memref<128xi32, #tpu.memory_space<vmem>>)
    }
    %scan3A_99 = arith.constant 208 : i32
    "tpu.region"() ({
      %run_scoped3A_100 = tpu.sem_alloc : memref<!tpu.dma_semaphore, #tpu.memory_space<semaphore_mem>>
      %dma_start3A = arith.constant 208 : i32
      %dma_start3A_101 = arith.constant 0 : i32
      %dma_start3A_102 = tpu.memref_slice %arg4[%add3A, %dma_start3A, %dma_start3A_101] : memref<32x416x128xi32, #tpu.memory_space<hbm>> -> memref<1x208x128xi32, #tpu.memory_space<hbm>>
      %dma_start3A_103 = tpu.memref_squeeze %dma_start3A_102 : memref<1x208x128xi32, #tpu.memory_space<hbm>> -> memref<208x128xi32, #tpu.memory_space<hbm>>
      %dma_start3A_104 = arith.constant 208 : i32
      %dma_start3A_105 = arith.constant 0 : i32
      %dma_start3A_106 = tpu.memref_slice %arg4[%add3A, %dma_start3A_104, %dma_start3A_105] : memref<32x416x128xi32, #tpu.memory_space<hbm>> -> memref<1x208x128xi32, #tpu.memory_space<hbm>>
      %dma_start3A_107 = tpu.memref_squeeze %dma_start3A_106 : memref<1x208x128xi32, #tpu.memory_space<hbm>> -> memref<208x128xi32, #tpu.memory_space<hbm>>
      tpu.enqueue_dma source(%arg7 : memref<208x128xi32, #tpu.memory_space<vmem>>) target(%dma_start3A_107 : memref<208x128xi32, #tpu.memory_space<hbm>>) target_semaphore(%run_scoped3A_100 : memref<!tpu.dma_semaphore, #tpu.memory_space<semaphore_mem>>)
      %dma_wait3A = arith.constant 208 : i32
      %dma_wait3A_108 = arith.constant 0 : i32
      %dma_wait3A_109 = tpu.memref_slice %arg4[%add3A, %dma_wait3A, %dma_wait3A_108] : memref<32x416x128xi32, #tpu.memory_space<hbm>> -> memref<1x208x128xi32, #tpu.memory_space<hbm>>
      %dma_wait3A_110 = tpu.memref_squeeze %dma_wait3A_109 : memref<1x208x128xi32, #tpu.memory_space<hbm>> -> memref<208x128xi32, #tpu.memory_space<hbm>>
      %dma_wait3A_111 = arith.constant 208 : i32
      %dma_wait3A_112 = arith.constant 0 : i32
      %dma_wait3A_113 = tpu.memref_slice %arg4[%add3A, %dma_wait3A_111, %dma_wait3A_112] : memref<32x416x128xi32, #tpu.memory_space<hbm>> -> memref<1x208x128xi32, #tpu.memory_space<hbm>>
      %dma_wait3A_114 = tpu.memref_squeeze %dma_wait3A_113 : memref<1x208x128xi32, #tpu.memory_space<hbm>> -> memref<208x128xi32, #tpu.memory_space<hbm>>
      tpu.wait_dma2 semaphore(%run_scoped3A_100 : memref<!tpu.dma_semaphore, #tpu.memory_space<semaphore_mem>>) src(%arg7 : memref<208x128xi32, #tpu.memory_space<vmem>>) dst(%dma_wait3A_114 : memref<208x128xi32, #tpu.memory_space<hbm>>)
      tpu.yield
    }) : () -> ()
    return
  }
}

#map = affine_map<(d0, d1) -> (0)>
#map1 = affine_map<(d0, d1) -> (0, 0, 0)>
module attributes {stable_mosaic.version = 14 : i64} {
  func.func @_sc_gather_body(%arg0: i32, %arg1: i32, %arg2: memref<53248xi32, #tpu.memory_space<hbm>>, %arg3: memref<21299200xi32, #tpu.memory_space<hbm>>, %arg4: memref<32x208x128xi32, #tpu.memory_space<hbm>>, %arg5: memref<13x128xi32, #tpu.memory_space<vmem>>, %arg6: memref<208x128xi32, #tpu.memory_space<vmem>>, %arg7: memref<208x128xi32, #tpu.memory_space<vmem>>, %arg8: memref<!tpu.dma_semaphore, #tpu.memory_space<semaphore_mem>>) attributes {dimension_semantics = [#tpu.dimension_semantics<core_parallel>, #tpu.dimension_semantics<subcore_parallel>], iteration_bounds = array<i64: 2, 16>, scalar_prefetch = 0 : i64, scratch_operands = 4 : i64, tpu.core_type = #tpu.core_type<sc_vector_subcore>, window_params = [{transform_indices = #map}, {transform_indices = #map}, {transform_indices = #map1}]} {
    %mul3A = arith.constant 2 : i32
    %mul3A_0 = arith.muli %arg1, %mul3A : i32
    %add3A = arith.addi %mul3A_0, %arg0 : i32
    %mul3A_1 = arith.constant 128 : i32
    %mul3A_2 = arith.muli %add3A, %mul3A_1 : i32
    %add3A_3 = arith.constant 0 : i32
    %add3A_4 = arith.addi %add3A_3, %mul3A_2 : i32
    %run_scoped3A = arith.constant 0 : i32
    "tpu.region"() ({
      %run_scoped3A_82 = tpu.sem_alloc : memref<!tpu.dma_semaphore, #tpu.memory_space<semaphore_mem>>
      %dma_start3A = arith.constant 0 : i32
      %dma_start3A_83 = tpu.memref_slice %arg5[%run_scoped3A, %dma_start3A] : memref<13x128xi32, #tpu.memory_space<vmem>> -> memref<1x128xi32, #tpu.memory_space<vmem>>
      %dma_start3A_84 = tpu.memref_squeeze %dma_start3A_83 : memref<1x128xi32, #tpu.memory_space<vmem>> -> memref<128xi32, #tpu.memory_space<vmem>>
      %dma_start3A_85 = tpu.memref_slice %arg2[%add3A_4] : memref<53248xi32, #tpu.memory_space<hbm>> -> memref<128xi32, #tpu.memory_space<hbm>>
      %dma_start3A_86 = arith.constant 0 : i32
      %dma_start3A_87 = tpu.memref_slice %arg5[%run_scoped3A, %dma_start3A_86] : memref<13x128xi32, #tpu.memory_space<vmem>> -> memref<1x128xi32, #tpu.memory_space<vmem>>
      %dma_start3A_88 = tpu.memref_squeeze %dma_start3A_87 : memref<1x128xi32, #tpu.memory_space<vmem>> -> memref<128xi32, #tpu.memory_space<vmem>>
      %dma_start3A_89 = tpu.memref_slice %arg2[%add3A_4] : memref<53248xi32, #tpu.memory_space<hbm>> -> memref<128xi32, #tpu.memory_space<hbm>>
      tpu.enqueue_dma source(%dma_start3A_89 : memref<128xi32, #tpu.memory_space<hbm>>) target(%dma_start3A_88 : memref<128xi32, #tpu.memory_space<vmem>>) target_semaphore(%run_scoped3A_82 : memref<!tpu.dma_semaphore, #tpu.memory_space<semaphore_mem>>)
      %dma_wait3A = arith.constant 0 : i32
      %dma_wait3A_90 = tpu.memref_slice %arg5[%run_scoped3A, %dma_wait3A] : memref<13x128xi32, #tpu.memory_space<vmem>> -> memref<1x128xi32, #tpu.memory_space<vmem>>
      %dma_wait3A_91 = tpu.memref_squeeze %dma_wait3A_90 : memref<1x128xi32, #tpu.memory_space<vmem>> -> memref<128xi32, #tpu.memory_space<vmem>>
      %dma_wait3A_92 = tpu.memref_slice %arg2[%add3A_4] : memref<53248xi32, #tpu.memory_space<hbm>> -> memref<128xi32, #tpu.memory_space<hbm>>
      %dma_wait3A_93 = arith.constant 0 : i32
      %dma_wait3A_94 = tpu.memref_slice %arg5[%run_scoped3A, %dma_wait3A_93] : memref<13x128xi32, #tpu.memory_space<vmem>> -> memref<1x128xi32, #tpu.memory_space<vmem>>
      %dma_wait3A_95 = tpu.memref_squeeze %dma_wait3A_94 : memref<1x128xi32, #tpu.memory_space<vmem>> -> memref<128xi32, #tpu.memory_space<vmem>>
      %dma_wait3A_96 = tpu.memref_slice %arg2[%add3A_4] : memref<53248xi32, #tpu.memory_space<hbm>> -> memref<128xi32, #tpu.memory_space<hbm>>
      tpu.wait_dma2 semaphore(%run_scoped3A_82 : memref<!tpu.dma_semaphore, #tpu.memory_space<semaphore_mem>>) src(%dma_wait3A_96 : memref<128xi32, #tpu.memory_space<hbm>>) dst(%dma_wait3A_95 : memref<128xi32, #tpu.memory_space<vmem>>)
      tpu.yield
    }) : () -> ()
    %mul3A_5 = arith.constant 128 : i32
    %mul3A_6 = arith.muli %add3A, %mul3A_5 : i32
    %add3A_7 = arith.constant 4096 : i32
    %add3A_8 = arith.addi %add3A_7, %mul3A_6 : i32
    %run_scoped3A_9 = arith.constant 1 : i32
    "tpu.region"() ({
      %run_scoped3A_82 = tpu.sem_alloc : memref<!tpu.dma_semaphore, #tpu.memory_space<semaphore_mem>>
      %dma_start3A = arith.constant 0 : i32
      %dma_start3A_83 = tpu.memref_slice %arg5[%run_scoped3A_9, %dma_start3A] : memref<13x128xi32, #tpu.memory_space<vmem>> -> memref<1x128xi32, #tpu.memory_space<vmem>>
      %dma_start3A_84 = tpu.memref_squeeze %dma_start3A_83 : memref<1x128xi32, #tpu.memory_space<vmem>> -> memref<128xi32, #tpu.memory_space<vmem>>
      %dma_start3A_85 = tpu.memref_slice %arg2[%add3A_8] : memref<53248xi32, #tpu.memory_space<hbm>> -> memref<128xi32, #tpu.memory_space<hbm>>
      %dma_start3A_86 = arith.constant 0 : i32
      %dma_start3A_87 = tpu.memref_slice %arg5[%run_scoped3A_9, %dma_start3A_86] : memref<13x128xi32, #tpu.memory_space<vmem>> -> memref<1x128xi32, #tpu.memory_space<vmem>>
      %dma_start3A_88 = tpu.memref_squeeze %dma_start3A_87 : memref<1x128xi32, #tpu.memory_space<vmem>> -> memref<128xi32, #tpu.memory_space<vmem>>
      %dma_start3A_89 = tpu.memref_slice %arg2[%add3A_8] : memref<53248xi32, #tpu.memory_space<hbm>> -> memref<128xi32, #tpu.memory_space<hbm>>
      tpu.enqueue_dma source(%dma_start3A_89 : memref<128xi32, #tpu.memory_space<hbm>>) target(%dma_start3A_88 : memref<128xi32, #tpu.memory_space<vmem>>) target_semaphore(%run_scoped3A_82 : memref<!tpu.dma_semaphore, #tpu.memory_space<semaphore_mem>>)
      %dma_wait3A = arith.constant 0 : i32
      %dma_wait3A_90 = tpu.memref_slice %arg5[%run_scoped3A_9, %dma_wait3A] : memref<13x128xi32, #tpu.memory_space<vmem>> -> memref<1x128xi32, #tpu.memory_space<vmem>>
      %dma_wait3A_91 = tpu.memref_squeeze %dma_wait3A_90 : memref<1x128xi32, #tpu.memory_space<vmem>> -> memref<128xi32, #tpu.memory_space<vmem>>
      %dma_wait3A_92 = tpu.memref_slice %arg2[%add3A_8] : memref<53248xi32, #tpu.memory_space<hbm>> -> memref<128xi32, #tpu.memory_space<hbm>>
      %dma_wait3A_93 = arith.constant 0 : i32
      %dma_wait3A_94 = tpu.memref_slice %arg5[%run_scoped3A_9, %dma_wait3A_93] : memref<13x128xi32, #tpu.memory_space<vmem>> -> memref<1x128xi32, #tpu.memory_space<vmem>>
      %dma_wait3A_95 = tpu.memref_squeeze %dma_wait3A_94 : memref<1x128xi32, #tpu.memory_space<vmem>> -> memref<128xi32, #tpu.memory_space<vmem>>
      %dma_wait3A_96 = tpu.memref_slice %arg2[%add3A_8] : memref<53248xi32, #tpu.memory_space<hbm>> -> memref<128xi32, #tpu.memory_space<hbm>>
      tpu.wait_dma2 semaphore(%run_scoped3A_82 : memref<!tpu.dma_semaphore, #tpu.memory_space<semaphore_mem>>) src(%dma_wait3A_96 : memref<128xi32, #tpu.memory_space<hbm>>) dst(%dma_wait3A_95 : memref<128xi32, #tpu.memory_space<vmem>>)
      tpu.yield
    }) : () -> ()
    %mul3A_10 = arith.constant 128 : i32
    %mul3A_11 = arith.muli %add3A, %mul3A_10 : i32
    %add3A_12 = arith.constant 8192 : i32
    %add3A_13 = arith.addi %add3A_12, %mul3A_11 : i32
    %run_scoped3A_14 = arith.constant 2 : i32
    "tpu.region"() ({
      %run_scoped3A_82 = tpu.sem_alloc : memref<!tpu.dma_semaphore, #tpu.memory_space<semaphore_mem>>
      %dma_start3A = arith.constant 0 : i32
      %dma_start3A_83 = tpu.memref_slice %arg5[%run_scoped3A_14, %dma_start3A] : memref<13x128xi32, #tpu.memory_space<vmem>> -> memref<1x128xi32, #tpu.memory_space<vmem>>
      %dma_start3A_84 = tpu.memref_squeeze %dma_start3A_83 : memref<1x128xi32, #tpu.memory_space<vmem>> -> memref<128xi32, #tpu.memory_space<vmem>>
      %dma_start3A_85 = tpu.memref_slice %arg2[%add3A_13] : memref<53248xi32, #tpu.memory_space<hbm>> -> memref<128xi32, #tpu.memory_space<hbm>>
      %dma_start3A_86 = arith.constant 0 : i32
      %dma_start3A_87 = tpu.memref_slice %arg5[%run_scoped3A_14, %dma_start3A_86] : memref<13x128xi32, #tpu.memory_space<vmem>> -> memref<1x128xi32, #tpu.memory_space<vmem>>
      %dma_start3A_88 = tpu.memref_squeeze %dma_start3A_87 : memref<1x128xi32, #tpu.memory_space<vmem>> -> memref<128xi32, #tpu.memory_space<vmem>>
      %dma_start3A_89 = tpu.memref_slice %arg2[%add3A_13] : memref<53248xi32, #tpu.memory_space<hbm>> -> memref<128xi32, #tpu.memory_space<hbm>>
      tpu.enqueue_dma source(%dma_start3A_89 : memref<128xi32, #tpu.memory_space<hbm>>) target(%dma_start3A_88 : memref<128xi32, #tpu.memory_space<vmem>>) target_semaphore(%run_scoped3A_82 : memref<!tpu.dma_semaphore, #tpu.memory_space<semaphore_mem>>)
      %dma_wait3A = arith.constant 0 : i32
      %dma_wait3A_90 = tpu.memref_slice %arg5[%run_scoped3A_14, %dma_wait3A] : memref<13x128xi32, #tpu.memory_space<vmem>> -> memref<1x128xi32, #tpu.memory_space<vmem>>
      %dma_wait3A_91 = tpu.memref_squeeze %dma_wait3A_90 : memref<1x128xi32, #tpu.memory_space<vmem>> -> memref<128xi32, #tpu.memory_space<vmem>>
      %dma_wait3A_92 = tpu.memref_slice %arg2[%add3A_13] : memref<53248xi32, #tpu.memory_space<hbm>> -> memref<128xi32, #tpu.memory_space<hbm>>
      %dma_wait3A_93 = arith.constant 0 : i32
      %dma_wait3A_94 = tpu.memref_slice %arg5[%run_scoped3A_14, %dma_wait3A_93] : memref<13x128xi32, #tpu.memory_space<vmem>> -> memref<1x128xi32, #tpu.memory_space<vmem>>
      %dma_wait3A_95 = tpu.memref_squeeze %dma_wait3A_94 : memref<1x128xi32, #tpu.memory_space<vmem>> -> memref<128xi32, #tpu.memory_space<vmem>>
      %dma_wait3A_96 = tpu.memref_slice %arg2[%add3A_13] : memref<53248xi32, #tpu.memory_space<hbm>> -> memref<128xi32, #tpu.memory_space<hbm>>
      tpu.wait_dma2 semaphore(%run_scoped3A_82 : memref<!tpu.dma_semaphore, #tpu.memory_space<semaphore_mem>>) src(%dma_wait3A_96 : memref<128xi32, #tpu.memory_space<hbm>>) dst(%dma_wait3A_95 : memref<128xi32, #tpu.memory_space<vmem>>)
      tpu.yield
    }) : () -> ()
    %mul3A_15 = arith.constant 128 : i32
    %mul3A_16 = arith.muli %add3A, %mul3A_15 : i32
    %add3A_17 = arith.constant 12288 : i32
    %add3A_18 = arith.addi %add3A_17, %mul3A_16 : i32
    %run_scoped3A_19 = arith.constant 3 : i32
    "tpu.region"() ({
      %run_scoped3A_82 = tpu.sem_alloc : memref<!tpu.dma_semaphore, #tpu.memory_space<semaphore_mem>>
      %dma_start3A = arith.constant 0 : i32
      %dma_start3A_83 = tpu.memref_slice %arg5[%run_scoped3A_19, %dma_start3A] : memref<13x128xi32, #tpu.memory_space<vmem>> -> memref<1x128xi32, #tpu.memory_space<vmem>>
      %dma_start3A_84 = tpu.memref_squeeze %dma_start3A_83 : memref<1x128xi32, #tpu.memory_space<vmem>> -> memref<128xi32, #tpu.memory_space<vmem>>
      %dma_start3A_85 = tpu.memref_slice %arg2[%add3A_18] : memref<53248xi32, #tpu.memory_space<hbm>> -> memref<128xi32, #tpu.memory_space<hbm>>
      %dma_start3A_86 = arith.constant 0 : i32
      %dma_start3A_87 = tpu.memref_slice %arg5[%run_scoped3A_19, %dma_start3A_86] : memref<13x128xi32, #tpu.memory_space<vmem>> -> memref<1x128xi32, #tpu.memory_space<vmem>>
      %dma_start3A_88 = tpu.memref_squeeze %dma_start3A_87 : memref<1x128xi32, #tpu.memory_space<vmem>> -> memref<128xi32, #tpu.memory_space<vmem>>
      %dma_start3A_89 = tpu.memref_slice %arg2[%add3A_18] : memref<53248xi32, #tpu.memory_space<hbm>> -> memref<128xi32, #tpu.memory_space<hbm>>
      tpu.enqueue_dma source(%dma_start3A_89 : memref<128xi32, #tpu.memory_space<hbm>>) target(%dma_start3A_88 : memref<128xi32, #tpu.memory_space<vmem>>) target_semaphore(%run_scoped3A_82 : memref<!tpu.dma_semaphore, #tpu.memory_space<semaphore_mem>>)
      %dma_wait3A = arith.constant 0 : i32
      %dma_wait3A_90 = tpu.memref_slice %arg5[%run_scoped3A_19, %dma_wait3A] : memref<13x128xi32, #tpu.memory_space<vmem>> -> memref<1x128xi32, #tpu.memory_space<vmem>>
      %dma_wait3A_91 = tpu.memref_squeeze %dma_wait3A_90 : memref<1x128xi32, #tpu.memory_space<vmem>> -> memref<128xi32, #tpu.memory_space<vmem>>
      %dma_wait3A_92 = tpu.memref_slice %arg2[%add3A_18] : memref<53248xi32, #tpu.memory_space<hbm>> -> memref<128xi32, #tpu.memory_space<hbm>>
      %dma_wait3A_93 = arith.constant 0 : i32
      %dma_wait3A_94 = tpu.memref_slice %arg5[%run_scoped3A_19, %dma_wait3A_93] : memref<13x128xi32, #tpu.memory_space<vmem>> -> memref<1x128xi32, #tpu.memory_space<vmem>>
      %dma_wait3A_95 = tpu.memref_squeeze %dma_wait3A_94 : memref<1x128xi32, #tpu.memory_space<vmem>> -> memref<128xi32, #tpu.memory_space<vmem>>
      %dma_wait3A_96 = tpu.memref_slice %arg2[%add3A_18] : memref<53248xi32, #tpu.memory_space<hbm>> -> memref<128xi32, #tpu.memory_space<hbm>>
      tpu.wait_dma2 semaphore(%run_scoped3A_82 : memref<!tpu.dma_semaphore, #tpu.memory_space<semaphore_mem>>) src(%dma_wait3A_96 : memref<128xi32, #tpu.memory_space<hbm>>) dst(%dma_wait3A_95 : memref<128xi32, #tpu.memory_space<vmem>>)
      tpu.yield
    }) : () -> ()
    %mul3A_20 = arith.constant 128 : i32
    %mul3A_21 = arith.muli %add3A, %mul3A_20 : i32
    %add3A_22 = arith.constant 16384 : i32
    %add3A_23 = arith.addi %add3A_22, %mul3A_21 : i32
    %run_scoped3A_24 = arith.constant 4 : i32
    "tpu.region"() ({
      %run_scoped3A_82 = tpu.sem_alloc : memref<!tpu.dma_semaphore, #tpu.memory_space<semaphore_mem>>
      %dma_start3A = arith.constant 0 : i32
      %dma_start3A_83 = tpu.memref_slice %arg5[%run_scoped3A_24, %dma_start3A] : memref<13x128xi32, #tpu.memory_space<vmem>> -> memref<1x128xi32, #tpu.memory_space<vmem>>
      %dma_start3A_84 = tpu.memref_squeeze %dma_start3A_83 : memref<1x128xi32, #tpu.memory_space<vmem>> -> memref<128xi32, #tpu.memory_space<vmem>>
      %dma_start3A_85 = tpu.memref_slice %arg2[%add3A_23] : memref<53248xi32, #tpu.memory_space<hbm>> -> memref<128xi32, #tpu.memory_space<hbm>>
      %dma_start3A_86 = arith.constant 0 : i32
      %dma_start3A_87 = tpu.memref_slice %arg5[%run_scoped3A_24, %dma_start3A_86] : memref<13x128xi32, #tpu.memory_space<vmem>> -> memref<1x128xi32, #tpu.memory_space<vmem>>
      %dma_start3A_88 = tpu.memref_squeeze %dma_start3A_87 : memref<1x128xi32, #tpu.memory_space<vmem>> -> memref<128xi32, #tpu.memory_space<vmem>>
      %dma_start3A_89 = tpu.memref_slice %arg2[%add3A_23] : memref<53248xi32, #tpu.memory_space<hbm>> -> memref<128xi32, #tpu.memory_space<hbm>>
      tpu.enqueue_dma source(%dma_start3A_89 : memref<128xi32, #tpu.memory_space<hbm>>) target(%dma_start3A_88 : memref<128xi32, #tpu.memory_space<vmem>>) target_semaphore(%run_scoped3A_82 : memref<!tpu.dma_semaphore, #tpu.memory_space<semaphore_mem>>)
      %dma_wait3A = arith.constant 0 : i32
      %dma_wait3A_90 = tpu.memref_slice %arg5[%run_scoped3A_24, %dma_wait3A] : memref<13x128xi32, #tpu.memory_space<vmem>> -> memref<1x128xi32, #tpu.memory_space<vmem>>
      %dma_wait3A_91 = tpu.memref_squeeze %dma_wait3A_90 : memref<1x128xi32, #tpu.memory_space<vmem>> -> memref<128xi32, #tpu.memory_space<vmem>>
      %dma_wait3A_92 = tpu.memref_slice %arg2[%add3A_23] : memref<53248xi32, #tpu.memory_space<hbm>> -> memref<128xi32, #tpu.memory_space<hbm>>
      %dma_wait3A_93 = arith.constant 0 : i32
      %dma_wait3A_94 = tpu.memref_slice %arg5[%run_scoped3A_24, %dma_wait3A_93] : memref<13x128xi32, #tpu.memory_space<vmem>> -> memref<1x128xi32, #tpu.memory_space<vmem>>
      %dma_wait3A_95 = tpu.memref_squeeze %dma_wait3A_94 : memref<1x128xi32, #tpu.memory_space<vmem>> -> memref<128xi32, #tpu.memory_space<vmem>>
      %dma_wait3A_96 = tpu.memref_slice %arg2[%add3A_23] : memref<53248xi32, #tpu.memory_space<hbm>> -> memref<128xi32, #tpu.memory_space<hbm>>
      tpu.wait_dma2 semaphore(%run_scoped3A_82 : memref<!tpu.dma_semaphore, #tpu.memory_space<semaphore_mem>>) src(%dma_wait3A_96 : memref<128xi32, #tpu.memory_space<hbm>>) dst(%dma_wait3A_95 : memref<128xi32, #tpu.memory_space<vmem>>)
      tpu.yield
    }) : () -> ()
    %mul3A_25 = arith.constant 128 : i32
    %mul3A_26 = arith.muli %add3A, %mul3A_25 : i32
    %add3A_27 = arith.constant 20480 : i32
    %add3A_28 = arith.addi %add3A_27, %mul3A_26 : i32
    %run_scoped3A_29 = arith.constant 5 : i32
    "tpu.region"() ({
      %run_scoped3A_82 = tpu.sem_alloc : memref<!tpu.dma_semaphore, #tpu.memory_space<semaphore_mem>>
      %dma_start3A = arith.constant 0 : i32
      %dma_start3A_83 = tpu.memref_slice %arg5[%run_scoped3A_29, %dma_start3A] : memref<13x128xi32, #tpu.memory_space<vmem>> -> memref<1x128xi32, #tpu.memory_space<vmem>>
      %dma_start3A_84 = tpu.memref_squeeze %dma_start3A_83 : memref<1x128xi32, #tpu.memory_space<vmem>> -> memref<128xi32, #tpu.memory_space<vmem>>
      %dma_start3A_85 = tpu.memref_slice %arg2[%add3A_28] : memref<53248xi32, #tpu.memory_space<hbm>> -> memref<128xi32, #tpu.memory_space<hbm>>
      %dma_start3A_86 = arith.constant 0 : i32
      %dma_start3A_87 = tpu.memref_slice %arg5[%run_scoped3A_29, %dma_start3A_86] : memref<13x128xi32, #tpu.memory_space<vmem>> -> memref<1x128xi32, #tpu.memory_space<vmem>>
      %dma_start3A_88 = tpu.memref_squeeze %dma_start3A_87 : memref<1x128xi32, #tpu.memory_space<vmem>> -> memref<128xi32, #tpu.memory_space<vmem>>
      %dma_start3A_89 = tpu.memref_slice %arg2[%add3A_28] : memref<53248xi32, #tpu.memory_space<hbm>> -> memref<128xi32, #tpu.memory_space<hbm>>
      tpu.enqueue_dma source(%dma_start3A_89 : memref<128xi32, #tpu.memory_space<hbm>>) target(%dma_start3A_88 : memref<128xi32, #tpu.memory_space<vmem>>) target_semaphore(%run_scoped3A_82 : memref<!tpu.dma_semaphore, #tpu.memory_space<semaphore_mem>>)
      %dma_wait3A = arith.constant 0 : i32
      %dma_wait3A_90 = tpu.memref_slice %arg5[%run_scoped3A_29, %dma_wait3A] : memref<13x128xi32, #tpu.memory_space<vmem>> -> memref<1x128xi32, #tpu.memory_space<vmem>>
      %dma_wait3A_91 = tpu.memref_squeeze %dma_wait3A_90 : memref<1x128xi32, #tpu.memory_space<vmem>> -> memref<128xi32, #tpu.memory_space<vmem>>
      %dma_wait3A_92 = tpu.memref_slice %arg2[%add3A_28] : memref<53248xi32, #tpu.memory_space<hbm>> -> memref<128xi32, #tpu.memory_space<hbm>>
      %dma_wait3A_93 = arith.constant 0 : i32
      %dma_wait3A_94 = tpu.memref_slice %arg5[%run_scoped3A_29, %dma_wait3A_93] : memref<13x128xi32, #tpu.memory_space<vmem>> -> memref<1x128xi32, #tpu.memory_space<vmem>>
      %dma_wait3A_95 = tpu.memref_squeeze %dma_wait3A_94 : memref<1x128xi32, #tpu.memory_space<vmem>> -> memref<128xi32, #tpu.memory_space<vmem>>
      %dma_wait3A_96 = tpu.memref_slice %arg2[%add3A_28] : memref<53248xi32, #tpu.memory_space<hbm>> -> memref<128xi32, #tpu.memory_space<hbm>>
      tpu.wait_dma2 semaphore(%run_scoped3A_82 : memref<!tpu.dma_semaphore, #tpu.memory_space<semaphore_mem>>) src(%dma_wait3A_96 : memref<128xi32, #tpu.memory_space<hbm>>) dst(%dma_wait3A_95 : memref<128xi32, #tpu.memory_space<vmem>>)
      tpu.yield
    }) : () -> ()
    %mul3A_30 = arith.constant 128 : i32
    %mul3A_31 = arith.muli %add3A, %mul3A_30 : i32
    %add3A_32 = arith.constant 24576 : i32
    %add3A_33 = arith.addi %add3A_32, %mul3A_31 : i32
    %run_scoped3A_34 = arith.constant 6 : i32
    "tpu.region"() ({
      %run_scoped3A_82 = tpu.sem_alloc : memref<!tpu.dma_semaphore, #tpu.memory_space<semaphore_mem>>
      %dma_start3A = arith.constant 0 : i32
      %dma_start3A_83 = tpu.memref_slice %arg5[%run_scoped3A_34, %dma_start3A] : memref<13x128xi32, #tpu.memory_space<vmem>> -> memref<1x128xi32, #tpu.memory_space<vmem>>
      %dma_start3A_84 = tpu.memref_squeeze %dma_start3A_83 : memref<1x128xi32, #tpu.memory_space<vmem>> -> memref<128xi32, #tpu.memory_space<vmem>>
      %dma_start3A_85 = tpu.memref_slice %arg2[%add3A_33] : memref<53248xi32, #tpu.memory_space<hbm>> -> memref<128xi32, #tpu.memory_space<hbm>>
      %dma_start3A_86 = arith.constant 0 : i32
      %dma_start3A_87 = tpu.memref_slice %arg5[%run_scoped3A_34, %dma_start3A_86] : memref<13x128xi32, #tpu.memory_space<vmem>> -> memref<1x128xi32, #tpu.memory_space<vmem>>
      %dma_start3A_88 = tpu.memref_squeeze %dma_start3A_87 : memref<1x128xi32, #tpu.memory_space<vmem>> -> memref<128xi32, #tpu.memory_space<vmem>>
      %dma_start3A_89 = tpu.memref_slice %arg2[%add3A_33] : memref<53248xi32, #tpu.memory_space<hbm>> -> memref<128xi32, #tpu.memory_space<hbm>>
      tpu.enqueue_dma source(%dma_start3A_89 : memref<128xi32, #tpu.memory_space<hbm>>) target(%dma_start3A_88 : memref<128xi32, #tpu.memory_space<vmem>>) target_semaphore(%run_scoped3A_82 : memref<!tpu.dma_semaphore, #tpu.memory_space<semaphore_mem>>)
      %dma_wait3A = arith.constant 0 : i32
      %dma_wait3A_90 = tpu.memref_slice %arg5[%run_scoped3A_34, %dma_wait3A] : memref<13x128xi32, #tpu.memory_space<vmem>> -> memref<1x128xi32, #tpu.memory_space<vmem>>
      %dma_wait3A_91 = tpu.memref_squeeze %dma_wait3A_90 : memref<1x128xi32, #tpu.memory_space<vmem>> -> memref<128xi32, #tpu.memory_space<vmem>>
      %dma_wait3A_92 = tpu.memref_slice %arg2[%add3A_33] : memref<53248xi32, #tpu.memory_space<hbm>> -> memref<128xi32, #tpu.memory_space<hbm>>
      %dma_wait3A_93 = arith.constant 0 : i32
      %dma_wait3A_94 = tpu.memref_slice %arg5[%run_scoped3A_34, %dma_wait3A_93] : memref<13x128xi32, #tpu.memory_space<vmem>> -> memref<1x128xi32, #tpu.memory_space<vmem>>
      %dma_wait3A_95 = tpu.memref_squeeze %dma_wait3A_94 : memref<1x128xi32, #tpu.memory_space<vmem>> -> memref<128xi32, #tpu.memory_space<vmem>>
      %dma_wait3A_96 = tpu.memref_slice %arg2[%add3A_33] : memref<53248xi32, #tpu.memory_space<hbm>> -> memref<128xi32, #tpu.memory_space<hbm>>
      tpu.wait_dma2 semaphore(%run_scoped3A_82 : memref<!tpu.dma_semaphore, #tpu.memory_space<semaphore_mem>>) src(%dma_wait3A_96 : memref<128xi32, #tpu.memory_space<hbm>>) dst(%dma_wait3A_95 : memref<128xi32, #tpu.memory_space<vmem>>)
      tpu.yield
    }) : () -> ()
    %mul3A_35 = arith.constant 128 : i32
    %mul3A_36 = arith.muli %add3A, %mul3A_35 : i32
    %add3A_37 = arith.constant 28672 : i32
    %add3A_38 = arith.addi %add3A_37, %mul3A_36 : i32
    %run_scoped3A_39 = arith.constant 7 : i32
    "tpu.region"() ({
      %run_scoped3A_82 = tpu.sem_alloc : memref<!tpu.dma_semaphore, #tpu.memory_space<semaphore_mem>>
      %dma_start3A = arith.constant 0 : i32
      %dma_start3A_83 = tpu.memref_slice %arg5[%run_scoped3A_39, %dma_start3A] : memref<13x128xi32, #tpu.memory_space<vmem>> -> memref<1x128xi32, #tpu.memory_space<vmem>>
      %dma_start3A_84 = tpu.memref_squeeze %dma_start3A_83 : memref<1x128xi32, #tpu.memory_space<vmem>> -> memref<128xi32, #tpu.memory_space<vmem>>
      %dma_start3A_85 = tpu.memref_slice %arg2[%add3A_38] : memref<53248xi32, #tpu.memory_space<hbm>> -> memref<128xi32, #tpu.memory_space<hbm>>
      %dma_start3A_86 = arith.constant 0 : i32
      %dma_start3A_87 = tpu.memref_slice %arg5[%run_scoped3A_39, %dma_start3A_86] : memref<13x128xi32, #tpu.memory_space<vmem>> -> memref<1x128xi32, #tpu.memory_space<vmem>>
      %dma_start3A_88 = tpu.memref_squeeze %dma_start3A_87 : memref<1x128xi32, #tpu.memory_space<vmem>> -> memref<128xi32, #tpu.memory_space<vmem>>
      %dma_start3A_89 = tpu.memref_slice %arg2[%add3A_38] : memref<53248xi32, #tpu.memory_space<hbm>> -> memref<128xi32, #tpu.memory_space<hbm>>
      tpu.enqueue_dma source(%dma_start3A_89 : memref<128xi32, #tpu.memory_space<hbm>>) target(%dma_start3A_88 : memref<128xi32, #tpu.memory_space<vmem>>) target_semaphore(%run_scoped3A_82 : memref<!tpu.dma_semaphore, #tpu.memory_space<semaphore_mem>>)
      %dma_wait3A = arith.constant 0 : i32
      %dma_wait3A_90 = tpu.memref_slice %arg5[%run_scoped3A_39, %dma_wait3A] : memref<13x128xi32, #tpu.memory_space<vmem>> -> memref<1x128xi32, #tpu.memory_space<vmem>>
      %dma_wait3A_91 = tpu.memref_squeeze %dma_wait3A_90 : memref<1x128xi32, #tpu.memory_space<vmem>> -> memref<128xi32, #tpu.memory_space<vmem>>
      %dma_wait3A_92 = tpu.memref_slice %arg2[%add3A_38] : memref<53248xi32, #tpu.memory_space<hbm>> -> memref<128xi32, #tpu.memory_space<hbm>>
      %dma_wait3A_93 = arith.constant 0 : i32
      %dma_wait3A_94 = tpu.memref_slice %arg5[%run_scoped3A_39, %dma_wait3A_93] : memref<13x128xi32, #tpu.memory_space<vmem>> -> memref<1x128xi32, #tpu.memory_space<vmem>>
      %dma_wait3A_95 = tpu.memref_squeeze %dma_wait3A_94 : memref<1x128xi32, #tpu.memory_space<vmem>> -> memref<128xi32, #tpu.memory_space<vmem>>
      %dma_wait3A_96 = tpu.memref_slice %arg2[%add3A_38] : memref<53248xi32, #tpu.memory_space<hbm>> -> memref<128xi32, #tpu.memory_space<hbm>>
      tpu.wait_dma2 semaphore(%run_scoped3A_82 : memref<!tpu.dma_semaphore, #tpu.memory_space<semaphore_mem>>) src(%dma_wait3A_96 : memref<128xi32, #tpu.memory_space<hbm>>) dst(%dma_wait3A_95 : memref<128xi32, #tpu.memory_space<vmem>>)
      tpu.yield
    }) : () -> ()
    %mul3A_40 = arith.constant 128 : i32
    %mul3A_41 = arith.muli %add3A, %mul3A_40 : i32
    %add3A_42 = arith.constant 32768 : i32
    %add3A_43 = arith.addi %add3A_42, %mul3A_41 : i32
    %run_scoped3A_44 = arith.constant 8 : i32
    "tpu.region"() ({
      %run_scoped3A_82 = tpu.sem_alloc : memref<!tpu.dma_semaphore, #tpu.memory_space<semaphore_mem>>
      %dma_start3A = arith.constant 0 : i32
      %dma_start3A_83 = tpu.memref_slice %arg5[%run_scoped3A_44, %dma_start3A] : memref<13x128xi32, #tpu.memory_space<vmem>> -> memref<1x128xi32, #tpu.memory_space<vmem>>
      %dma_start3A_84 = tpu.memref_squeeze %dma_start3A_83 : memref<1x128xi32, #tpu.memory_space<vmem>> -> memref<128xi32, #tpu.memory_space<vmem>>
      %dma_start3A_85 = tpu.memref_slice %arg2[%add3A_43] : memref<53248xi32, #tpu.memory_space<hbm>> -> memref<128xi32, #tpu.memory_space<hbm>>
      %dma_start3A_86 = arith.constant 0 : i32
      %dma_start3A_87 = tpu.memref_slice %arg5[%run_scoped3A_44, %dma_start3A_86] : memref<13x128xi32, #tpu.memory_space<vmem>> -> memref<1x128xi32, #tpu.memory_space<vmem>>
      %dma_start3A_88 = tpu.memref_squeeze %dma_start3A_87 : memref<1x128xi32, #tpu.memory_space<vmem>> -> memref<128xi32, #tpu.memory_space<vmem>>
      %dma_start3A_89 = tpu.memref_slice %arg2[%add3A_43] : memref<53248xi32, #tpu.memory_space<hbm>> -> memref<128xi32, #tpu.memory_space<hbm>>
      tpu.enqueue_dma source(%dma_start3A_89 : memref<128xi32, #tpu.memory_space<hbm>>) target(%dma_start3A_88 : memref<128xi32, #tpu.memory_space<vmem>>) target_semaphore(%run_scoped3A_82 : memref<!tpu.dma_semaphore, #tpu.memory_space<semaphore_mem>>)
      %dma_wait3A = arith.constant 0 : i32
      %dma_wait3A_90 = tpu.memref_slice %arg5[%run_scoped3A_44, %dma_wait3A] : memref<13x128xi32, #tpu.memory_space<vmem>> -> memref<1x128xi32, #tpu.memory_space<vmem>>
      %dma_wait3A_91 = tpu.memref_squeeze %dma_wait3A_90 : memref<1x128xi32, #tpu.memory_space<vmem>> -> memref<128xi32, #tpu.memory_space<vmem>>
      %dma_wait3A_92 = tpu.memref_slice %arg2[%add3A_43] : memref<53248xi32, #tpu.memory_space<hbm>> -> memref<128xi32, #tpu.memory_space<hbm>>
      %dma_wait3A_93 = arith.constant 0 : i32
      %dma_wait3A_94 = tpu.memref_slice %arg5[%run_scoped3A_44, %dma_wait3A_93] : memref<13x128xi32, #tpu.memory_space<vmem>> -> memref<1x128xi32, #tpu.memory_space<vmem>>
      %dma_wait3A_95 = tpu.memref_squeeze %dma_wait3A_94 : memref<1x128xi32, #tpu.memory_space<vmem>> -> memref<128xi32, #tpu.memory_space<vmem>>
      %dma_wait3A_96 = tpu.memref_slice %arg2[%add3A_43] : memref<53248xi32, #tpu.memory_space<hbm>> -> memref<128xi32, #tpu.memory_space<hbm>>
      tpu.wait_dma2 semaphore(%run_scoped3A_82 : memref<!tpu.dma_semaphore, #tpu.memory_space<semaphore_mem>>) src(%dma_wait3A_96 : memref<128xi32, #tpu.memory_space<hbm>>) dst(%dma_wait3A_95 : memref<128xi32, #tpu.memory_space<vmem>>)
      tpu.yield
    }) : () -> ()
    %mul3A_45 = arith.constant 128 : i32
    %mul3A_46 = arith.muli %add3A, %mul3A_45 : i32
    %add3A_47 = arith.constant 36864 : i32
    %add3A_48 = arith.addi %add3A_47, %mul3A_46 : i32
    %run_scoped3A_49 = arith.constant 9 : i32
    "tpu.region"() ({
      %run_scoped3A_82 = tpu.sem_alloc : memref<!tpu.dma_semaphore, #tpu.memory_space<semaphore_mem>>
      %dma_start3A = arith.constant 0 : i32
      %dma_start3A_83 = tpu.memref_slice %arg5[%run_scoped3A_49, %dma_start3A] : memref<13x128xi32, #tpu.memory_space<vmem>> -> memref<1x128xi32, #tpu.memory_space<vmem>>
      %dma_start3A_84 = tpu.memref_squeeze %dma_start3A_83 : memref<1x128xi32, #tpu.memory_space<vmem>> -> memref<128xi32, #tpu.memory_space<vmem>>
      %dma_start3A_85 = tpu.memref_slice %arg2[%add3A_48] : memref<53248xi32, #tpu.memory_space<hbm>> -> memref<128xi32, #tpu.memory_space<hbm>>
      %dma_start3A_86 = arith.constant 0 : i32
      %dma_start3A_87 = tpu.memref_slice %arg5[%run_scoped3A_49, %dma_start3A_86] : memref<13x128xi32, #tpu.memory_space<vmem>> -> memref<1x128xi32, #tpu.memory_space<vmem>>
      %dma_start3A_88 = tpu.memref_squeeze %dma_start3A_87 : memref<1x128xi32, #tpu.memory_space<vmem>> -> memref<128xi32, #tpu.memory_space<vmem>>
      %dma_start3A_89 = tpu.memref_slice %arg2[%add3A_48] : memref<53248xi32, #tpu.memory_space<hbm>> -> memref<128xi32, #tpu.memory_space<hbm>>
      tpu.enqueue_dma source(%dma_start3A_89 : memref<128xi32, #tpu.memory_space<hbm>>) target(%dma_start3A_88 : memref<128xi32, #tpu.memory_space<vmem>>) target_semaphore(%run_scoped3A_82 : memref<!tpu.dma_semaphore, #tpu.memory_space<semaphore_mem>>)
      %dma_wait3A = arith.constant 0 : i32
      %dma_wait3A_90 = tpu.memref_slice %arg5[%run_scoped3A_49, %dma_wait3A] : memref<13x128xi32, #tpu.memory_space<vmem>> -> memref<1x128xi32, #tpu.memory_space<vmem>>
      %dma_wait3A_91 = tpu.memref_squeeze %dma_wait3A_90 : memref<1x128xi32, #tpu.memory_space<vmem>> -> memref<128xi32, #tpu.memory_space<vmem>>
      %dma_wait3A_92 = tpu.memref_slice %arg2[%add3A_48] : memref<53248xi32, #tpu.memory_space<hbm>> -> memref<128xi32, #tpu.memory_space<hbm>>
      %dma_wait3A_93 = arith.constant 0 : i32
      %dma_wait3A_94 = tpu.memref_slice %arg5[%run_scoped3A_49, %dma_wait3A_93] : memref<13x128xi32, #tpu.memory_space<vmem>> -> memref<1x128xi32, #tpu.memory_space<vmem>>
      %dma_wait3A_95 = tpu.memref_squeeze %dma_wait3A_94 : memref<1x128xi32, #tpu.memory_space<vmem>> -> memref<128xi32, #tpu.memory_space<vmem>>
      %dma_wait3A_96 = tpu.memref_slice %arg2[%add3A_48] : memref<53248xi32, #tpu.memory_space<hbm>> -> memref<128xi32, #tpu.memory_space<hbm>>
      tpu.wait_dma2 semaphore(%run_scoped3A_82 : memref<!tpu.dma_semaphore, #tpu.memory_space<semaphore_mem>>) src(%dma_wait3A_96 : memref<128xi32, #tpu.memory_space<hbm>>) dst(%dma_wait3A_95 : memref<128xi32, #tpu.memory_space<vmem>>)
      tpu.yield
    }) : () -> ()
    %mul3A_50 = arith.constant 128 : i32
    %mul3A_51 = arith.muli %add3A, %mul3A_50 : i32
    %add3A_52 = arith.constant 40960 : i32
    %add3A_53 = arith.addi %add3A_52, %mul3A_51 : i32
    %run_scoped3A_54 = arith.constant 10 : i32
    "tpu.region"() ({
      %run_scoped3A_82 = tpu.sem_alloc : memref<!tpu.dma_semaphore, #tpu.memory_space<semaphore_mem>>
      %dma_start3A = arith.constant 0 : i32
      %dma_start3A_83 = tpu.memref_slice %arg5[%run_scoped3A_54, %dma_start3A] : memref<13x128xi32, #tpu.memory_space<vmem>> -> memref<1x128xi32, #tpu.memory_space<vmem>>
      %dma_start3A_84 = tpu.memref_squeeze %dma_start3A_83 : memref<1x128xi32, #tpu.memory_space<vmem>> -> memref<128xi32, #tpu.memory_space<vmem>>
      %dma_start3A_85 = tpu.memref_slice %arg2[%add3A_53] : memref<53248xi32, #tpu.memory_space<hbm>> -> memref<128xi32, #tpu.memory_space<hbm>>
      %dma_start3A_86 = arith.constant 0 : i32
      %dma_start3A_87 = tpu.memref_slice %arg5[%run_scoped3A_54, %dma_start3A_86] : memref<13x128xi32, #tpu.memory_space<vmem>> -> memref<1x128xi32, #tpu.memory_space<vmem>>
      %dma_start3A_88 = tpu.memref_squeeze %dma_start3A_87 : memref<1x128xi32, #tpu.memory_space<vmem>> -> memref<128xi32, #tpu.memory_space<vmem>>
      %dma_start3A_89 = tpu.memref_slice %arg2[%add3A_53] : memref<53248xi32, #tpu.memory_space<hbm>> -> memref<128xi32, #tpu.memory_space<hbm>>
      tpu.enqueue_dma source(%dma_start3A_89 : memref<128xi32, #tpu.memory_space<hbm>>) target(%dma_start3A_88 : memref<128xi32, #tpu.memory_space<vmem>>) target_semaphore(%run_scoped3A_82 : memref<!tpu.dma_semaphore, #tpu.memory_space<semaphore_mem>>)
      %dma_wait3A = arith.constant 0 : i32
      %dma_wait3A_90 = tpu.memref_slice %arg5[%run_scoped3A_54, %dma_wait3A] : memref<13x128xi32, #tpu.memory_space<vmem>> -> memref<1x128xi32, #tpu.memory_space<vmem>>
      %dma_wait3A_91 = tpu.memref_squeeze %dma_wait3A_90 : memref<1x128xi32, #tpu.memory_space<vmem>> -> memref<128xi32, #tpu.memory_space<vmem>>
      %dma_wait3A_92 = tpu.memref_slice %arg2[%add3A_53] : memref<53248xi32, #tpu.memory_space<hbm>> -> memref<128xi32, #tpu.memory_space<hbm>>
      %dma_wait3A_93 = arith.constant 0 : i32
      %dma_wait3A_94 = tpu.memref_slice %arg5[%run_scoped3A_54, %dma_wait3A_93] : memref<13x128xi32, #tpu.memory_space<vmem>> -> memref<1x128xi32, #tpu.memory_space<vmem>>
      %dma_wait3A_95 = tpu.memref_squeeze %dma_wait3A_94 : memref<1x128xi32, #tpu.memory_space<vmem>> -> memref<128xi32, #tpu.memory_space<vmem>>
      %dma_wait3A_96 = tpu.memref_slice %arg2[%add3A_53] : memref<53248xi32, #tpu.memory_space<hbm>> -> memref<128xi32, #tpu.memory_space<hbm>>
      tpu.wait_dma2 semaphore(%run_scoped3A_82 : memref<!tpu.dma_semaphore, #tpu.memory_space<semaphore_mem>>) src(%dma_wait3A_96 : memref<128xi32, #tpu.memory_space<hbm>>) dst(%dma_wait3A_95 : memref<128xi32, #tpu.memory_space<vmem>>)
      tpu.yield
    }) : () -> ()
    %mul3A_55 = arith.constant 128 : i32
    %mul3A_56 = arith.muli %add3A, %mul3A_55 : i32
    %add3A_57 = arith.constant 45056 : i32
    %add3A_58 = arith.addi %add3A_57, %mul3A_56 : i32
    %run_scoped3A_59 = arith.constant 11 : i32
    "tpu.region"() ({
      %run_scoped3A_82 = tpu.sem_alloc : memref<!tpu.dma_semaphore, #tpu.memory_space<semaphore_mem>>
      %dma_start3A = arith.constant 0 : i32
      %dma_start3A_83 = tpu.memref_slice %arg5[%run_scoped3A_59, %dma_start3A] : memref<13x128xi32, #tpu.memory_space<vmem>> -> memref<1x128xi32, #tpu.memory_space<vmem>>
      %dma_start3A_84 = tpu.memref_squeeze %dma_start3A_83 : memref<1x128xi32, #tpu.memory_space<vmem>> -> memref<128xi32, #tpu.memory_space<vmem>>
      %dma_start3A_85 = tpu.memref_slice %arg2[%add3A_58] : memref<53248xi32, #tpu.memory_space<hbm>> -> memref<128xi32, #tpu.memory_space<hbm>>
      %dma_start3A_86 = arith.constant 0 : i32
      %dma_start3A_87 = tpu.memref_slice %arg5[%run_scoped3A_59, %dma_start3A_86] : memref<13x128xi32, #tpu.memory_space<vmem>> -> memref<1x128xi32, #tpu.memory_space<vmem>>
      %dma_start3A_88 = tpu.memref_squeeze %dma_start3A_87 : memref<1x128xi32, #tpu.memory_space<vmem>> -> memref<128xi32, #tpu.memory_space<vmem>>
      %dma_start3A_89 = tpu.memref_slice %arg2[%add3A_58] : memref<53248xi32, #tpu.memory_space<hbm>> -> memref<128xi32, #tpu.memory_space<hbm>>
      tpu.enqueue_dma source(%dma_start3A_89 : memref<128xi32, #tpu.memory_space<hbm>>) target(%dma_start3A_88 : memref<128xi32, #tpu.memory_space<vmem>>) target_semaphore(%run_scoped3A_82 : memref<!tpu.dma_semaphore, #tpu.memory_space<semaphore_mem>>)
      %dma_wait3A = arith.constant 0 : i32
      %dma_wait3A_90 = tpu.memref_slice %arg5[%run_scoped3A_59, %dma_wait3A] : memref<13x128xi32, #tpu.memory_space<vmem>> -> memref<1x128xi32, #tpu.memory_space<vmem>>
      %dma_wait3A_91 = tpu.memref_squeeze %dma_wait3A_90 : memref<1x128xi32, #tpu.memory_space<vmem>> -> memref<128xi32, #tpu.memory_space<vmem>>
      %dma_wait3A_92 = tpu.memref_slice %arg2[%add3A_58] : memref<53248xi32, #tpu.memory_space<hbm>> -> memref<128xi32, #tpu.memory_space<hbm>>
      %dma_wait3A_93 = arith.constant 0 : i32
      %dma_wait3A_94 = tpu.memref_slice %arg5[%run_scoped3A_59, %dma_wait3A_93] : memref<13x128xi32, #tpu.memory_space<vmem>> -> memref<1x128xi32, #tpu.memory_space<vmem>>
      %dma_wait3A_95 = tpu.memref_squeeze %dma_wait3A_94 : memref<1x128xi32, #tpu.memory_space<vmem>> -> memref<128xi32, #tpu.memory_space<vmem>>
      %dma_wait3A_96 = tpu.memref_slice %arg2[%add3A_58] : memref<53248xi32, #tpu.memory_space<hbm>> -> memref<128xi32, #tpu.memory_space<hbm>>
      tpu.wait_dma2 semaphore(%run_scoped3A_82 : memref<!tpu.dma_semaphore, #tpu.memory_space<semaphore_mem>>) src(%dma_wait3A_96 : memref<128xi32, #tpu.memory_space<hbm>>) dst(%dma_wait3A_95 : memref<128xi32, #tpu.memory_space<vmem>>)
      tpu.yield
    }) : () -> ()
    %mul3A_60 = arith.constant 128 : i32
    %mul3A_61 = arith.muli %add3A, %mul3A_60 : i32
    %add3A_62 = arith.constant 49152 : i32
    %add3A_63 = arith.addi %add3A_62, %mul3A_61 : i32
    %run_scoped3A_64 = arith.constant 12 : i32
    "tpu.region"() ({
      %run_scoped3A_82 = tpu.sem_alloc : memref<!tpu.dma_semaphore, #tpu.memory_space<semaphore_mem>>
      %dma_start3A = arith.constant 0 : i32
      %dma_start3A_83 = tpu.memref_slice %arg5[%run_scoped3A_64, %dma_start3A] : memref<13x128xi32, #tpu.memory_space<vmem>> -> memref<1x128xi32, #tpu.memory_space<vmem>>
      %dma_start3A_84 = tpu.memref_squeeze %dma_start3A_83 : memref<1x128xi32, #tpu.memory_space<vmem>> -> memref<128xi32, #tpu.memory_space<vmem>>
      %dma_start3A_85 = tpu.memref_slice %arg2[%add3A_63] : memref<53248xi32, #tpu.memory_space<hbm>> -> memref<128xi32, #tpu.memory_space<hbm>>
      %dma_start3A_86 = arith.constant 0 : i32
      %dma_start3A_87 = tpu.memref_slice %arg5[%run_scoped3A_64, %dma_start3A_86] : memref<13x128xi32, #tpu.memory_space<vmem>> -> memref<1x128xi32, #tpu.memory_space<vmem>>
      %dma_start3A_88 = tpu.memref_squeeze %dma_start3A_87 : memref<1x128xi32, #tpu.memory_space<vmem>> -> memref<128xi32, #tpu.memory_space<vmem>>
      %dma_start3A_89 = tpu.memref_slice %arg2[%add3A_63] : memref<53248xi32, #tpu.memory_space<hbm>> -> memref<128xi32, #tpu.memory_space<hbm>>
      tpu.enqueue_dma source(%dma_start3A_89 : memref<128xi32, #tpu.memory_space<hbm>>) target(%dma_start3A_88 : memref<128xi32, #tpu.memory_space<vmem>>) target_semaphore(%run_scoped3A_82 : memref<!tpu.dma_semaphore, #tpu.memory_space<semaphore_mem>>)
      %dma_wait3A = arith.constant 0 : i32
      %dma_wait3A_90 = tpu.memref_slice %arg5[%run_scoped3A_64, %dma_wait3A] : memref<13x128xi32, #tpu.memory_space<vmem>> -> memref<1x128xi32, #tpu.memory_space<vmem>>
      %dma_wait3A_91 = tpu.memref_squeeze %dma_wait3A_90 : memref<1x128xi32, #tpu.memory_space<vmem>> -> memref<128xi32, #tpu.memory_space<vmem>>
      %dma_wait3A_92 = tpu.memref_slice %arg2[%add3A_63] : memref<53248xi32, #tpu.memory_space<hbm>> -> memref<128xi32, #tpu.memory_space<hbm>>
      %dma_wait3A_93 = arith.constant 0 : i32
      %dma_wait3A_94 = tpu.memref_slice %arg5[%run_scoped3A_64, %dma_wait3A_93] : memref<13x128xi32, #tpu.memory_space<vmem>> -> memref<1x128xi32, #tpu.memory_space<vmem>>
      %dma_wait3A_95 = tpu.memref_squeeze %dma_wait3A_94 : memref<1x128xi32, #tpu.memory_space<vmem>> -> memref<128xi32, #tpu.memory_space<vmem>>
      %dma_wait3A_96 = tpu.memref_slice %arg2[%add3A_63] : memref<53248xi32, #tpu.memory_space<hbm>> -> memref<128xi32, #tpu.memory_space<hbm>>
      tpu.wait_dma2 semaphore(%run_scoped3A_82 : memref<!tpu.dma_semaphore, #tpu.memory_space<semaphore_mem>>) src(%dma_wait3A_96 : memref<128xi32, #tpu.memory_space<hbm>>) dst(%dma_wait3A_95 : memref<128xi32, #tpu.memory_space<vmem>>)
      tpu.yield
    }) : () -> ()
    %scan3A = arith.constant 0 : i32
    %scan3A_65 = arith.constant 0 : i32
    %scan3A_66 = arith.constant 208 : i32
    %scan3A_67 = arith.addi %scan3A_65, %scan3A_66 : i32
    %scan3A_68 = arith.constant 1 : i32
    scf.for %scan3A_82 = %scan3A_65 to %scan3A_67 step %scan3A_68  : i32 {
      %add3A_83 = arith.constant 0 : i32
      %add3A_84 = arith.addi %add3A_83, %scan3A_82 : i32
      %shift_right_logical3A = arith.constant 4 : i32
      %shift_right_logical3A_85 = arith.shrui %add3A_84, %shift_right_logical3A : i32
      %mul3A_86 = arith.constant 102400 : i32
      %mul3A_87 = arith.muli %add3A_84, %mul3A_86 : i32
      %get3A = arith.index_cast %shift_right_logical3A_85 : i32 to index
      %get3A_88 = arith.constant 0 : index
      %get3A_89 = tpu.vector_load %arg5[%get3A, %get3A_88] {strides = array<i32>} : memref<13x128xi32, #tpu.memory_space<vmem>>, vector<1x16xi32>,
      %get3A_90 = vector.shape_cast %get3A_89 : vector<1x16xi32> to vector<16xi32>
      %add3A_91 = vector.broadcast %mul3A_87 : i32 to vector<16xi32>
      %add3A_92 = arith.addi %get3A_90, %add3A_91 : vector<16xi32>
      %swap3A = arith.index_cast %scan3A_82 : i32 to index
      %swap3A_93 = arith.constant 0 : index
      %swap3A_94 = tpu.vector_load %arg6[%swap3A, %swap3A_93] {strides = array<i32>} : memref<208x128xi32, #tpu.memory_space<vmem>>, vector<1x16xi32>,
      %swap3A_95 = vector.shape_cast %swap3A_94 : vector<1x16xi32> to vector<16xi32>
      %swap3A_96 = vector.shape_cast %add3A_92 : vector<16xi32> to vector<1x16xi32>
      tpu.vector_store %arg6[%swap3A, %swap3A_93], %swap3A_96 {strides = array<i32>} : memref<208x128xi32, #tpu.memory_space<vmem>>, vector<1x16xi32>,
      %get3A_97 = arith.index_cast %shift_right_logical3A_85 : i32 to index
      %get3A_98 = arith.constant 16 : index
      %get3A_99 = tpu.vector_load %arg5[%get3A_97, %get3A_98] {strides = array<i32>} : memref<13x128xi32, #tpu.memory_space<vmem>>, vector<1x16xi32>,
      %get3A_100 = vector.shape_cast %get3A_99 : vector<1x16xi32> to vector<16xi32>
      %add3A_101 = vector.broadcast %mul3A_87 : i32 to vector<16xi32>
      %add3A_102 = arith.addi %get3A_100, %add3A_101 : vector<16xi32>
      %swap3A_103 = arith.index_cast %scan3A_82 : i32 to index
      %swap3A_104 = arith.constant 16 : index
      %swap3A_105 = tpu.vector_load %arg6[%swap3A_103, %swap3A_104] {strides = array<i32>} : memref<208x128xi32, #tpu.memory_space<vmem>>, vector<1x16xi32>,
      %swap3A_106 = vector.shape_cast %swap3A_105 : vector<1x16xi32> to vector<16xi32>
      %swap3A_107 = vector.shape_cast %add3A_102 : vector<16xi32> to vector<1x16xi32>
      tpu.vector_store %arg6[%swap3A_103, %swap3A_104], %swap3A_107 {strides = array<i32>} : memref<208x128xi32, #tpu.memory_space<vmem>>, vector<1x16xi32>,
      %get3A_108 = arith.index_cast %shift_right_logical3A_85 : i32 to index
      %get3A_109 = arith.constant 32 : index
      %get3A_110 = tpu.vector_load %arg5[%get3A_108, %get3A_109] {strides = array<i32>} : memref<13x128xi32, #tpu.memory_space<vmem>>, vector<1x16xi32>,
      %get3A_111 = vector.shape_cast %get3A_110 : vector<1x16xi32> to vector<16xi32>
      %add3A_112 = vector.broadcast %mul3A_87 : i32 to vector<16xi32>
      %add3A_113 = arith.addi %get3A_111, %add3A_112 : vector<16xi32>
      %swap3A_114 = arith.index_cast %scan3A_82 : i32 to index
      %swap3A_115 = arith.constant 32 : index
      %swap3A_116 = tpu.vector_load %arg6[%swap3A_114, %swap3A_115] {strides = array<i32>} : memref<208x128xi32, #tpu.memory_space<vmem>>, vector<1x16xi32>,
      %swap3A_117 = vector.shape_cast %swap3A_116 : vector<1x16xi32> to vector<16xi32>
      %swap3A_118 = vector.shape_cast %add3A_113 : vector<16xi32> to vector<1x16xi32>
      tpu.vector_store %arg6[%swap3A_114, %swap3A_115], %swap3A_118 {strides = array<i32>} : memref<208x128xi32, #tpu.memory_space<vmem>>, vector<1x16xi32>,
      %get3A_119 = arith.index_cast %shift_right_logical3A_85 : i32 to index
      %get3A_120 = arith.constant 48 : index
      %get3A_121 = tpu.vector_load %arg5[%get3A_119, %get3A_120] {strides = array<i32>} : memref<13x128xi32, #tpu.memory_space<vmem>>, vector<1x16xi32>,
      %get3A_122 = vector.shape_cast %get3A_121 : vector<1x16xi32> to vector<16xi32>
      %add3A_123 = vector.broadcast %mul3A_87 : i32 to vector<16xi32>
      %add3A_124 = arith.addi %get3A_122, %add3A_123 : vector<16xi32>
      %swap3A_125 = arith.index_cast %scan3A_82 : i32 to index
      %swap3A_126 = arith.constant 48 : index
      %swap3A_127 = tpu.vector_load %arg6[%swap3A_125, %swap3A_126] {strides = array<i32>} : memref<208x128xi32, #tpu.memory_space<vmem>>, vector<1x16xi32>,
      %swap3A_128 = vector.shape_cast %swap3A_127 : vector<1x16xi32> to vector<16xi32>
      %swap3A_129 = vector.shape_cast %add3A_124 : vector<16xi32> to vector<1x16xi32>
      tpu.vector_store %arg6[%swap3A_125, %swap3A_126], %swap3A_129 {strides = array<i32>} : memref<208x128xi32, #tpu.memory_space<vmem>>, vector<1x16xi32>,
      %get3A_130 = arith.index_cast %shift_right_logical3A_85 : i32 to index
      %get3A_131 = arith.constant 64 : index
      %get3A_132 = tpu.vector_load %arg5[%get3A_130, %get3A_131] {strides = array<i32>} : memref<13x128xi32, #tpu.memory_space<vmem>>, vector<1x16xi32>,
      %get3A_133 = vector.shape_cast %get3A_132 : vector<1x16xi32> to vector<16xi32>
      %add3A_134 = vector.broadcast %mul3A_87 : i32 to vector<16xi32>
      %add3A_135 = arith.addi %get3A_133, %add3A_134 : vector<16xi32>
      %swap3A_136 = arith.index_cast %scan3A_82 : i32 to index
      %swap3A_137 = arith.constant 64 : index
      %swap3A_138 = tpu.vector_load %arg6[%swap3A_136, %swap3A_137] {strides = array<i32>} : memref<208x128xi32, #tpu.memory_space<vmem>>, vector<1x16xi32>,
      %swap3A_139 = vector.shape_cast %swap3A_138 : vector<1x16xi32> to vector<16xi32>
      %swap3A_140 = vector.shape_cast %add3A_135 : vector<16xi32> to vector<1x16xi32>
      tpu.vector_store %arg6[%swap3A_136, %swap3A_137], %swap3A_140 {strides = array<i32>} : memref<208x128xi32, #tpu.memory_space<vmem>>, vector<1x16xi32>,
      %get3A_141 = arith.index_cast %shift_right_logical3A_85 : i32 to index
      %get3A_142 = arith.constant 80 : index
      %get3A_143 = tpu.vector_load %arg5[%get3A_141, %get3A_142] {strides = array<i32>} : memref<13x128xi32, #tpu.memory_space<vmem>>, vector<1x16xi32>,
      %get3A_144 = vector.shape_cast %get3A_143 : vector<1x16xi32> to vector<16xi32>
      %add3A_145 = vector.broadcast %mul3A_87 : i32 to vector<16xi32>
      %add3A_146 = arith.addi %get3A_144, %add3A_145 : vector<16xi32>
      %swap3A_147 = arith.index_cast %scan3A_82 : i32 to index
      %swap3A_148 = arith.constant 80 : index
      %swap3A_149 = tpu.vector_load %arg6[%swap3A_147, %swap3A_148] {strides = array<i32>} : memref<208x128xi32, #tpu.memory_space<vmem>>, vector<1x16xi32>,
      %swap3A_150 = vector.shape_cast %swap3A_149 : vector<1x16xi32> to vector<16xi32>
      %swap3A_151 = vector.shape_cast %add3A_146 : vector<16xi32> to vector<1x16xi32>
      tpu.vector_store %arg6[%swap3A_147, %swap3A_148], %swap3A_151 {strides = array<i32>} : memref<208x128xi32, #tpu.memory_space<vmem>>, vector<1x16xi32>,
      %get3A_152 = arith.index_cast %shift_right_logical3A_85 : i32 to index
      %get3A_153 = arith.constant 96 : index
      %get3A_154 = tpu.vector_load %arg5[%get3A_152, %get3A_153] {strides = array<i32>} : memref<13x128xi32, #tpu.memory_space<vmem>>, vector<1x16xi32>,
      %get3A_155 = vector.shape_cast %get3A_154 : vector<1x16xi32> to vector<16xi32>
      %add3A_156 = vector.broadcast %mul3A_87 : i32 to vector<16xi32>
      %add3A_157 = arith.addi %get3A_155, %add3A_156 : vector<16xi32>
      %swap3A_158 = arith.index_cast %scan3A_82 : i32 to index
      %swap3A_159 = arith.constant 96 : index
      %swap3A_160 = tpu.vector_load %arg6[%swap3A_158, %swap3A_159] {strides = array<i32>} : memref<208x128xi32, #tpu.memory_space<vmem>>, vector<1x16xi32>,
      %swap3A_161 = vector.shape_cast %swap3A_160 : vector<1x16xi32> to vector<16xi32>
      %swap3A_162 = vector.shape_cast %add3A_157 : vector<16xi32> to vector<1x16xi32>
      tpu.vector_store %arg6[%swap3A_158, %swap3A_159], %swap3A_162 {strides = array<i32>} : memref<208x128xi32, #tpu.memory_space<vmem>>, vector<1x16xi32>,
      %get3A_163 = arith.index_cast %shift_right_logical3A_85 : i32 to index
      %get3A_164 = arith.constant 112 : index
      %get3A_165 = tpu.vector_load %arg5[%get3A_163, %get3A_164] {strides = array<i32>} : memref<13x128xi32, #tpu.memory_space<vmem>>, vector<1x16xi32>,
      %get3A_166 = vector.shape_cast %get3A_165 : vector<1x16xi32> to vector<16xi32>
      %add3A_167 = vector.broadcast %mul3A_87 : i32 to vector<16xi32>
      %add3A_168 = arith.addi %get3A_166, %add3A_167 : vector<16xi32>
      %swap3A_169 = arith.index_cast %scan3A_82 : i32 to index
      %swap3A_170 = arith.constant 112 : index
      %swap3A_171 = tpu.vector_load %arg6[%swap3A_169, %swap3A_170] {strides = array<i32>} : memref<208x128xi32, #tpu.memory_space<vmem>>, vector<1x16xi32>,
      %swap3A_172 = vector.shape_cast %swap3A_171 : vector<1x16xi32> to vector<16xi32>
      %swap3A_173 = vector.shape_cast %add3A_168 : vector<16xi32> to vector<1x16xi32>
      tpu.vector_store %arg6[%swap3A_169, %swap3A_170], %swap3A_173 {strides = array<i32>} : memref<208x128xi32, #tpu.memory_space<vmem>>, vector<1x16xi32>,
    }
    %scan3A_69 = arith.constant 208 : i32
    %scan3A_70 = arith.constant 0 : i32
    %scan3A_71 = arith.constant 0 : i32
    %scan3A_72 = arith.constant 208 : i32
    %scan3A_73 = arith.addi %scan3A_71, %scan3A_72 : i32
    %scan3A_74 = arith.constant 1 : i32
    scf.for %scan3A_82 = %scan3A_71 to %scan3A_73 step %scan3A_74  : i32 {
      %dma_start3A = arith.constant 0 : i32
      %dma_start3A_83 = tpu.memref_slice %arg7[%scan3A_82, %dma_start3A] : memref<208x128xi32, #tpu.memory_space<vmem>> -> memref<1x128xi32, #tpu.memory_space<vmem>>
      %dma_start3A_84 = tpu.memref_squeeze %dma_start3A_83 : memref<1x128xi32, #tpu.memory_space<vmem>> -> memref<128xi32, #tpu.memory_space<vmem>>
      %dma_start3A_85 = arith.constant 0 : i32
      %dma_start3A_86 = tpu.memref_slice %arg6[%scan3A_82, %dma_start3A_85] : memref<208x128xi32, #tpu.memory_space<vmem>> -> memref<1x128xi32, #tpu.memory_space<vmem>>
      %dma_start3A_87 = tpu.memref_squeeze %dma_start3A_86 : memref<1x128xi32, #tpu.memory_space<vmem>> -> memref<128xi32, #tpu.memory_space<vmem>>
      %dma_start3A_88 = arith.constant 0 : i32
      %dma_start3A_89 = tpu.memref_slice %arg3[%dma_start3A_88] : memref<21299200xi32, #tpu.memory_space<hbm>> -> memref<21299200xi32, #tpu.memory_space<hbm>>
      tpu.enqueue_indirect_dma source(%dma_start3A_89 : memref<21299200xi32, #tpu.memory_space<hbm>>) target(%dma_start3A_84 : memref<128xi32, #tpu.memory_space<vmem>>) offsets(%dma_start3A_87 : memref<128xi32, #tpu.memory_space<vmem>>) semaphore(%arg8 : memref<!tpu.dma_semaphore, #tpu.memory_space<semaphore_mem>>)
    }
    %scan3A_75 = arith.constant 208 : i32
    %scan3A_76 = arith.constant 0 : i32
    %scan3A_77 = arith.constant 0 : i32
    %scan3A_78 = arith.constant 208 : i32
    %scan3A_79 = arith.addi %scan3A_77, %scan3A_78 : i32
    %scan3A_80 = arith.constant 1 : i32
    scf.for %scan3A_82 = %scan3A_77 to %scan3A_79 step %scan3A_80  : i32 {
      %dma_wait3A = arith.constant 0 : i32
      %dma_wait3A_83 = tpu.memref_slice %arg7[%scan3A_82, %dma_wait3A] : memref<208x128xi32, #tpu.memory_space<vmem>> -> memref<1x128xi32, #tpu.memory_space<vmem>>
      %dma_wait3A_84 = tpu.memref_squeeze %dma_wait3A_83 : memref<1x128xi32, #tpu.memory_space<vmem>> -> memref<128xi32, #tpu.memory_space<vmem>>
      %dma_wait3A_85 = arith.constant 0 : i32
      %dma_wait3A_86 = tpu.memref_slice %arg3[%dma_wait3A_85] : memref<21299200xi32, #tpu.memory_space<hbm>> -> memref<128xi32, #tpu.memory_space<hbm>>
      %dma_wait3A_87 = arith.constant 0 : i32
      %dma_wait3A_88 = tpu.memref_slice %arg7[%scan3A_82, %dma_wait3A_87] : memref<208x128xi32, #tpu.memory_space<vmem>> -> memref<1x128xi32, #tpu.memory_space<vmem>>
      %dma_wait3A_89 = tpu.memref_squeeze %dma_wait3A_88 : memref<1x128xi32, #tpu.memory_space<vmem>> -> memref<128xi32, #tpu.memory_space<vmem>>
      %dma_wait3A_90 = arith.constant 0 : i32
      %dma_wait3A_91 = tpu.memref_slice %arg3[%dma_wait3A_90] : memref<21299200xi32, #tpu.memory_space<hbm>> -> memref<128xi32, #tpu.memory_space<hbm>>
      tpu.wait_dma2 semaphore(%arg8 : memref<!tpu.dma_semaphore, #tpu.memory_space<semaphore_mem>>) src(%dma_wait3A_91 : memref<128xi32, #tpu.memory_space<hbm>>) dst(%dma_wait3A_89 : memref<128xi32, #tpu.memory_space<vmem>>)
    }
    %scan3A_81 = arith.constant 208 : i32
    "tpu.region"() ({
      %run_scoped3A_82 = tpu.sem_alloc : memref<!tpu.dma_semaphore, #tpu.memory_space<semaphore_mem>>
      %dma_start3A = arith.constant 0 : i32
      %dma_start3A_83 = arith.constant 0 : i32
      %dma_start3A_84 = tpu.memref_slice %arg4[%add3A, %dma_start3A, %dma_start3A_83] : memref<32x208x128xi32, #tpu.memory_space<hbm>> -> memref<1x208x128xi32, #tpu.memory_space<hbm>>
      %dma_start3A_85 = tpu.memref_squeeze %dma_start3A_84 : memref<1x208x128xi32, #tpu.memory_space<hbm>> -> memref<208x128xi32, #tpu.memory_space<hbm>>
      %dma_start3A_86 = arith.constant 0 : i32
      %dma_start3A_87 = arith.constant 0 : i32
      %dma_start3A_88 = tpu.memref_slice %arg4[%add3A, %dma_start3A_86, %dma_start3A_87] : memref<32x208x128xi32, #tpu.memory_space<hbm>> -> memref<1x208x128xi32, #tpu.memory_space<hbm>>
      %dma_start3A_89 = tpu.memref_squeeze %dma_start3A_88 : memref<1x208x128xi32, #tpu.memory_space<hbm>> -> memref<208x128xi32, #tpu.memory_space<hbm>>
      tpu.enqueue_dma source(%arg7 : memref<208x128xi32, #tpu.memory_space<vmem>>) target(%dma_start3A_89 : memref<208x128xi32, #tpu.memory_space<hbm>>) target_semaphore(%run_scoped3A_82 : memref<!tpu.dma_semaphore, #tpu.memory_space<semaphore_mem>>)
      %dma_wait3A = arith.constant 0 : i32
      %dma_wait3A_90 = arith.constant 0 : i32
      %dma_wait3A_91 = tpu.memref_slice %arg4[%add3A, %dma_wait3A, %dma_wait3A_90] : memref<32x208x128xi32, #tpu.memory_space<hbm>> -> memref<1x208x128xi32, #tpu.memory_space<hbm>>
      %dma_wait3A_92 = tpu.memref_squeeze %dma_wait3A_91 : memref<1x208x128xi32, #tpu.memory_space<hbm>> -> memref<208x128xi32, #tpu.memory_space<hbm>>
      %dma_wait3A_93 = arith.constant 0 : i32
      %dma_wait3A_94 = arith.constant 0 : i32
      %dma_wait3A_95 = tpu.memref_slice %arg4[%add3A, %dma_wait3A_93, %dma_wait3A_94] : memref<32x208x128xi32, #tpu.memory_space<hbm>> -> memref<1x208x128xi32, #tpu.memory_space<hbm>>
      %dma_wait3A_96 = tpu.memref_squeeze %dma_wait3A_95 : memref<1x208x128xi32, #tpu.memory_space<hbm>> -> memref<208x128xi32, #tpu.memory_space<hbm>>
      tpu.wait_dma2 semaphore(%run_scoped3A_82 : memref<!tpu.dma_semaphore, #tpu.memory_space<semaphore_mem>>) src(%arg7 : memref<208x128xi32, #tpu.memory_space<vmem>>) dst(%dma_wait3A_96 : memref<208x128xi32, #tpu.memory_space<hbm>>)
      tpu.yield
    }) : () -> ()
    return
  }
}

module attributes {stable_mosaic.version = 14 : i64} {
  func.func @_repack_body(%arg0: i32, %arg1: i32, %arg2: memref<1x8x102400xf32, #tpu.memory_space<vmem>>, %arg3: memref<1x8x102400xf32, #tpu.memory_space<vmem>>, %arg4: memref<8x800x128xi32, #tpu.memory_space<vmem>>) attributes {dimension_semantics = [#tpu.dimension_semantics<arbitrary>, #tpu.dimension_semantics<arbitrary>], iteration_bounds = array<i64: 52, 1>, scalar_prefetch = 0 : i64, scratch_operands = 0 : i64, tpu.core_type = #tpu.core_type<tc>, window_params = [{transform_indices = @transform_0, window_bounds = array<i64: 1, 8, 102400>}, {transform_indices = @transform_1, window_bounds = array<i64: 1, 8, 102400>}, {transform_indices = @transform_2, window_bounds = array<i64: 8, 800, 128>}]} {
    %get3A = arith.constant 0 : index
    %get3A_0 = arith.constant 0 : index
    %get3A_1 = arith.constant 0 : index
    %get3A_2 = vector.load %arg2[%get3A, %get3A_0, %get3A_1] : memref<1x8x102400xf32, #tpu.memory_space<vmem>>, vector<1x8x102400xf32>
    %get3A_3 = vector.shape_cast %get3A_2 : vector<1x8x102400xf32> to vector<8x102400xf32>
    %bitcast_convert_type3A = tpu.bitcast %get3A_3 : vector<8x102400xf32> -> vector<8x102400xi32>
    %get3A_4 = arith.constant 0 : index
    %get3A_5 = arith.constant 0 : index
    %get3A_6 = arith.constant 0 : index
    %get3A_7 = vector.load %arg3[%get3A_4, %get3A_5, %get3A_6] : memref<1x8x102400xf32, #tpu.memory_space<vmem>>, vector<1x8x102400xf32>
    %get3A_8 = vector.shape_cast %get3A_7 : vector<1x8x102400xf32> to vector<8x102400xf32>
    %bitcast_convert_type3A_9 = tpu.bitcast %get3A_8 : vector<8x102400xf32> -> vector<8x102400xi32>
    %and3A = arith.constant -65536 : i32
    %and3A_10 = vector.broadcast %and3A : i32 to vector<8x102400xi32>
    %and3A_11 = arith.andi %bitcast_convert_type3A, %and3A_10 : vector<8x102400xi32>
    %shift_right_logical3A = arith.constant 16 : i32
    %shift_right_logical3A_12 = vector.broadcast %shift_right_logical3A : i32 to vector<8x102400xi32>
    %shift_right_logical3A_13 = arith.shrui %bitcast_convert_type3A_9, %shift_right_logical3A_12 : vector<8x102400xi32>
    %or3A = arith.ori %and3A_11, %shift_right_logical3A_13 : vector<8x102400xi32>
    %reshape3A = vector.shape_cast %or3A : vector<8x102400xi32> to vector<8x800x128xi32>
    %swap3A = arith.constant 0 : index
    %swap3A_14 = arith.constant 0 : index
    %swap3A_15 = arith.constant 0 : index
    %swap3A_16 = vector.load %arg4[%swap3A, %swap3A_14, %swap3A_15] : memref<8x800x128xi32, #tpu.memory_space<vmem>>, vector<8x800x128xi32>
    tpu.vector_store %arg4[%swap3A, %swap3A_14, %swap3A_15], %reshape3A {strides = array<i32>} : memref<8x800x128xi32, #tpu.memory_space<vmem>>, vector<8x800x128xi32>,
    return
  }
  func.func @transform_0(%arg0: i32, %arg1: i32) -> (i32, i32, i32) {
    %jit3A = arith.constant 4 : i32
    %div3A = arith.divsi %arg0, %jit3A : i32
    %sign3A = arith.constant 0 : i32
    %sign3A_0 = arith.cmpi sgt, %arg0, %sign3A : i32
    %sign3A_1 = arith.extui %sign3A_0 : i1 to i32
    %sign3A_2 = arith.constant 0 : i32
    %sign3A_3 = arith.cmpi slt, %arg0, %sign3A_2 : i32
    %sign3A_4 = arith.extui %sign3A_3 : i1 to i32
    %sign3A_5 = arith.subi %sign3A_1, %sign3A_4 : i32
    %sign3A_6 = arith.constant 0 : i32
    %sign3A_7 = arith.cmpi sgt, %jit3A, %sign3A_6 : i32
    %sign3A_8 = arith.extui %sign3A_7 : i1 to i32
    %sign3A_9 = arith.constant 0 : i32
    %sign3A_10 = arith.cmpi slt, %jit3A, %sign3A_9 : i32
    %sign3A_11 = arith.extui %sign3A_10 : i1 to i32
    %sign3A_12 = arith.subi %sign3A_8, %sign3A_11 : i32
    %ne3A = arith.cmpi ne, %sign3A_5, %sign3A_12 : i32
    %rem3A = arith.remsi %arg0, %jit3A : i32
    %ne3A_13 = arith.constant 0 : i32
    %ne3A_14 = arith.cmpi ne, %rem3A, %ne3A_13 : i32
    %and3A = arith.andi %ne3A, %ne3A_14 : i1
    %sub3A = arith.constant 1 : i32
    %sub3A_15 = arith.subi %div3A, %sub3A : i32
    %select_n3A = arith.select %and3A, %sub3A_15, %div3A : i32
    %jit3A_16 = arith.constant 4 : i32
    %eq3A = arith.constant 0 : i32
    %eq3A_17 = arith.cmpi eq, %jit3A_16, %eq3A : i32
    %jit3A_18 = arith.constant 1 : i32
    %select_n3A_19 = arith.select %eq3A_17, %jit3A_18, %jit3A_16 : i32
    %rem3A_20 = arith.remsi %arg0, %select_n3A_19 : i32
    %ne3A_21 = arith.constant 0 : i32
    %ne3A_22 = arith.cmpi ne, %rem3A_20, %ne3A_21 : i32
    %lt3A = arith.constant 0 : i32
    %lt3A_23 = arith.cmpi slt, %rem3A_20, %lt3A : i32
    %lt3A_24 = arith.constant 0 : i32
    %lt3A_25 = arith.cmpi slt, %select_n3A_19, %lt3A_24 : i32
    %ne3A_26 = arith.xori %lt3A_23, %lt3A_25 : i1
    %and3A_27 = arith.andi %ne3A_26, %ne3A_22 : i1
    %add3A = arith.addi %rem3A_20, %select_n3A_19 : i32
    %select_n3A_28 = arith.select %and3A_27, %add3A, %rem3A_20 : i32
    %c0_i32 = arith.constant 0 : i32
    return %select_n3A, %select_n3A_28, %arg1 : i32, i32, i32
  }
  func.func @transform_1(%arg0: i32, %arg1: i32) -> (i32, i32, i32) {
    %jit3A = arith.constant 4 : i32
    %div3A = arith.divsi %arg0, %jit3A : i32
    %sign3A = arith.constant 0 : i32
    %sign3A_0 = arith.cmpi sgt, %arg0, %sign3A : i32
    %sign3A_1 = arith.extui %sign3A_0 : i1 to i32
    %sign3A_2 = arith.constant 0 : i32
    %sign3A_3 = arith.cmpi slt, %arg0, %sign3A_2 : i32
    %sign3A_4 = arith.extui %sign3A_3 : i1 to i32
    %sign3A_5 = arith.subi %sign3A_1, %sign3A_4 : i32
    %sign3A_6 = arith.constant 0 : i32
    %sign3A_7 = arith.cmpi sgt, %jit3A, %sign3A_6 : i32
    %sign3A_8 = arith.extui %sign3A_7 : i1 to i32
    %sign3A_9 = arith.constant 0 : i32
    %sign3A_10 = arith.cmpi slt, %jit3A, %sign3A_9 : i32
    %sign3A_11 = arith.extui %sign3A_10 : i1 to i32
    %sign3A_12 = arith.subi %sign3A_8, %sign3A_11 : i32
    %ne3A = arith.cmpi ne, %sign3A_5, %sign3A_12 : i32
    %rem3A = arith.remsi %arg0, %jit3A : i32
    %ne3A_13 = arith.constant 0 : i32
    %ne3A_14 = arith.cmpi ne, %rem3A, %ne3A_13 : i32
    %and3A = arith.andi %ne3A, %ne3A_14 : i1
    %sub3A = arith.constant 1 : i32
    %sub3A_15 = arith.subi %div3A, %sub3A : i32
    %select_n3A = arith.select %and3A, %sub3A_15, %div3A : i32
    %jit3A_16 = arith.constant 4 : i32
    %eq3A = arith.constant 0 : i32
    %eq3A_17 = arith.cmpi eq, %jit3A_16, %eq3A : i32
    %jit3A_18 = arith.constant 1 : i32
    %select_n3A_19 = arith.select %eq3A_17, %jit3A_18, %jit3A_16 : i32
    %rem3A_20 = arith.remsi %arg0, %select_n3A_19 : i32
    %ne3A_21 = arith.constant 0 : i32
    %ne3A_22 = arith.cmpi ne, %rem3A_20, %ne3A_21 : i32
    %lt3A = arith.constant 0 : i32
    %lt3A_23 = arith.cmpi slt, %rem3A_20, %lt3A : i32
    %lt3A_24 = arith.constant 0 : i32
    %lt3A_25 = arith.cmpi slt, %select_n3A_19, %lt3A_24 : i32
    %ne3A_26 = arith.xori %lt3A_23, %lt3A_25 : i1
    %and3A_27 = arith.andi %ne3A_26, %ne3A_22 : i1
    %add3A = arith.addi %rem3A_20, %select_n3A_19 : i32
    %select_n3A_28 = arith.select %and3A_27, %add3A, %rem3A_20 : i32
    %c0_i32 = arith.constant 0 : i32
    return %select_n3A, %select_n3A_28, %arg1 : i32, i32, i32
  }
  func.func @transform_2(%arg0: i32, %arg1: i32) -> (i32, i32, i32) {
    %c0_i32 = arith.constant 0 : i32
    %c0_i32_0 = arith.constant 0 : i32
    return %arg0, %arg1, %c0_i32 : i32, i32, i32
  }
}

module attributes {stable_mosaic.version = 14 : i64} {
  func.func @_repack_body(%arg0: i32, %arg1: i32, %arg2: memref<1x8x102400xf32, #tpu.memory_space<vmem>>, %arg3: memref<1x8x102400xf32, #tpu.memory_space<vmem>>, %arg4: memref<8x800x128xi32, #tpu.memory_space<vmem>>) attributes {dimension_semantics = [#tpu.dimension_semantics<arbitrary>, #tpu.dimension_semantics<arbitrary>], iteration_bounds = array<i64: 26, 1>, scalar_prefetch = 0 : i64, scratch_operands = 0 : i64, tpu.core_type = #tpu.core_type<tc>, window_params = [{transform_indices = @transform_0, window_bounds = array<i64: 1, 8, 102400>}, {transform_indices = @transform_1, window_bounds = array<i64: 1, 8, 102400>}, {transform_indices = @transform_2, window_bounds = array<i64: 8, 800, 128>}]} {
    %get3A = arith.constant 0 : index
    %get3A_0 = arith.constant 0 : index
    %get3A_1 = arith.constant 0 : index
    %get3A_2 = vector.load %arg2[%get3A, %get3A_0, %get3A_1] : memref<1x8x102400xf32, #tpu.memory_space<vmem>>, vector<1x8x102400xf32>
    %get3A_3 = vector.shape_cast %get3A_2 : vector<1x8x102400xf32> to vector<8x102400xf32>
    %bitcast_convert_type3A = tpu.bitcast %get3A_3 : vector<8x102400xf32> -> vector<8x102400xi32>
    %get3A_4 = arith.constant 0 : index
    %get3A_5 = arith.constant 0 : index
    %get3A_6 = arith.constant 0 : index
    %get3A_7 = vector.load %arg3[%get3A_4, %get3A_5, %get3A_6] : memref<1x8x102400xf32, #tpu.memory_space<vmem>>, vector<1x8x102400xf32>
    %get3A_8 = vector.shape_cast %get3A_7 : vector<1x8x102400xf32> to vector<8x102400xf32>
    %bitcast_convert_type3A_9 = tpu.bitcast %get3A_8 : vector<8x102400xf32> -> vector<8x102400xi32>
    %and3A = arith.constant -65536 : i32
    %and3A_10 = vector.broadcast %and3A : i32 to vector<8x102400xi32>
    %and3A_11 = arith.andi %bitcast_convert_type3A, %and3A_10 : vector<8x102400xi32>
    %shift_right_logical3A = arith.constant 16 : i32
    %shift_right_logical3A_12 = vector.broadcast %shift_right_logical3A : i32 to vector<8x102400xi32>
    %shift_right_logical3A_13 = arith.shrui %bitcast_convert_type3A_9, %shift_right_logical3A_12 : vector<8x102400xi32>
    %or3A = arith.ori %and3A_11, %shift_right_logical3A_13 : vector<8x102400xi32>
    %reshape3A = vector.shape_cast %or3A : vector<8x102400xi32> to vector<8x800x128xi32>
    %swap3A = arith.constant 0 : index
    %swap3A_14 = arith.constant 0 : index
    %swap3A_15 = arith.constant 0 : index
    %swap3A_16 = vector.load %arg4[%swap3A, %swap3A_14, %swap3A_15] : memref<8x800x128xi32, #tpu.memory_space<vmem>>, vector<8x800x128xi32>
    tpu.vector_store %arg4[%swap3A, %swap3A_14, %swap3A_15], %reshape3A {strides = array<i32>} : memref<8x800x128xi32, #tpu.memory_space<vmem>>, vector<8x800x128xi32>,
    return
  }
  func.func @transform_0(%arg0: i32, %arg1: i32) -> (i32, i32, i32) {
    %jit3A = arith.constant 2 : i32
    %div3A = arith.divsi %arg0, %jit3A : i32
    %sign3A = arith.constant 0 : i32
    %sign3A_0 = arith.cmpi sgt, %arg0, %sign3A : i32
    %sign3A_1 = arith.extui %sign3A_0 : i1 to i32
    %sign3A_2 = arith.constant 0 : i32
    %sign3A_3 = arith.cmpi slt, %arg0, %sign3A_2 : i32
    %sign3A_4 = arith.extui %sign3A_3 : i1 to i32
    %sign3A_5 = arith.subi %sign3A_1, %sign3A_4 : i32
    %sign3A_6 = arith.constant 0 : i32
    %sign3A_7 = arith.cmpi sgt, %jit3A, %sign3A_6 : i32
    %sign3A_8 = arith.extui %sign3A_7 : i1 to i32
    %sign3A_9 = arith.constant 0 : i32
    %sign3A_10 = arith.cmpi slt, %jit3A, %sign3A_9 : i32
    %sign3A_11 = arith.extui %sign3A_10 : i1 to i32
    %sign3A_12 = arith.subi %sign3A_8, %sign3A_11 : i32
    %ne3A = arith.cmpi ne, %sign3A_5, %sign3A_12 : i32
    %rem3A = arith.remsi %arg0, %jit3A : i32
    %ne3A_13 = arith.constant 0 : i32
    %ne3A_14 = arith.cmpi ne, %rem3A, %ne3A_13 : i32
    %and3A = arith.andi %ne3A, %ne3A_14 : i1
    %sub3A = arith.constant 1 : i32
    %sub3A_15 = arith.subi %div3A, %sub3A : i32
    %select_n3A = arith.select %and3A, %sub3A_15, %div3A : i32
    %jit3A_16 = arith.constant 2 : i32
    %eq3A = arith.constant 0 : i32
    %eq3A_17 = arith.cmpi eq, %jit3A_16, %eq3A : i32
    %jit3A_18 = arith.constant 1 : i32
    %select_n3A_19 = arith.select %eq3A_17, %jit3A_18, %jit3A_16 : i32
    %rem3A_20 = arith.remsi %arg0, %select_n3A_19 : i32
    %ne3A_21 = arith.constant 0 : i32
    %ne3A_22 = arith.cmpi ne, %rem3A_20, %ne3A_21 : i32
    %lt3A = arith.constant 0 : i32
    %lt3A_23 = arith.cmpi slt, %rem3A_20, %lt3A : i32
    %lt3A_24 = arith.constant 0 : i32
    %lt3A_25 = arith.cmpi slt, %select_n3A_19, %lt3A_24 : i32
    %ne3A_26 = arith.xori %lt3A_23, %lt3A_25 : i1
    %and3A_27 = arith.andi %ne3A_26, %ne3A_22 : i1
    %add3A = arith.addi %rem3A_20, %select_n3A_19 : i32
    %select_n3A_28 = arith.select %and3A_27, %add3A, %rem3A_20 : i32
    %c0_i32 = arith.constant 0 : i32
    return %select_n3A, %select_n3A_28, %arg1 : i32, i32, i32
  }
  func.func @transform_1(%arg0: i32, %arg1: i32) -> (i32, i32, i32) {
    %jit3A = arith.constant 2 : i32
    %div3A = arith.divsi %arg0, %jit3A : i32
    %sign3A = arith.constant 0 : i32
    %sign3A_0 = arith.cmpi sgt, %arg0, %sign3A : i32
    %sign3A_1 = arith.extui %sign3A_0 : i1 to i32
    %sign3A_2 = arith.constant 0 : i32
    %sign3A_3 = arith.cmpi slt, %arg0, %sign3A_2 : i32
    %sign3A_4 = arith.extui %sign3A_3 : i1 to i32
    %sign3A_5 = arith.subi %sign3A_1, %sign3A_4 : i32
    %sign3A_6 = arith.constant 0 : i32
    %sign3A_7 = arith.cmpi sgt, %jit3A, %sign3A_6 : i32
    %sign3A_8 = arith.extui %sign3A_7 : i1 to i32
    %sign3A_9 = arith.constant 0 : i32
    %sign3A_10 = arith.cmpi slt, %jit3A, %sign3A_9 : i32
    %sign3A_11 = arith.extui %sign3A_10 : i1 to i32
    %sign3A_12 = arith.subi %sign3A_8, %sign3A_11 : i32
    %ne3A = arith.cmpi ne, %sign3A_5, %sign3A_12 : i32
    %rem3A = arith.remsi %arg0, %jit3A : i32
    %ne3A_13 = arith.constant 0 : i32
    %ne3A_14 = arith.cmpi ne, %rem3A, %ne3A_13 : i32
    %and3A = arith.andi %ne3A, %ne3A_14 : i1
    %sub3A = arith.constant 1 : i32
    %sub3A_15 = arith.subi %div3A, %sub3A : i32
    %select_n3A = arith.select %and3A, %sub3A_15, %div3A : i32
    %jit3A_16 = arith.constant 2 : i32
    %eq3A = arith.constant 0 : i32
    %eq3A_17 = arith.cmpi eq, %jit3A_16, %eq3A : i32
    %jit3A_18 = arith.constant 1 : i32
    %select_n3A_19 = arith.select %eq3A_17, %jit3A_18, %jit3A_16 : i32
    %rem3A_20 = arith.remsi %arg0, %select_n3A_19 : i32
    %ne3A_21 = arith.constant 0 : i32
    %ne3A_22 = arith.cmpi ne, %rem3A_20, %ne3A_21 : i32
    %lt3A = arith.constant 0 : i32
    %lt3A_23 = arith.cmpi slt, %rem3A_20, %lt3A : i32
    %lt3A_24 = arith.constant 0 : i32
    %lt3A_25 = arith.cmpi slt, %select_n3A_19, %lt3A_24 : i32
    %ne3A_26 = arith.xori %lt3A_23, %lt3A_25 : i1
    %and3A_27 = arith.andi %ne3A_26, %ne3A_22 : i1
    %add3A = arith.addi %rem3A_20, %select_n3A_19 : i32
    %select_n3A_28 = arith.select %and3A_27, %add3A, %rem3A_20 : i32
    %c0_i32 = arith.constant 0 : i32
    return %select_n3A, %select_n3A_28, %arg1 : i32, i32, i32
  }
  func.func @transform_2(%arg0: i32, %arg1: i32) -> (i32, i32, i32) {
    %c0_i32 = arith.constant 0 : i32
    %c0_i32_0 = arith.constant 0 : i32
    return %arg0, %arg1, %c0_i32 : i32, i32, i32
  }
}

module attributes {stable_mosaic.version = 14 : i64} {
  func.func @_tc_sample_body(%arg0: i32, %arg1: memref<416x128xi32, #tpu.memory_space<vmem>>, %arg2: memref<1x416x128xi32, #tpu.memory_space<vmem>>, %arg3: memref<416x128xf32, #tpu.memory_space<vmem>>) attributes {dimension_semantics = [#tpu.dimension_semantics<arbitrary>], iteration_bounds = array<i64: 32>, scalar_prefetch = 0 : i64, scratch_operands = 0 : i64, tpu.core_type = #tpu.core_type<tc>, window_params = [{transform_indices = @transform_0, window_bounds = array<i64: 416, 128>}, {transform_indices = @transform_1, window_bounds = array<i64: 1, 416, 128>}, {transform_indices = @transform_2, window_bounds = array<i64: 416, 128>}]} {
    %get3A = arith.constant 0 : index
    %get3A_0 = arith.constant 0 : index
    %get3A_1 = vector.load %arg1[%get3A, %get3A_0] : memref<416x128xi32, #tpu.memory_space<vmem>>, vector<416x128xi32>
    %get3A_2 = arith.constant 0 : index
    %get3A_3 = arith.constant 0 : index
    %get3A_4 = arith.constant 0 : index
    %get3A_5 = vector.load %arg2[%get3A_2, %get3A_3, %get3A_4] : memref<1x416x128xi32, #tpu.memory_space<vmem>>, vector<1x416x128xi32>
    %get3A_6 = vector.shape_cast %get3A_5 : vector<1x416x128xi32> to vector<416x128xi32>
    %iota3A = tpu.iota {dimensions = array<i32: 0>} : vector<416x128xi32>
    %shift_right_arithmetic3A = arith.constant 5 : i32
    %shift_right_arithmetic3A_7 = vector.broadcast %shift_right_arithmetic3A : i32 to vector<416x128xi32>
    %shift_right_arithmetic3A_8 = arith.shrsi %iota3A, %shift_right_arithmetic3A_7 : vector<416x128xi32>
    %and3A = arith.constant 31 : i32
    %and3A_9 = vector.broadcast %and3A : i32 to vector<416x128xi32>
    %and3A_10 = arith.andi %iota3A, %and3A_9 : vector<416x128xi32>
    %shift_left3A = arith.constant 5 : i32
    %shift_left3A_11 = vector.broadcast %shift_left3A : i32 to vector<416x128xi32>
    %shift_left3A_12 = arith.shli %get3A_1, %shift_left3A_11 : vector<416x128xi32>
    %mul3A = arith.constant 3200032 : i32
    %mul3A_13 = vector.broadcast %mul3A : i32 to vector<416x128xi32>
    %mul3A_14 = arith.muli %shift_right_arithmetic3A_8, %mul3A_13 : vector<416x128xi32>
    %add3A = arith.addi %shift_left3A_12, %mul3A_14 : vector<416x128xi32>
    %add3A_15 = arith.addi %add3A, %and3A_10 : vector<416x128xi32>
    %broadcast_in_dim3A = arith.constant 0 : i32
    %broadcast_in_dim3A_16 = vector.broadcast %broadcast_in_dim3A : i32 to vector<416x128xi32>
    %add3A_17 = arith.constant 2 : i32
    %add3A_18 = vector.broadcast %add3A_17 : i32 to vector<416x128xi32>
    %add3A_19 = arith.addi %add3A_15, %add3A_18 : vector<416x128xi32>
    %add3A_20 = arith.addi %broadcast_in_dim3A_16, %add3A_19 : vector<416x128xi32>
    %shift_left3A_21 = arith.constant 13 : i32
    %shift_left3A_22 = vector.broadcast %shift_left3A_21 : i32 to vector<416x128xi32>
    %shift_left3A_23 = arith.shli %add3A_19, %shift_left3A_22 : vector<416x128xi32>
    %shift_right_logical3A = arith.constant 19 : i32
    %shift_right_logical3A_24 = vector.broadcast %shift_right_logical3A : i32 to vector<416x128xi32>
    %shift_right_logical3A_25 = arith.shrui %add3A_19, %shift_right_logical3A_24 : vector<416x128xi32>
    %or3A = arith.ori %shift_left3A_23, %shift_right_logical3A_25 : vector<416x128xi32>
    %xor3A = arith.xori %add3A_20, %or3A : vector<416x128xi32>
    %add3A_26 = arith.addi %add3A_20, %xor3A : vector<416x128xi32>
    %shift_left3A_27 = arith.constant 15 : i32
    %shift_left3A_28 = vector.broadcast %shift_left3A_27 : i32 to vector<416x128xi32>
    %shift_left3A_29 = arith.shli %xor3A, %shift_left3A_28 : vector<416x128xi32>
    %shift_right_logical3A_30 = arith.constant 17 : i32
    %shift_right_logical3A_31 = vector.broadcast %shift_right_logical3A_30 : i32 to vector<416x128xi32>
    %shift_right_logical3A_32 = arith.shrui %xor3A, %shift_right_logical3A_31 : vector<416x128xi32>
    %or3A_33 = arith.ori %shift_left3A_29, %shift_right_logical3A_32 : vector<416x128xi32>
    %xor3A_34 = arith.xori %add3A_26, %or3A_33 : vector<416x128xi32>
    %add3A_35 = arith.addi %add3A_26, %xor3A_34 : vector<416x128xi32>
    %shift_left3A_36 = arith.constant 26 : i32
    %shift_left3A_37 = vector.broadcast %shift_left3A_36 : i32 to vector<416x128xi32>
    %shift_left3A_38 = arith.shli %xor3A_34, %shift_left3A_37 : vector<416x128xi32>
    %shift_right_logical3A_39 = arith.constant 6 : i32
    %shift_right_logical3A_40 = vector.broadcast %shift_right_logical3A_39 : i32 to vector<416x128xi32>
    %shift_right_logical3A_41 = arith.shrui %xor3A_34, %shift_right_logical3A_40 : vector<416x128xi32>
    %or3A_42 = arith.ori %shift_left3A_38, %shift_right_logical3A_41 : vector<416x128xi32>
    %xor3A_43 = arith.xori %add3A_35, %or3A_42 : vector<416x128xi32>
    %add3A_44 = arith.addi %add3A_35, %xor3A_43 : vector<416x128xi32>
    %shift_left3A_45 = arith.constant 6 : i32
    %shift_left3A_46 = vector.broadcast %shift_left3A_45 : i32 to vector<416x128xi32>
    %shift_left3A_47 = arith.shli %xor3A_43, %shift_left3A_46 : vector<416x128xi32>
    %shift_right_logical3A_48 = arith.constant 26 : i32
    %shift_right_logical3A_49 = vector.broadcast %shift_right_logical3A_48 : i32 to vector<416x128xi32>
    %shift_right_logical3A_50 = arith.shrui %xor3A_43, %shift_right_logical3A_49 : vector<416x128xi32>
    %or3A_51 = arith.ori %shift_left3A_47, %shift_right_logical3A_50 : vector<416x128xi32>
    %xor3A_52 = arith.xori %add3A_44, %or3A_51 : vector<416x128xi32>
    %add3A_53 = arith.constant 2 : i32
    %add3A_54 = vector.broadcast %add3A_53 : i32 to vector<416x128xi32>
    %add3A_55 = arith.addi %add3A_44, %add3A_54 : vector<416x128xi32>
    %add3A_56 = arith.constant 466688985 : i32
    %add3A_57 = vector.broadcast %add3A_56 : i32 to vector<416x128xi32>
    %add3A_58 = arith.addi %xor3A_52, %add3A_57 : vector<416x128xi32>
    %add3A_59 = arith.addi %add3A_55, %add3A_58 : vector<416x128xi32>
    %shift_left3A_60 = arith.constant 17 : i32
    %shift_left3A_61 = vector.broadcast %shift_left3A_60 : i32 to vector<416x128xi32>
    %shift_left3A_62 = arith.shli %add3A_58, %shift_left3A_61 : vector<416x128xi32>
    %shift_right_logical3A_63 = arith.constant 15 : i32
    %shift_right_logical3A_64 = vector.broadcast %shift_right_logical3A_63 : i32 to vector<416x128xi32>
    %shift_right_logical3A_65 = arith.shrui %add3A_58, %shift_right_logical3A_64 : vector<416x128xi32>
    %or3A_66 = arith.ori %shift_left3A_62, %shift_right_logical3A_65 : vector<416x128xi32>
    %xor3A_67 = arith.xori %add3A_59, %or3A_66 : vector<416x128xi32>
    %add3A_68 = arith.addi %add3A_59, %xor3A_67 : vector<416x128xi32>
    %shift_left3A_69 = arith.constant 29 : i32
    %shift_left3A_70 = vector.broadcast %shift_left3A_69 : i32 to vector<416x128xi32>
    %shift_left3A_71 = arith.shli %xor3A_67, %shift_left3A_70 : vector<416x128xi32>
    %shift_right_logical3A_72 = arith.constant 3 : i32
    %shift_right_logical3A_73 = vector.broadcast %shift_right_logical3A_72 : i32 to vector<416x128xi32>
    %shift_right_logical3A_74 = arith.shrui %xor3A_67, %shift_right_logical3A_73 : vector<416x128xi32>
    %or3A_75 = arith.ori %shift_left3A_71, %shift_right_logical3A_74 : vector<416x128xi32>
    %xor3A_76 = arith.xori %add3A_68, %or3A_75 : vector<416x128xi32>
    %add3A_77 = arith.addi %add3A_68, %xor3A_76 : vector<416x128xi32>
    %shift_left3A_78 = arith.constant 16 : i32
    %shift_left3A_79 = vector.broadcast %shift_left3A_78 : i32 to vector<416x128xi32>
    %shift_left3A_80 = arith.shli %xor3A_76, %shift_left3A_79 : vector<416x128xi32>
    %shift_right_logical3A_81 = arith.constant 16 : i32
    %shift_right_logical3A_82 = vector.broadcast %shift_right_logical3A_81 : i32 to vector<416x128xi32>
    %shift_right_logical3A_83 = arith.shrui %xor3A_76, %shift_right_logical3A_82 : vector<416x128xi32>
    %or3A_84 = arith.ori %shift_left3A_80, %shift_right_logical3A_83 : vector<416x128xi32>
    %xor3A_85 = arith.xori %add3A_77, %or3A_84 : vector<416x128xi32>
    %add3A_86 = arith.addi %add3A_77, %xor3A_85 : vector<416x128xi32>
    %shift_left3A_87 = arith.constant 24 : i32
    %shift_left3A_88 = vector.broadcast %shift_left3A_87 : i32 to vector<416x128xi32>
    %shift_left3A_89 = arith.shli %xor3A_85, %shift_left3A_88 : vector<416x128xi32>
    %shift_right_logical3A_90 = arith.constant 8 : i32
    %shift_right_logical3A_91 = vector.broadcast %shift_right_logical3A_90 : i32 to vector<416x128xi32>
    %shift_right_logical3A_92 = arith.shrui %xor3A_85, %shift_right_logical3A_91 : vector<416x128xi32>
    %or3A_93 = arith.ori %shift_left3A_89, %shift_right_logical3A_92 : vector<416x128xi32>
    %xor3A_94 = arith.xori %add3A_86, %or3A_93 : vector<416x128xi32>
    %add3A_95 = arith.constant 466688984 : i32
    %add3A_96 = vector.broadcast %add3A_95 : i32 to vector<416x128xi32>
    %add3A_97 = arith.addi %add3A_86, %add3A_96 : vector<416x128xi32>
    %add3A_98 = arith.constant 2 : i32
    %add3A_99 = vector.broadcast %add3A_98 : i32 to vector<416x128xi32>
    %add3A_100 = arith.addi %xor3A_94, %add3A_99 : vector<416x128xi32>
    %add3A_101 = arith.addi %add3A_97, %add3A_100 : vector<416x128xi32>
    %shift_left3A_102 = arith.constant 13 : i32
    %shift_left3A_103 = vector.broadcast %shift_left3A_102 : i32 to vector<416x128xi32>
    %shift_left3A_104 = arith.shli %add3A_100, %shift_left3A_103 : vector<416x128xi32>
    %shift_right_logical3A_105 = arith.constant 19 : i32
    %shift_right_logical3A_106 = vector.broadcast %shift_right_logical3A_105 : i32 to vector<416x128xi32>
    %shift_right_logical3A_107 = arith.shrui %add3A_100, %shift_right_logical3A_106 : vector<416x128xi32>
    %or3A_108 = arith.ori %shift_left3A_104, %shift_right_logical3A_107 : vector<416x128xi32>
    %xor3A_109 = arith.xori %add3A_101, %or3A_108 : vector<416x128xi32>
    %add3A_110 = arith.addi %add3A_101, %xor3A_109 : vector<416x128xi32>
    %shift_left3A_111 = arith.constant 15 : i32
    %shift_left3A_112 = vector.broadcast %shift_left3A_111 : i32 to vector<416x128xi32>
    %shift_left3A_113 = arith.shli %xor3A_109, %shift_left3A_112 : vector<416x128xi32>
    %shift_right_logical3A_114 = arith.constant 17 : i32
    %shift_right_logical3A_115 = vector.broadcast %shift_right_logical3A_114 : i32 to vector<416x128xi32>
    %shift_right_logical3A_116 = arith.shrui %xor3A_109, %shift_right_logical3A_115 : vector<416x128xi32>
    %or3A_117 = arith.ori %shift_left3A_113, %shift_right_logical3A_116 : vector<416x128xi32>
    %xor3A_118 = arith.xori %add3A_110, %or3A_117 : vector<416x128xi32>
    %add3A_119 = arith.addi %add3A_110, %xor3A_118 : vector<416x128xi32>
    %shift_left3A_120 = arith.constant 26 : i32
    %shift_left3A_121 = vector.broadcast %shift_left3A_120 : i32 to vector<416x128xi32>
    %shift_left3A_122 = arith.shli %xor3A_118, %shift_left3A_121 : vector<416x128xi32>
    %shift_right_logical3A_123 = arith.constant 6 : i32
    %shift_right_logical3A_124 = vector.broadcast %shift_right_logical3A_123 : i32 to vector<416x128xi32>
    %shift_right_logical3A_125 = arith.shrui %xor3A_118, %shift_right_logical3A_124 : vector<416x128xi32>
    %or3A_126 = arith.ori %shift_left3A_122, %shift_right_logical3A_125 : vector<416x128xi32>
    %xor3A_127 = arith.xori %add3A_119, %or3A_126 : vector<416x128xi32>
    %add3A_128 = arith.addi %add3A_119, %xor3A_127 : vector<416x128xi32>
    %shift_left3A_129 = arith.constant 6 : i32
    %shift_left3A_130 = vector.broadcast %shift_left3A_129 : i32 to vector<416x128xi32>
    %shift_left3A_131 = arith.shli %xor3A_127, %shift_left3A_130 : vector<416x128xi32>
    %shift_right_logical3A_132 = arith.constant 26 : i32
    %shift_right_logical3A_133 = vector.broadcast %shift_right_logical3A_132 : i32 to vector<416x128xi32>
    %shift_right_logical3A_134 = arith.shrui %xor3A_127, %shift_right_logical3A_133 : vector<416x128xi32>
    %or3A_135 = arith.ori %shift_left3A_131, %shift_right_logical3A_134 : vector<416x128xi32>
    %xor3A_136 = arith.xori %add3A_128, %or3A_135 : vector<416x128xi32>
    %add3A_137 = arith.constant 0 : i32
    %add3A_138 = vector.broadcast %add3A_137 : i32 to vector<416x128xi32>
    %add3A_139 = arith.addi %add3A_128, %add3A_138 : vector<416x128xi32>
    %add3A_140 = arith.constant 5 : i32
    %add3A_141 = vector.broadcast %add3A_140 : i32 to vector<416x128xi32>
    %add3A_142 = arith.addi %xor3A_136, %add3A_141 : vector<416x128xi32>
    %add3A_143 = arith.addi %add3A_139, %add3A_142 : vector<416x128xi32>
    %shift_left3A_144 = arith.constant 17 : i32
    %shift_left3A_145 = vector.broadcast %shift_left3A_144 : i32 to vector<416x128xi32>
    %shift_left3A_146 = arith.shli %add3A_142, %shift_left3A_145 : vector<416x128xi32>
    %shift_right_logical3A_147 = arith.constant 15 : i32
    %shift_right_logical3A_148 = vector.broadcast %shift_right_logical3A_147 : i32 to vector<416x128xi32>
    %shift_right_logical3A_149 = arith.shrui %add3A_142, %shift_right_logical3A_148 : vector<416x128xi32>
    %or3A_150 = arith.ori %shift_left3A_146, %shift_right_logical3A_149 : vector<416x128xi32>
    %xor3A_151 = arith.xori %add3A_143, %or3A_150 : vector<416x128xi32>
    %add3A_152 = arith.addi %add3A_143, %xor3A_151 : vector<416x128xi32>
    %shift_left3A_153 = arith.constant 29 : i32
    %shift_left3A_154 = vector.broadcast %shift_left3A_153 : i32 to vector<416x128xi32>
    %shift_left3A_155 = arith.shli %xor3A_151, %shift_left3A_154 : vector<416x128xi32>
    %shift_right_logical3A_156 = arith.constant 3 : i32
    %shift_right_logical3A_157 = vector.broadcast %shift_right_logical3A_156 : i32 to vector<416x128xi32>
    %shift_right_logical3A_158 = arith.shrui %xor3A_151, %shift_right_logical3A_157 : vector<416x128xi32>
    %or3A_159 = arith.ori %shift_left3A_155, %shift_right_logical3A_158 : vector<416x128xi32>
    %xor3A_160 = arith.xori %add3A_152, %or3A_159 : vector<416x128xi32>
    %add3A_161 = arith.addi %add3A_152, %xor3A_160 : vector<416x128xi32>
    %shift_left3A_162 = arith.constant 16 : i32
    %shift_left3A_163 = vector.broadcast %shift_left3A_162 : i32 to vector<416x128xi32>
    %shift_left3A_164 = arith.shli %xor3A_160, %shift_left3A_163 : vector<416x128xi32>
    %shift_right_logical3A_165 = arith.constant 16 : i32
    %shift_right_logical3A_166 = vector.broadcast %shift_right_logical3A_165 : i32 to vector<416x128xi32>
    %shift_right_logical3A_167 = arith.shrui %xor3A_160, %shift_right_logical3A_166 : vector<416x128xi32>
    %or3A_168 = arith.ori %shift_left3A_164, %shift_right_logical3A_167 : vector<416x128xi32>
    %xor3A_169 = arith.xori %add3A_161, %or3A_168 : vector<416x128xi32>
    %add3A_170 = arith.addi %add3A_161, %xor3A_169 : vector<416x128xi32>
    %shift_left3A_171 = arith.constant 24 : i32
    %shift_left3A_172 = vector.broadcast %shift_left3A_171 : i32 to vector<416x128xi32>
    %shift_left3A_173 = arith.shli %xor3A_169, %shift_left3A_172 : vector<416x128xi32>
    %shift_right_logical3A_174 = arith.constant 8 : i32
    %shift_right_logical3A_175 = vector.broadcast %shift_right_logical3A_174 : i32 to vector<416x128xi32>
    %shift_right_logical3A_176 = arith.shrui %xor3A_169, %shift_right_logical3A_175 : vector<416x128xi32>
    %or3A_177 = arith.ori %shift_left3A_173, %shift_right_logical3A_176 : vector<416x128xi32>
    %xor3A_178 = arith.xori %add3A_170, %or3A_177 : vector<416x128xi32>
    %add3A_179 = arith.constant 2 : i32
    %add3A_180 = vector.broadcast %add3A_179 : i32 to vector<416x128xi32>
    %add3A_181 = arith.addi %add3A_170, %add3A_180 : vector<416x128xi32>
    %add3A_182 = arith.constant 466688988 : i32
    %add3A_183 = vector.broadcast %add3A_182 : i32 to vector<416x128xi32>
    %add3A_184 = arith.addi %xor3A_178, %add3A_183 : vector<416x128xi32>
    %add3A_185 = arith.addi %add3A_181, %add3A_184 : vector<416x128xi32>
    %shift_left3A_186 = arith.constant 13 : i32
    %shift_left3A_187 = vector.broadcast %shift_left3A_186 : i32 to vector<416x128xi32>
    %shift_left3A_188 = arith.shli %add3A_184, %shift_left3A_187 : vector<416x128xi32>
    %shift_right_logical3A_189 = arith.constant 19 : i32
    %shift_right_logical3A_190 = vector.broadcast %shift_right_logical3A_189 : i32 to vector<416x128xi32>
    %shift_right_logical3A_191 = arith.shrui %add3A_184, %shift_right_logical3A_190 : vector<416x128xi32>
    %or3A_192 = arith.ori %shift_left3A_188, %shift_right_logical3A_191 : vector<416x128xi32>
    %xor3A_193 = arith.xori %add3A_185, %or3A_192 : vector<416x128xi32>
    %add3A_194 = arith.addi %add3A_185, %xor3A_193 : vector<416x128xi32>
    %shift_left3A_195 = arith.constant 15 : i32
    %shift_left3A_196 = vector.broadcast %shift_left3A_195 : i32 to vector<416x128xi32>
    %shift_left3A_197 = arith.shli %xor3A_193, %shift_left3A_196 : vector<416x128xi32>
    %shift_right_logical3A_198 = arith.constant 17 : i32
    %shift_right_logical3A_199 = vector.broadcast %shift_right_logical3A_198 : i32 to vector<416x128xi32>
    %shift_right_logical3A_200 = arith.shrui %xor3A_193, %shift_right_logical3A_199 : vector<416x128xi32>
    %or3A_201 = arith.ori %shift_left3A_197, %shift_right_logical3A_200 : vector<416x128xi32>
    %xor3A_202 = arith.xori %add3A_194, %or3A_201 : vector<416x128xi32>
    %add3A_203 = arith.addi %add3A_194, %xor3A_202 : vector<416x128xi32>
    %shift_left3A_204 = arith.constant 26 : i32
    %shift_left3A_205 = vector.broadcast %shift_left3A_204 : i32 to vector<416x128xi32>
    %shift_left3A_206 = arith.shli %xor3A_202, %shift_left3A_205 : vector<416x128xi32>
    %shift_right_logical3A_207 = arith.constant 6 : i32
    %shift_right_logical3A_208 = vector.broadcast %shift_right_logical3A_207 : i32 to vector<416x128xi32>
    %shift_right_logical3A_209 = arith.shrui %xor3A_202, %shift_right_logical3A_208 : vector<416x128xi32>
    %or3A_210 = arith.ori %shift_left3A_206, %shift_right_logical3A_209 : vector<416x128xi32>
    %xor3A_211 = arith.xori %add3A_203, %or3A_210 : vector<416x128xi32>
    %add3A_212 = arith.addi %add3A_203, %xor3A_211 : vector<416x128xi32>
    %shift_left3A_213 = arith.constant 6 : i32
    %shift_left3A_214 = vector.broadcast %shift_left3A_213 : i32 to vector<416x128xi32>
    %shift_left3A_215 = arith.shli %xor3A_211, %shift_left3A_214 : vector<416x128xi32>
    %shift_right_logical3A_216 = arith.constant 26 : i32
    %shift_right_logical3A_217 = vector.broadcast %shift_right_logical3A_216 : i32 to vector<416x128xi32>
    %shift_right_logical3A_218 = arith.shrui %xor3A_211, %shift_right_logical3A_217 : vector<416x128xi32>
    %or3A_219 = arith.ori %shift_left3A_215, %shift_right_logical3A_218 : vector<416x128xi32>
    %xor3A_220 = arith.xori %add3A_212, %or3A_219 : vector<416x128xi32>
    %add3A_221 = arith.constant 466688984 : i32
    %add3A_222 = vector.broadcast %add3A_221 : i32 to vector<416x128xi32>
    %add3A_223 = arith.addi %add3A_212, %add3A_222 : vector<416x128xi32>
    %add3A_224 = arith.constant 5 : i32
    %add3A_225 = vector.broadcast %add3A_224 : i32 to vector<416x128xi32>
    %add3A_226 = arith.addi %xor3A_220, %add3A_225 : vector<416x128xi32>
    %xor3A_227 = arith.xori %add3A_223, %add3A_226 : vector<416x128xi32>
    %shift_right_logical3A_228 = arith.constant 9 : i32
    %shift_right_logical3A_229 = vector.broadcast %shift_right_logical3A_228 : i32 to vector<416x128xi32>
    %shift_right_logical3A_230 = arith.shrui %xor3A_227, %shift_right_logical3A_229 : vector<416x128xi32>
    %or3A_231 = arith.constant 1065353216 : i32
    %or3A_232 = vector.broadcast %or3A_231 : i32 to vector<416x128xi32>
    %or3A_233 = arith.ori %shift_right_logical3A_230, %or3A_232 : vector<416x128xi32>
    %bitcast_convert_type3A = tpu.bitcast %or3A_233 : vector<416x128xi32> -> vector<416x128xf32>
    %sub3A = arith.constant 1.000000e+00 : f32
    %sub3A_234 = vector.broadcast %sub3A : f32 to vector<416x128xf32>
    %sub3A_235 = arith.subf %bitcast_convert_type3A, %sub3A_234 : vector<416x128xf32>
    %mul3A_236 = arith.constant 2.000000e+00 : f32
    %mul3A_237 = vector.broadcast %mul3A_236 : f32 to vector<416x128xf32>
    %mul3A_238 = arith.mulf %sub3A_235, %mul3A_237 : vector<416x128xf32>
    %add3A_239 = arith.constant -0.99999994 : f32
    %add3A_240 = vector.broadcast %add3A_239 : f32 to vector<416x128xf32>
    %add3A_241 = arith.addf %mul3A_238, %add3A_240 : vector<416x128xf32>
    %max3A = arith.constant -0.99999994 : f32
    %max3A_242 = vector.broadcast %max3A : f32 to vector<416x128xf32>
    %max3A_243 = arith.maximumf %max3A_242, %add3A_241 : vector<416x128xf32>
    %mul3A_244 = arith.mulf %max3A_243, %max3A_243 : vector<416x128xf32>
    %neg3A = arith.constant 0.000000e+00 : f32
    %neg3A_245 = vector.broadcast %neg3A : f32 to vector<416x128xf32>
    %neg3A_246 = arith.subf %neg3A_245, %mul3A_244 : vector<416x128xf32>
    %log1p3A = math.log1p %neg3A_246 : vector<416x128xf32>
    %neg3A_247 = arith.constant 0.000000e+00 : f32
    %neg3A_248 = vector.broadcast %neg3A_247 : f32 to vector<416x128xf32>
    %neg3A_249 = arith.subf %neg3A_248, %log1p3A : vector<416x128xf32>
    %lt3A = arith.constant 5.000000e+00 : f32
    %lt3A_250 = vector.broadcast %lt3A : f32 to vector<416x128xf32>
    %lt3A_251 = arith.cmpf olt, %neg3A_249, %lt3A_250 : vector<416x128xf32>
    %sub3A_252 = arith.constant 2.500000e+00 : f32
    %sub3A_253 = vector.broadcast %sub3A_252 : f32 to vector<416x128xf32>
    %sub3A_254 = arith.subf %neg3A_249, %sub3A_253 : vector<416x128xf32>
    %sqrt3A = math.sqrt %neg3A_249 : vector<416x128xf32>
    %sub3A_255 = arith.constant 3.000000e+00 : f32
    %sub3A_256 = vector.broadcast %sub3A_255 : f32 to vector<416x128xf32>
    %sub3A_257 = arith.subf %sqrt3A, %sub3A_256 : vector<416x128xf32>
    %broadcast_in_dim3A_258 = arith.constant 2.81022636E-8 : f32
    %broadcast_in_dim3A_259 = vector.broadcast %broadcast_in_dim3A_258 : f32 to vector<416x128xf32>
    %mul3A_260 = arith.mulf %broadcast_in_dim3A_259, %sub3A_254 : vector<416x128xf32>
    %add3A_261 = arith.constant 3.43273939E-7 : f32
    %add3A_262 = vector.broadcast %add3A_261 : f32 to vector<416x128xf32>
    %add3A_263 = arith.addf %mul3A_260, %add3A_262 : vector<416x128xf32>
    %mul3A_264 = arith.mulf %add3A_263, %sub3A_254 : vector<416x128xf32>
    %add3A_265 = arith.constant -3.5233877E-6 : f32
    %add3A_266 = vector.broadcast %add3A_265 : f32 to vector<416x128xf32>
    %add3A_267 = arith.addf %mul3A_264, %add3A_266 : vector<416x128xf32>
    %mul3A_268 = arith.mulf %add3A_267, %sub3A_254 : vector<416x128xf32>
    %add3A_269 = arith.constant -4.39150654E-6 : f32
    %add3A_270 = vector.broadcast %add3A_269 : f32 to vector<416x128xf32>
    %add3A_271 = arith.addf %mul3A_268, %add3A_270 : vector<416x128xf32>
    %mul3A_272 = arith.mulf %add3A_271, %sub3A_254 : vector<416x128xf32>
    %add3A_273 = arith.constant 2.1858087E-4 : f32
    %add3A_274 = vector.broadcast %add3A_273 : f32 to vector<416x128xf32>
    %add3A_275 = arith.addf %mul3A_272, %add3A_274 : vector<416x128xf32>
    %mul3A_276 = arith.mulf %add3A_275, %sub3A_254 : vector<416x128xf32>
    %add3A_277 = arith.constant -0.00125372503 : f32
    %add3A_278 = vector.broadcast %add3A_277 : f32 to vector<416x128xf32>
    %add3A_279 = arith.addf %mul3A_276, %add3A_278 : vector<416x128xf32>
    %mul3A_280 = arith.mulf %add3A_279, %sub3A_254 : vector<416x128xf32>
    %add3A_281 = arith.constant -0.00417768164 : f32
    %add3A_282 = vector.broadcast %add3A_281 : f32 to vector<416x128xf32>
    %add3A_283 = arith.addf %mul3A_280, %add3A_282 : vector<416x128xf32>
    %mul3A_284 = arith.mulf %add3A_283, %sub3A_254 : vector<416x128xf32>
    %add3A_285 = arith.constant 0.246640727 : f32
    %add3A_286 = vector.broadcast %add3A_285 : f32 to vector<416x128xf32>
    %add3A_287 = arith.addf %mul3A_284, %add3A_286 : vector<416x128xf32>
    %mul3A_288 = arith.mulf %add3A_287, %sub3A_254 : vector<416x128xf32>
    %add3A_289 = arith.constant 1.50140941 : f32
    %add3A_290 = vector.broadcast %add3A_289 : f32 to vector<416x128xf32>
    %add3A_291 = arith.addf %mul3A_288, %add3A_290 : vector<416x128xf32>
    %broadcast_in_dim3A_292 = arith.constant -2.00214257E-4 : f32
    %broadcast_in_dim3A_293 = vector.broadcast %broadcast_in_dim3A_292 : f32 to vector<416x128xf32>
    %mul3A_294 = arith.mulf %broadcast_in_dim3A_293, %sub3A_257 : vector<416x128xf32>
    %add3A_295 = arith.constant 1.00950558E-4 : f32
    %add3A_296 = vector.broadcast %add3A_295 : f32 to vector<416x128xf32>
    %add3A_297 = arith.addf %mul3A_294, %add3A_296 : vector<416x128xf32>
    %mul3A_298 = arith.mulf %add3A_297, %sub3A_257 : vector<416x128xf32>
    %add3A_299 = arith.constant 0.00134934322 : f32
    %add3A_300 = vector.broadcast %add3A_299 : f32 to vector<416x128xf32>
    %add3A_301 = arith.addf %mul3A_298, %add3A_300 : vector<416x128xf32>
    %mul3A_302 = arith.mulf %add3A_301, %sub3A_257 : vector<416x128xf32>
    %add3A_303 = arith.constant -0.00367342844 : f32
    %add3A_304 = vector.broadcast %add3A_303 : f32 to vector<416x128xf32>
    %add3A_305 = arith.addf %mul3A_302, %add3A_304 : vector<416x128xf32>
    %mul3A_306 = arith.mulf %add3A_305, %sub3A_257 : vector<416x128xf32>
    %add3A_307 = arith.constant 0.00573950773 : f32
    %add3A_308 = vector.broadcast %add3A_307 : f32 to vector<416x128xf32>
    %add3A_309 = arith.addf %mul3A_306, %add3A_308 : vector<416x128xf32>
    %mul3A_310 = arith.mulf %add3A_309, %sub3A_257 : vector<416x128xf32>
    %add3A_311 = arith.constant -0.0076224613 : f32
    %add3A_312 = vector.broadcast %add3A_311 : f32 to vector<416x128xf32>
    %add3A_313 = arith.addf %mul3A_310, %add3A_312 : vector<416x128xf32>
    %mul3A_314 = arith.mulf %add3A_313, %sub3A_257 : vector<416x128xf32>
    %add3A_315 = arith.constant 0.00943887047 : f32
    %add3A_316 = vector.broadcast %add3A_315 : f32 to vector<416x128xf32>
    %add3A_317 = arith.addf %mul3A_314, %add3A_316 : vector<416x128xf32>
    %mul3A_318 = arith.mulf %add3A_317, %sub3A_257 : vector<416x128xf32>
    %add3A_319 = arith.constant 1.00167406 : f32
    %add3A_320 = vector.broadcast %add3A_319 : f32 to vector<416x128xf32>
    %add3A_321 = arith.addf %mul3A_318, %add3A_320 : vector<416x128xf32>
    %mul3A_322 = arith.mulf %add3A_321, %sub3A_257 : vector<416x128xf32>
    %add3A_323 = arith.constant 2.83297682 : f32
    %add3A_324 = vector.broadcast %add3A_323 : f32 to vector<416x128xf32>
    %add3A_325 = arith.addf %mul3A_322, %add3A_324 : vector<416x128xf32>
    %select_n3A = arith.select %lt3A_251, %add3A_291, %add3A_325 : vector<416x128xi1>, vector<416x128xf32>
    %mul3A_326 = arith.constant 1.41421354 : f32
    %mul3A_327 = vector.broadcast %mul3A_326 : f32 to vector<416x128xf32>
    %mul3A_328 = arith.mulf %mul3A_327, %select_n3A : vector<416x128xf32>
    %mul3A_329 = arith.mulf %mul3A_328, %max3A_243 : vector<416x128xf32>
    %and3A_330 = arith.constant -65536 : i32
    %and3A_331 = vector.broadcast %and3A_330 : i32 to vector<416x128xi32>
    %and3A_332 = arith.andi %get3A_6, %and3A_331 : vector<416x128xi32>
    %bitcast_convert_type3A_333 = tpu.bitcast %and3A_332 : vector<416x128xi32> -> vector<416x128xf32>
    %shift_left3A_334 = arith.constant 16 : i32
    %shift_left3A_335 = vector.broadcast %shift_left3A_334 : i32 to vector<416x128xi32>
    %shift_left3A_336 = arith.shli %get3A_6, %shift_left3A_335 : vector<416x128xi32>
    %bitcast_convert_type3A_337 = tpu.bitcast %shift_left3A_336 : vector<416x128xi32> -> vector<416x128xf32>
    %exp3A = math.exp %bitcast_convert_type3A_337 : vector<416x128xf32>
    %log1p3A_338 = math.log1p %exp3A : vector<416x128xf32>
    %mul3A_339 = arith.mulf %log1p3A_338, %mul3A_329 : vector<416x128xf32>
    %add3A_340 = arith.addf %bitcast_convert_type3A_333, %mul3A_339 : vector<416x128xf32>
    %swap3A = arith.constant 0 : index
    %swap3A_341 = arith.constant 0 : index
    %swap3A_342 = vector.load %arg3[%swap3A, %swap3A_341] : memref<416x128xf32, #tpu.memory_space<vmem>>, vector<416x128xf32>
    tpu.vector_store %arg3[%swap3A, %swap3A_341], %add3A_340 {strides = array<i32>} : memref<416x128xf32, #tpu.memory_space<vmem>>, vector<416x128xf32>,
    return
  }
  func.func @transform_0(%arg0: i32) -> (i32, i32) {
    %c0_i32 = arith.constant 0 : i32
    %c0_i32_0 = arith.constant 0 : i32
    return %c0_i32, %arg0 : i32, i32
  }
  func.func @transform_1(%arg0: i32) -> (i32, i32, i32) {
    %c0_i32 = arith.constant 0 : i32
    %c0_i32_0 = arith.constant 0 : i32
    %c0_i32_1 = arith.constant 0 : i32
    return %arg0, %c0_i32, %c0_i32_0 : i32, i32, i32
  }
  func.func @transform_2(%arg0: i32) -> (i32, i32) {
    %c0_i32 = arith.constant 0 : i32
    %c0_i32_0 = arith.constant 0 : i32
    return %c0_i32, %arg0 : i32, i32
  }
}

module attributes {stable_mosaic.version = 14 : i64} {
  func.func @_tc_sample_body(%arg0: i32, %arg1: memref<208x128xi32, #tpu.memory_space<vmem>>, %arg2: memref<1x208x128xi32, #tpu.memory_space<vmem>>, %arg3: memref<208x128xf32, #tpu.memory_space<vmem>>) attributes {dimension_semantics = [#tpu.dimension_semantics<arbitrary>], iteration_bounds = array<i64: 32>, scalar_prefetch = 0 : i64, scratch_operands = 0 : i64, tpu.core_type = #tpu.core_type<tc>, window_params = [{transform_indices = @transform_0, window_bounds = array<i64: 208, 128>}, {transform_indices = @transform_1, window_bounds = array<i64: 1, 208, 128>}, {transform_indices = @transform_2, window_bounds = array<i64: 208, 128>}]} {
    %get3A = arith.constant 0 : index
    %get3A_0 = arith.constant 0 : index
    %get3A_1 = vector.load %arg1[%get3A, %get3A_0] : memref<208x128xi32, #tpu.memory_space<vmem>>, vector<208x128xi32>
    %get3A_2 = arith.constant 0 : index
    %get3A_3 = arith.constant 0 : index
    %get3A_4 = arith.constant 0 : index
    %get3A_5 = vector.load %arg2[%get3A_2, %get3A_3, %get3A_4] : memref<1x208x128xi32, #tpu.memory_space<vmem>>, vector<1x208x128xi32>
    %get3A_6 = vector.shape_cast %get3A_5 : vector<1x208x128xi32> to vector<208x128xi32>
    %iota3A = tpu.iota {dimensions = array<i32: 0>} : vector<208x128xi32>
    %shift_right_arithmetic3A = arith.constant 4 : i32
    %shift_right_arithmetic3A_7 = vector.broadcast %shift_right_arithmetic3A : i32 to vector<208x128xi32>
    %shift_right_arithmetic3A_8 = arith.shrsi %iota3A, %shift_right_arithmetic3A_7 : vector<208x128xi32>
    %and3A = arith.constant 15 : i32
    %and3A_9 = vector.broadcast %and3A : i32 to vector<208x128xi32>
    %and3A_10 = arith.andi %iota3A, %and3A_9 : vector<208x128xi32>
    %shift_left3A = arith.constant 4 : i32
    %shift_left3A_11 = vector.broadcast %shift_left3A : i32 to vector<208x128xi32>
    %shift_left3A_12 = arith.shli %get3A_1, %shift_left3A_11 : vector<208x128xi32>
    %mul3A = arith.constant 1600016 : i32
    %mul3A_13 = vector.broadcast %mul3A : i32 to vector<208x128xi32>
    %mul3A_14 = arith.muli %shift_right_arithmetic3A_8, %mul3A_13 : vector<208x128xi32>
    %add3A = arith.addi %shift_left3A_12, %mul3A_14 : vector<208x128xi32>
    %add3A_15 = arith.addi %add3A, %and3A_10 : vector<208x128xi32>
    %broadcast_in_dim3A = arith.constant 0 : i32
    %broadcast_in_dim3A_16 = vector.broadcast %broadcast_in_dim3A : i32 to vector<208x128xi32>
    %add3A_17 = arith.constant 1 : i32
    %add3A_18 = vector.broadcast %add3A_17 : i32 to vector<208x128xi32>
    %add3A_19 = arith.addi %add3A_15, %add3A_18 : vector<208x128xi32>
    %add3A_20 = arith.addi %broadcast_in_dim3A_16, %add3A_19 : vector<208x128xi32>
    %shift_left3A_21 = arith.constant 13 : i32
    %shift_left3A_22 = vector.broadcast %shift_left3A_21 : i32 to vector<208x128xi32>
    %shift_left3A_23 = arith.shli %add3A_19, %shift_left3A_22 : vector<208x128xi32>
    %shift_right_logical3A = arith.constant 19 : i32
    %shift_right_logical3A_24 = vector.broadcast %shift_right_logical3A : i32 to vector<208x128xi32>
    %shift_right_logical3A_25 = arith.shrui %add3A_19, %shift_right_logical3A_24 : vector<208x128xi32>
    %or3A = arith.ori %shift_left3A_23, %shift_right_logical3A_25 : vector<208x128xi32>
    %xor3A = arith.xori %add3A_20, %or3A : vector<208x128xi32>
    %add3A_26 = arith.addi %add3A_20, %xor3A : vector<208x128xi32>
    %shift_left3A_27 = arith.constant 15 : i32
    %shift_left3A_28 = vector.broadcast %shift_left3A_27 : i32 to vector<208x128xi32>
    %shift_left3A_29 = arith.shli %xor3A, %shift_left3A_28 : vector<208x128xi32>
    %shift_right_logical3A_30 = arith.constant 17 : i32
    %shift_right_logical3A_31 = vector.broadcast %shift_right_logical3A_30 : i32 to vector<208x128xi32>
    %shift_right_logical3A_32 = arith.shrui %xor3A, %shift_right_logical3A_31 : vector<208x128xi32>
    %or3A_33 = arith.ori %shift_left3A_29, %shift_right_logical3A_32 : vector<208x128xi32>
    %xor3A_34 = arith.xori %add3A_26, %or3A_33 : vector<208x128xi32>
    %add3A_35 = arith.addi %add3A_26, %xor3A_34 : vector<208x128xi32>
    %shift_left3A_36 = arith.constant 26 : i32
    %shift_left3A_37 = vector.broadcast %shift_left3A_36 : i32 to vector<208x128xi32>
    %shift_left3A_38 = arith.shli %xor3A_34, %shift_left3A_37 : vector<208x128xi32>
    %shift_right_logical3A_39 = arith.constant 6 : i32
    %shift_right_logical3A_40 = vector.broadcast %shift_right_logical3A_39 : i32 to vector<208x128xi32>
    %shift_right_logical3A_41 = arith.shrui %xor3A_34, %shift_right_logical3A_40 : vector<208x128xi32>
    %or3A_42 = arith.ori %shift_left3A_38, %shift_right_logical3A_41 : vector<208x128xi32>
    %xor3A_43 = arith.xori %add3A_35, %or3A_42 : vector<208x128xi32>
    %add3A_44 = arith.addi %add3A_35, %xor3A_43 : vector<208x128xi32>
    %shift_left3A_45 = arith.constant 6 : i32
    %shift_left3A_46 = vector.broadcast %shift_left3A_45 : i32 to vector<208x128xi32>
    %shift_left3A_47 = arith.shli %xor3A_43, %shift_left3A_46 : vector<208x128xi32>
    %shift_right_logical3A_48 = arith.constant 26 : i32
    %shift_right_logical3A_49 = vector.broadcast %shift_right_logical3A_48 : i32 to vector<208x128xi32>
    %shift_right_logical3A_50 = arith.shrui %xor3A_43, %shift_right_logical3A_49 : vector<208x128xi32>
    %or3A_51 = arith.ori %shift_left3A_47, %shift_right_logical3A_50 : vector<208x128xi32>
    %xor3A_52 = arith.xori %add3A_44, %or3A_51 : vector<208x128xi32>
    %add3A_53 = arith.constant 1 : i32
    %add3A_54 = vector.broadcast %add3A_53 : i32 to vector<208x128xi32>
    %add3A_55 = arith.addi %add3A_44, %add3A_54 : vector<208x128xi32>
    %add3A_56 = arith.constant 466688988 : i32
    %add3A_57 = vector.broadcast %add3A_56 : i32 to vector<208x128xi32>
    %add3A_58 = arith.addi %xor3A_52, %add3A_57 : vector<208x128xi32>
    %add3A_59 = arith.addi %add3A_55, %add3A_58 : vector<208x128xi32>
    %shift_left3A_60 = arith.constant 17 : i32
    %shift_left3A_61 = vector.broadcast %shift_left3A_60 : i32 to vector<208x128xi32>
    %shift_left3A_62 = arith.shli %add3A_58, %shift_left3A_61 : vector<208x128xi32>
    %shift_right_logical3A_63 = arith.constant 15 : i32
    %shift_right_logical3A_64 = vector.broadcast %shift_right_logical3A_63 : i32 to vector<208x128xi32>
    %shift_right_logical3A_65 = arith.shrui %add3A_58, %shift_right_logical3A_64 : vector<208x128xi32>
    %or3A_66 = arith.ori %shift_left3A_62, %shift_right_logical3A_65 : vector<208x128xi32>
    %xor3A_67 = arith.xori %add3A_59, %or3A_66 : vector<208x128xi32>
    %add3A_68 = arith.addi %add3A_59, %xor3A_67 : vector<208x128xi32>
    %shift_left3A_69 = arith.constant 29 : i32
    %shift_left3A_70 = vector.broadcast %shift_left3A_69 : i32 to vector<208x128xi32>
    %shift_left3A_71 = arith.shli %xor3A_67, %shift_left3A_70 : vector<208x128xi32>
    %shift_right_logical3A_72 = arith.constant 3 : i32
    %shift_right_logical3A_73 = vector.broadcast %shift_right_logical3A_72 : i32 to vector<208x128xi32>
    %shift_right_logical3A_74 = arith.shrui %xor3A_67, %shift_right_logical3A_73 : vector<208x128xi32>
    %or3A_75 = arith.ori %shift_left3A_71, %shift_right_logical3A_74 : vector<208x128xi32>
    %xor3A_76 = arith.xori %add3A_68, %or3A_75 : vector<208x128xi32>
    %add3A_77 = arith.addi %add3A_68, %xor3A_76 : vector<208x128xi32>
    %shift_left3A_78 = arith.constant 16 : i32
    %shift_left3A_79 = vector.broadcast %shift_left3A_78 : i32 to vector<208x128xi32>
    %shift_left3A_80 = arith.shli %xor3A_76, %shift_left3A_79 : vector<208x128xi32>
    %shift_right_logical3A_81 = arith.constant 16 : i32
    %shift_right_logical3A_82 = vector.broadcast %shift_right_logical3A_81 : i32 to vector<208x128xi32>
    %shift_right_logical3A_83 = arith.shrui %xor3A_76, %shift_right_logical3A_82 : vector<208x128xi32>
    %or3A_84 = arith.ori %shift_left3A_80, %shift_right_logical3A_83 : vector<208x128xi32>
    %xor3A_85 = arith.xori %add3A_77, %or3A_84 : vector<208x128xi32>
    %add3A_86 = arith.addi %add3A_77, %xor3A_85 : vector<208x128xi32>
    %shift_left3A_87 = arith.constant 24 : i32
    %shift_left3A_88 = vector.broadcast %shift_left3A_87 : i32 to vector<208x128xi32>
    %shift_left3A_89 = arith.shli %xor3A_85, %shift_left3A_88 : vector<208x128xi32>
    %shift_right_logical3A_90 = arith.constant 8 : i32
    %shift_right_logical3A_91 = vector.broadcast %shift_right_logical3A_90 : i32 to vector<208x128xi32>
    %shift_right_logical3A_92 = arith.shrui %xor3A_85, %shift_right_logical3A_91 : vector<208x128xi32>
    %or3A_93 = arith.ori %shift_left3A_89, %shift_right_logical3A_92 : vector<208x128xi32>
    %xor3A_94 = arith.xori %add3A_86, %or3A_93 : vector<208x128xi32>
    %add3A_95 = arith.constant 466688987 : i32
    %add3A_96 = vector.broadcast %add3A_95 : i32 to vector<208x128xi32>
    %add3A_97 = arith.addi %add3A_86, %add3A_96 : vector<208x128xi32>
    %add3A_98 = arith.constant 2 : i32
    %add3A_99 = vector.broadcast %add3A_98 : i32 to vector<208x128xi32>
    %add3A_100 = arith.addi %xor3A_94, %add3A_99 : vector<208x128xi32>
    %add3A_101 = arith.addi %add3A_97, %add3A_100 : vector<208x128xi32>
    %shift_left3A_102 = arith.constant 13 : i32
    %shift_left3A_103 = vector.broadcast %shift_left3A_102 : i32 to vector<208x128xi32>
    %shift_left3A_104 = arith.shli %add3A_100, %shift_left3A_103 : vector<208x128xi32>
    %shift_right_logical3A_105 = arith.constant 19 : i32
    %shift_right_logical3A_106 = vector.broadcast %shift_right_logical3A_105 : i32 to vector<208x128xi32>
    %shift_right_logical3A_107 = arith.shrui %add3A_100, %shift_right_logical3A_106 : vector<208x128xi32>
    %or3A_108 = arith.ori %shift_left3A_104, %shift_right_logical3A_107 : vector<208x128xi32>
    %xor3A_109 = arith.xori %add3A_101, %or3A_108 : vector<208x128xi32>
    %add3A_110 = arith.addi %add3A_101, %xor3A_109 : vector<208x128xi32>
    %shift_left3A_111 = arith.constant 15 : i32
    %shift_left3A_112 = vector.broadcast %shift_left3A_111 : i32 to vector<208x128xi32>
    %shift_left3A_113 = arith.shli %xor3A_109, %shift_left3A_112 : vector<208x128xi32>
    %shift_right_logical3A_114 = arith.constant 17 : i32
    %shift_right_logical3A_115 = vector.broadcast %shift_right_logical3A_114 : i32 to vector<208x128xi32>
    %shift_right_logical3A_116 = arith.shrui %xor3A_109, %shift_right_logical3A_115 : vector<208x128xi32>
    %or3A_117 = arith.ori %shift_left3A_113, %shift_right_logical3A_116 : vector<208x128xi32>
    %xor3A_118 = arith.xori %add3A_110, %or3A_117 : vector<208x128xi32>
    %add3A_119 = arith.addi %add3A_110, %xor3A_118 : vector<208x128xi32>
    %shift_left3A_120 = arith.constant 26 : i32
    %shift_left3A_121 = vector.broadcast %shift_left3A_120 : i32 to vector<208x128xi32>
    %shift_left3A_122 = arith.shli %xor3A_118, %shift_left3A_121 : vector<208x128xi32>
    %shift_right_logical3A_123 = arith.constant 6 : i32
    %shift_right_logical3A_124 = vector.broadcast %shift_right_logical3A_123 : i32 to vector<208x128xi32>
    %shift_right_logical3A_125 = arith.shrui %xor3A_118, %shift_right_logical3A_124 : vector<208x128xi32>
    %or3A_126 = arith.ori %shift_left3A_122, %shift_right_logical3A_125 : vector<208x128xi32>
    %xor3A_127 = arith.xori %add3A_119, %or3A_126 : vector<208x128xi32>
    %add3A_128 = arith.addi %add3A_119, %xor3A_127 : vector<208x128xi32>
    %shift_left3A_129 = arith.constant 6 : i32
    %shift_left3A_130 = vector.broadcast %shift_left3A_129 : i32 to vector<208x128xi32>
    %shift_left3A_131 = arith.shli %xor3A_127, %shift_left3A_130 : vector<208x128xi32>
    %shift_right_logical3A_132 = arith.constant 26 : i32
    %shift_right_logical3A_133 = vector.broadcast %shift_right_logical3A_132 : i32 to vector<208x128xi32>
    %shift_right_logical3A_134 = arith.shrui %xor3A_127, %shift_right_logical3A_133 : vector<208x128xi32>
    %or3A_135 = arith.ori %shift_left3A_131, %shift_right_logical3A_134 : vector<208x128xi32>
    %xor3A_136 = arith.xori %add3A_128, %or3A_135 : vector<208x128xi32>
    %add3A_137 = arith.constant 0 : i32
    %add3A_138 = vector.broadcast %add3A_137 : i32 to vector<208x128xi32>
    %add3A_139 = arith.addi %add3A_128, %add3A_138 : vector<208x128xi32>
    %add3A_140 = arith.constant 4 : i32
    %add3A_141 = vector.broadcast %add3A_140 : i32 to vector<208x128xi32>
    %add3A_142 = arith.addi %xor3A_136, %add3A_141 : vector<208x128xi32>
    %add3A_143 = arith.addi %add3A_139, %add3A_142 : vector<208x128xi32>
    %shift_left3A_144 = arith.constant 17 : i32
    %shift_left3A_145 = vector.broadcast %shift_left3A_144 : i32 to vector<208x128xi32>
    %shift_left3A_146 = arith.shli %add3A_142, %shift_left3A_145 : vector<208x128xi32>
    %shift_right_logical3A_147 = arith.constant 15 : i32
    %shift_right_logical3A_148 = vector.broadcast %shift_right_logical3A_147 : i32 to vector<208x128xi32>
    %shift_right_logical3A_149 = arith.shrui %add3A_142, %shift_right_logical3A_148 : vector<208x128xi32>
    %or3A_150 = arith.ori %shift_left3A_146, %shift_right_logical3A_149 : vector<208x128xi32>
    %xor3A_151 = arith.xori %add3A_143, %or3A_150 : vector<208x128xi32>
    %add3A_152 = arith.addi %add3A_143, %xor3A_151 : vector<208x128xi32>
    %shift_left3A_153 = arith.constant 29 : i32
    %shift_left3A_154 = vector.broadcast %shift_left3A_153 : i32 to vector<208x128xi32>
    %shift_left3A_155 = arith.shli %xor3A_151, %shift_left3A_154 : vector<208x128xi32>
    %shift_right_logical3A_156 = arith.constant 3 : i32
    %shift_right_logical3A_157 = vector.broadcast %shift_right_logical3A_156 : i32 to vector<208x128xi32>
    %shift_right_logical3A_158 = arith.shrui %xor3A_151, %shift_right_logical3A_157 : vector<208x128xi32>
    %or3A_159 = arith.ori %shift_left3A_155, %shift_right_logical3A_158 : vector<208x128xi32>
    %xor3A_160 = arith.xori %add3A_152, %or3A_159 : vector<208x128xi32>
    %add3A_161 = arith.addi %add3A_152, %xor3A_160 : vector<208x128xi32>
    %shift_left3A_162 = arith.constant 16 : i32
    %shift_left3A_163 = vector.broadcast %shift_left3A_162 : i32 to vector<208x128xi32>
    %shift_left3A_164 = arith.shli %xor3A_160, %shift_left3A_163 : vector<208x128xi32>
    %shift_right_logical3A_165 = arith.constant 16 : i32
    %shift_right_logical3A_166 = vector.broadcast %shift_right_logical3A_165 : i32 to vector<208x128xi32>
    %shift_right_logical3A_167 = arith.shrui %xor3A_160, %shift_right_logical3A_166 : vector<208x128xi32>
    %or3A_168 = arith.ori %shift_left3A_164, %shift_right_logical3A_167 : vector<208x128xi32>
    %xor3A_169 = arith.xori %add3A_161, %or3A_168 : vector<208x128xi32>
    %add3A_170 = arith.addi %add3A_161, %xor3A_169 : vector<208x128xi32>
    %shift_left3A_171 = arith.constant 24 : i32
    %shift_left3A_172 = vector.broadcast %shift_left3A_171 : i32 to vector<208x128xi32>
    %shift_left3A_173 = arith.shli %xor3A_169, %shift_left3A_172 : vector<208x128xi32>
    %shift_right_logical3A_174 = arith.constant 8 : i32
    %shift_right_logical3A_175 = vector.broadcast %shift_right_logical3A_174 : i32 to vector<208x128xi32>
    %shift_right_logical3A_176 = arith.shrui %xor3A_169, %shift_right_logical3A_175 : vector<208x128xi32>
    %or3A_177 = arith.ori %shift_left3A_173, %shift_right_logical3A_176 : vector<208x128xi32>
    %xor3A_178 = arith.xori %add3A_170, %or3A_177 : vector<208x128xi32>
    %add3A_179 = arith.constant 1 : i32
    %add3A_180 = vector.broadcast %add3A_179 : i32 to vector<208x128xi32>
    %add3A_181 = arith.addi %add3A_170, %add3A_180 : vector<208x128xi32>
    %add3A_182 = arith.constant 466688991 : i32
    %add3A_183 = vector.broadcast %add3A_182 : i32 to vector<208x128xi32>
    %add3A_184 = arith.addi %xor3A_178, %add3A_183 : vector<208x128xi32>
    %add3A_185 = arith.addi %add3A_181, %add3A_184 : vector<208x128xi32>
    %shift_left3A_186 = arith.constant 13 : i32
    %shift_left3A_187 = vector.broadcast %shift_left3A_186 : i32 to vector<208x128xi32>
    %shift_left3A_188 = arith.shli %add3A_184, %shift_left3A_187 : vector<208x128xi32>
    %shift_right_logical3A_189 = arith.constant 19 : i32
    %shift_right_logical3A_190 = vector.broadcast %shift_right_logical3A_189 : i32 to vector<208x128xi32>
    %shift_right_logical3A_191 = arith.shrui %add3A_184, %shift_right_logical3A_190 : vector<208x128xi32>
    %or3A_192 = arith.ori %shift_left3A_188, %shift_right_logical3A_191 : vector<208x128xi32>
    %xor3A_193 = arith.xori %add3A_185, %or3A_192 : vector<208x128xi32>
    %add3A_194 = arith.addi %add3A_185, %xor3A_193 : vector<208x128xi32>
    %shift_left3A_195 = arith.constant 15 : i32
    %shift_left3A_196 = vector.broadcast %shift_left3A_195 : i32 to vector<208x128xi32>
    %shift_left3A_197 = arith.shli %xor3A_193, %shift_left3A_196 : vector<208x128xi32>
    %shift_right_logical3A_198 = arith.constant 17 : i32
    %shift_right_logical3A_199 = vector.broadcast %shift_right_logical3A_198 : i32 to vector<208x128xi32>
    %shift_right_logical3A_200 = arith.shrui %xor3A_193, %shift_right_logical3A_199 : vector<208x128xi32>
    %or3A_201 = arith.ori %shift_left3A_197, %shift_right_logical3A_200 : vector<208x128xi32>
    %xor3A_202 = arith.xori %add3A_194, %or3A_201 : vector<208x128xi32>
    %add3A_203 = arith.addi %add3A_194, %xor3A_202 : vector<208x128xi32>
    %shift_left3A_204 = arith.constant 26 : i32
    %shift_left3A_205 = vector.broadcast %shift_left3A_204 : i32 to vector<208x128xi32>
    %shift_left3A_206 = arith.shli %xor3A_202, %shift_left3A_205 : vector<208x128xi32>
    %shift_right_logical3A_207 = arith.constant 6 : i32
    %shift_right_logical3A_208 = vector.broadcast %shift_right_logical3A_207 : i32 to vector<208x128xi32>
    %shift_right_logical3A_209 = arith.shrui %xor3A_202, %shift_right_logical3A_208 : vector<208x128xi32>
    %or3A_210 = arith.ori %shift_left3A_206, %shift_right_logical3A_209 : vector<208x128xi32>
    %xor3A_211 = arith.xori %add3A_203, %or3A_210 : vector<208x128xi32>
    %add3A_212 = arith.addi %add3A_203, %xor3A_211 : vector<208x128xi32>
    %shift_left3A_213 = arith.constant 6 : i32
    %shift_left3A_214 = vector.broadcast %shift_left3A_213 : i32 to vector<208x128xi32>
    %shift_left3A_215 = arith.shli %xor3A_211, %shift_left3A_214 : vector<208x128xi32>
    %shift_right_logical3A_216 = arith.constant 26 : i32
    %shift_right_logical3A_217 = vector.broadcast %shift_right_logical3A_216 : i32 to vector<208x128xi32>
    %shift_right_logical3A_218 = arith.shrui %xor3A_211, %shift_right_logical3A_217 : vector<208x128xi32>
    %or3A_219 = arith.ori %shift_left3A_215, %shift_right_logical3A_218 : vector<208x128xi32>
    %xor3A_220 = arith.xori %add3A_212, %or3A_219 : vector<208x128xi32>
    %add3A_221 = arith.constant 466688987 : i32
    %add3A_222 = vector.broadcast %add3A_221 : i32 to vector<208x128xi32>
    %add3A_223 = arith.addi %add3A_212, %add3A_222 : vector<208x128xi32>
    %add3A_224 = arith.constant 5 : i32
    %add3A_225 = vector.broadcast %add3A_224 : i32 to vector<208x128xi32>
    %add3A_226 = arith.addi %xor3A_220, %add3A_225 : vector<208x128xi32>
    %xor3A_227 = arith.xori %add3A_223, %add3A_226 : vector<208x128xi32>
    %shift_right_logical3A_228 = arith.constant 9 : i32
    %shift_right_logical3A_229 = vector.broadcast %shift_right_logical3A_228 : i32 to vector<208x128xi32>
    %shift_right_logical3A_230 = arith.shrui %xor3A_227, %shift_right_logical3A_229 : vector<208x128xi32>
    %or3A_231 = arith.constant 1065353216 : i32
    %or3A_232 = vector.broadcast %or3A_231 : i32 to vector<208x128xi32>
    %or3A_233 = arith.ori %shift_right_logical3A_230, %or3A_232 : vector<208x128xi32>
    %bitcast_convert_type3A = tpu.bitcast %or3A_233 : vector<208x128xi32> -> vector<208x128xf32>
    %sub3A = arith.constant 1.000000e+00 : f32
    %sub3A_234 = vector.broadcast %sub3A : f32 to vector<208x128xf32>
    %sub3A_235 = arith.subf %bitcast_convert_type3A, %sub3A_234 : vector<208x128xf32>
    %mul3A_236 = arith.constant 2.000000e+00 : f32
    %mul3A_237 = vector.broadcast %mul3A_236 : f32 to vector<208x128xf32>
    %mul3A_238 = arith.mulf %sub3A_235, %mul3A_237 : vector<208x128xf32>
    %add3A_239 = arith.constant -0.99999994 : f32
    %add3A_240 = vector.broadcast %add3A_239 : f32 to vector<208x128xf32>
    %add3A_241 = arith.addf %mul3A_238, %add3A_240 : vector<208x128xf32>
    %max3A = arith.constant -0.99999994 : f32
    %max3A_242 = vector.broadcast %max3A : f32 to vector<208x128xf32>
    %max3A_243 = arith.maximumf %max3A_242, %add3A_241 : vector<208x128xf32>
    %mul3A_244 = arith.mulf %max3A_243, %max3A_243 : vector<208x128xf32>
    %neg3A = arith.constant 0.000000e+00 : f32
    %neg3A_245 = vector.broadcast %neg3A : f32 to vector<208x128xf32>
    %neg3A_246 = arith.subf %neg3A_245, %mul3A_244 : vector<208x128xf32>
    %log1p3A = math.log1p %neg3A_246 : vector<208x128xf32>
    %neg3A_247 = arith.constant 0.000000e+00 : f32
    %neg3A_248 = vector.broadcast %neg3A_247 : f32 to vector<208x128xf32>
    %neg3A_249 = arith.subf %neg3A_248, %log1p3A : vector<208x128xf32>
    %lt3A = arith.constant 5.000000e+00 : f32
    %lt3A_250 = vector.broadcast %lt3A : f32 to vector<208x128xf32>
    %lt3A_251 = arith.cmpf olt, %neg3A_249, %lt3A_250 : vector<208x128xf32>
    %sub3A_252 = arith.constant 2.500000e+00 : f32
    %sub3A_253 = vector.broadcast %sub3A_252 : f32 to vector<208x128xf32>
    %sub3A_254 = arith.subf %neg3A_249, %sub3A_253 : vector<208x128xf32>
    %sqrt3A = math.sqrt %neg3A_249 : vector<208x128xf32>
    %sub3A_255 = arith.constant 3.000000e+00 : f32
    %sub3A_256 = vector.broadcast %sub3A_255 : f32 to vector<208x128xf32>
    %sub3A_257 = arith.subf %sqrt3A, %sub3A_256 : vector<208x128xf32>
    %broadcast_in_dim3A_258 = arith.constant 2.81022636E-8 : f32
    %broadcast_in_dim3A_259 = vector.broadcast %broadcast_in_dim3A_258 : f32 to vector<208x128xf32>
    %mul3A_260 = arith.mulf %broadcast_in_dim3A_259, %sub3A_254 : vector<208x128xf32>
    %add3A_261 = arith.constant 3.43273939E-7 : f32
    %add3A_262 = vector.broadcast %add3A_261 : f32 to vector<208x128xf32>
    %add3A_263 = arith.addf %mul3A_260, %add3A_262 : vector<208x128xf32>
    %mul3A_264 = arith.mulf %add3A_263, %sub3A_254 : vector<208x128xf32>
    %add3A_265 = arith.constant -3.5233877E-6 : f32
    %add3A_266 = vector.broadcast %add3A_265 : f32 to vector<208x128xf32>
    %add3A_267 = arith.addf %mul3A_264, %add3A_266 : vector<208x128xf32>
    %mul3A_268 = arith.mulf %add3A_267, %sub3A_254 : vector<208x128xf32>
    %add3A_269 = arith.constant -4.39150654E-6 : f32
    %add3A_270 = vector.broadcast %add3A_269 : f32 to vector<208x128xf32>
    %add3A_271 = arith.addf %mul3A_268, %add3A_270 : vector<208x128xf32>
    %mul3A_272 = arith.mulf %add3A_271, %sub3A_254 : vector<208x128xf32>
    %add3A_273 = arith.constant 2.1858087E-4 : f32
    %add3A_274 = vector.broadcast %add3A_273 : f32 to vector<208x128xf32>
    %add3A_275 = arith.addf %mul3A_272, %add3A_274 : vector<208x128xf32>
    %mul3A_276 = arith.mulf %add3A_275, %sub3A_254 : vector<208x128xf32>
    %add3A_277 = arith.constant -0.00125372503 : f32
    %add3A_278 = vector.broadcast %add3A_277 : f32 to vector<208x128xf32>
    %add3A_279 = arith.addf %mul3A_276, %add3A_278 : vector<208x128xf32>
    %mul3A_280 = arith.mulf %add3A_279, %sub3A_254 : vector<208x128xf32>
    %add3A_281 = arith.constant -0.00417768164 : f32
    %add3A_282 = vector.broadcast %add3A_281 : f32 to vector<208x128xf32>
    %add3A_283 = arith.addf %mul3A_280, %add3A_282 : vector<208x128xf32>
    %mul3A_284 = arith.mulf %add3A_283, %sub3A_254 : vector<208x128xf32>
    %add3A_285 = arith.constant 0.246640727 : f32
    %add3A_286 = vector.broadcast %add3A_285 : f32 to vector<208x128xf32>
    %add3A_287 = arith.addf %mul3A_284, %add3A_286 : vector<208x128xf32>
    %mul3A_288 = arith.mulf %add3A_287, %sub3A_254 : vector<208x128xf32>
    %add3A_289 = arith.constant 1.50140941 : f32
    %add3A_290 = vector.broadcast %add3A_289 : f32 to vector<208x128xf32>
    %add3A_291 = arith.addf %mul3A_288, %add3A_290 : vector<208x128xf32>
    %broadcast_in_dim3A_292 = arith.constant -2.00214257E-4 : f32
    %broadcast_in_dim3A_293 = vector.broadcast %broadcast_in_dim3A_292 : f32 to vector<208x128xf32>
    %mul3A_294 = arith.mulf %broadcast_in_dim3A_293, %sub3A_257 : vector<208x128xf32>
    %add3A_295 = arith.constant 1.00950558E-4 : f32
    %add3A_296 = vector.broadcast %add3A_295 : f32 to vector<208x128xf32>
    %add3A_297 = arith.addf %mul3A_294, %add3A_296 : vector<208x128xf32>
    %mul3A_298 = arith.mulf %add3A_297, %sub3A_257 : vector<208x128xf32>
    %add3A_299 = arith.constant 0.00134934322 : f32
    %add3A_300 = vector.broadcast %add3A_299 : f32 to vector<208x128xf32>
    %add3A_301 = arith.addf %mul3A_298, %add3A_300 : vector<208x128xf32>
    %mul3A_302 = arith.mulf %add3A_301, %sub3A_257 : vector<208x128xf32>
    %add3A_303 = arith.constant -0.00367342844 : f32
    %add3A_304 = vector.broadcast %add3A_303 : f32 to vector<208x128xf32>
    %add3A_305 = arith.addf %mul3A_302, %add3A_304 : vector<208x128xf32>
    %mul3A_306 = arith.mulf %add3A_305, %sub3A_257 : vector<208x128xf32>
    %add3A_307 = arith.constant 0.00573950773 : f32
    %add3A_308 = vector.broadcast %add3A_307 : f32 to vector<208x128xf32>
    %add3A_309 = arith.addf %mul3A_306, %add3A_308 : vector<208x128xf32>
    %mul3A_310 = arith.mulf %add3A_309, %sub3A_257 : vector<208x128xf32>
    %add3A_311 = arith.constant -0.0076224613 : f32
    %add3A_312 = vector.broadcast %add3A_311 : f32 to vector<208x128xf32>
    %add3A_313 = arith.addf %mul3A_310, %add3A_312 : vector<208x128xf32>
    %mul3A_314 = arith.mulf %add3A_313, %sub3A_257 : vector<208x128xf32>
    %add3A_315 = arith.constant 0.00943887047 : f32
    %add3A_316 = vector.broadcast %add3A_315 : f32 to vector<208x128xf32>
    %add3A_317 = arith.addf %mul3A_314, %add3A_316 : vector<208x128xf32>
    %mul3A_318 = arith.mulf %add3A_317, %sub3A_257 : vector<208x128xf32>
    %add3A_319 = arith.constant 1.00167406 : f32
    %add3A_320 = vector.broadcast %add3A_319 : f32 to vector<208x128xf32>
    %add3A_321 = arith.addf %mul3A_318, %add3A_320 : vector<208x128xf32>
    %mul3A_322 = arith.mulf %add3A_321, %sub3A_257 : vector<208x128xf32>
    %add3A_323 = arith.constant 2.83297682 : f32
    %add3A_324 = vector.broadcast %add3A_323 : f32 to vector<208x128xf32>
    %add3A_325 = arith.addf %mul3A_322, %add3A_324 : vector<208x128xf32>
    %select_n3A = arith.select %lt3A_251, %add3A_291, %add3A_325 : vector<208x128xi1>, vector<208x128xf32>
    %mul3A_326 = arith.constant 1.41421354 : f32
    %mul3A_327 = vector.broadcast %mul3A_326 : f32 to vector<208x128xf32>
    %mul3A_328 = arith.mulf %mul3A_327, %select_n3A : vector<208x128xf32>
    %mul3A_329 = arith.mulf %mul3A_328, %max3A_243 : vector<208x128xf32>
    %and3A_330 = arith.constant -65536 : i32
    %and3A_331 = vector.broadcast %and3A_330 : i32 to vector<208x128xi32>
    %and3A_332 = arith.andi %get3A_6, %and3A_331 : vector<208x128xi32>
    %bitcast_convert_type3A_333 = tpu.bitcast %and3A_332 : vector<208x128xi32> -> vector<208x128xf32>
    %shift_left3A_334 = arith.constant 16 : i32
    %shift_left3A_335 = vector.broadcast %shift_left3A_334 : i32 to vector<208x128xi32>
    %shift_left3A_336 = arith.shli %get3A_6, %shift_left3A_335 : vector<208x128xi32>
    %bitcast_convert_type3A_337 = tpu.bitcast %shift_left3A_336 : vector<208x128xi32> -> vector<208x128xf32>
    %exp3A = math.exp %bitcast_convert_type3A_337 : vector<208x128xf32>
    %log1p3A_338 = math.log1p %exp3A : vector<208x128xf32>
    %mul3A_339 = arith.mulf %log1p3A_338, %mul3A_329 : vector<208x128xf32>
    %add3A_340 = arith.addf %bitcast_convert_type3A_333, %mul3A_339 : vector<208x128xf32>
    %swap3A = arith.constant 0 : index
    %swap3A_341 = arith.constant 0 : index
    %swap3A_342 = vector.load %arg3[%swap3A, %swap3A_341] : memref<208x128xf32, #tpu.memory_space<vmem>>, vector<208x128xf32>
    tpu.vector_store %arg3[%swap3A, %swap3A_341], %add3A_340 {strides = array<i32>} : memref<208x128xf32, #tpu.memory_space<vmem>>, vector<208x128xf32>,
    return
  }
  func.func @transform_0(%arg0: i32) -> (i32, i32) {
    %c0_i32 = arith.constant 0 : i32
    %c0_i32_0 = arith.constant 0 : i32
    return %c0_i32, %arg0 : i32, i32
  }
  func.func @transform_1(%arg0: i32) -> (i32, i32, i32) {
    %c0_i32 = arith.constant 0 : i32
    %c0_i32_0 = arith.constant 0 : i32
    %c0_i32_1 = arith.constant 0 : i32
    return %arg0, %c0_i32, %c0_i32_0 : i32, i32, i32
  }
  func.func @transform_2(%arg0: i32) -> (i32, i32) {
    %c0_i32 = arith.constant 0 : i32
    %c0_i32_0 = arith.constant 0 : i32
    return %c0_i32, %arg0 : i32, i32
  }
}

</mosaic_0001>

<sc_bundles>
// kernel: kernel.11.cloned.1.call-start
scs
__scs_entry_jumppad:
0x0: {  	(pc) =	sbr.rel $0x88, $3  }
0x1: {  	(tag) =	ssettag $0x0;
	lr =	simm.s32 $0x1  }
0x2: {  	[smem:$0x3F9C] =	sst lr;
	_ =	strace $0xD0000000  }
0x3: {  	_ = 	snop  }
0x4: {  	_ = 	snop  }
0x5: {  	_ = 	snop  }
0x6: {  	_ = 	snop  }
0x7: {  	_ = 	snop  }
__scs_overlays_trampoline_lowered:
0x8: {  	[smem:$0x3FAB] =	sst s0  }
0x9: {  	[smem:$0x3FAC] =	sst s1  }
0xa: {  	[smem:$0x3FAD] =	sst s2  }
0xb: {  	[smem:$0x3FAE] =	sst s3  }
0xc: {  	[smem:$0x3FAF] =	sst s4  }
0xd: {  	[smem:$0x3FB0] =	sst s5  }
0xe: {  	[smem:$0x3FB1] =	sst s6  }
0xf: {  	[smem:$0x3FB2] =	sst s7  }
0x10: {  	[smem:$0x3FB3] =	sst s8  }
0x11: {  	[smem:$0x3FB4] =	sst s9;
	s0 =	simm.s32 @!p0 $0x0  }
0x12: {  	s1 =	sld [smem:$0x3F9A];
	s0 =	simm.s32 @p0 $0x1  }
0x13: {  	[smem:$0x3FB5] =	sst s0;
	s0 =	simm.s32 @!p1 $0x0  }
0x14: {  	s2 =	sld [smem:$0x3F99];
	s0 =	simm.s32 @p1 $0x1  }
0x15: {  	[smem:$0x3FB6] =	sst s0;
	s0 =	simm.s32 @!p2 $0x0  }
0x16: {  	s3 =	sld [smem:$0x3FDB];
	s0 =	simm.s32 @p2 $0x1  }
0x17: {  	s4 =	simm.s32 $0x1BF5;
	[smem:$0x3FB8] =	sst s0  }
0x18: {  	s0 =	sld [smem:$0x3F9B];
	_ =	swait.ge [sflag:s4], $0x0  }
0x19: {  	s7 =	sld [smem:$0x3F9C]  }
0x1a: {  	s8 =	sadd.s32 $0xFFFFE003, lr  }
0x1b: {  	s9 =	sadd.s32 $0xFFFFFEF7, lr;
	s5 =	simm.s32 $0xFFFFFFFF;
	p2 =	slt.u32 s8, $0xFFFFF086  }
0x1c: {  	p1 =	slt.u32 s9, $0xF7A;
	s5 =	simm.s32 @!p2 $0x0  }
0x1d: {  	s5 =	simm.s32 @p1 $0x1;
	p0 =	seq.s32 s7, s2  }
0x1e: {  	s7 =	smul.u32 @!p0 $0xF7A, s2;
	p2 =	seq.s32 @!p0 s5, $0x0  }
0x1f: {  	s9 =	smul.u32 $0xF7A, s1;
	s8 =	simm.s32 @!p0 $0x1BF5;
	p2 =	por !p2, p0  }
0x20: {  	[sflag:s8] =	ssyncset.s32 @!p0 $0xFFFFF086;
	s6 =	sadd.s32 @!p0 s3, s7;
	s7 =	simm.s32 @!p0 $0x108  }
0x21: {  	s3 =	sadd.s32 s3, s9;
	s6 =	sadd.s32 @!p0 $0x88, s6;
	s7 =	simm.s32 @p2 $0x1082  }
0x22: {  	[simem:s7], [sflag:s8] =	dma.local @!p0 [hbm:s6], $0xF7A  }
0x23: {  	s9 =	sor.u32 $0xD0000000, s2;
	s6 =	simm.s32 $0x108;
	_ =	swait.ge @!p0 [sflag:s8], $0x0  }
0x24: {  	s3 =	sadd.s32 $0x88, s3;
	s6 =	simm.s32 @!p1 $0x1082;
	[sflag:s4] =	ssyncset.s32 $0xFFFFF086  }
0x25: {  	[simem:s6], [sflag:s4] =	dma.local [hbm:s3], $0xF7A  }
0x26: {  	[smem:$0x3F9C] =	sst s1;
	(tag) =	ssettag s2;
	_ =	strace s9  }
0x27: {  	s1 =	sld [smem:$0x3FAC]  }
0x28: {  	s2 =	sld [smem:$0x3FAD]  }
0x29: {  	s4 =	sld [smem:$0x3FAF]  }
0x2a: {  	p0 =	seq.s32 s5, $0x0;
	s5 =	sld [smem:$0x3FB0]  }
0x2b: {  	s6 =	sld [smem:$0x3FB1]  }
0x2c: {  	s7 =	sld [smem:$0x3FB2]  }
0x2d: {  	s3 =	simm.s32 $0x108;
	s8 =	sld [smem:$0x3FB3]  }
0x2e: {  	s3 =	simm.s32 @!p0 $0x1082;
	s9 =	sld [smem:$0x3FB4]  }
0x2f: {  	lr =	sadd.s32 s0, s3;
	s0 =	sld [smem:$0x3FAB]  }
0x30: {  	s3 =	sld [smem:$0x3FAE]  }
0x31: {  	[smem:$0x3FB7] =	sst s10  }
0x32: {  	s10 =	sld [smem:$0x3FB5];
	_ =	sdelay $0x3  }
0x33: {  	p0 =	seq.s32 s10, $0x1;
	s10 =	sld [smem:$0x3FB7];
	_ =	sdelay $0x3  }
0x34: {  	[smem:$0x3FB7] =	sst s10  }
0x35: {  	s10 =	sld [smem:$0x3FB6];
	_ =	sdelay $0x3  }
0x36: {  	p1 =	seq.s32 s10, $0x1;
	s10 =	sld [smem:$0x3FB7];
	_ =	sdelay $0x3  }
0x37: {  	[smem:$0x3FB7] =	sst s10  }
0x38: {  	s10 =	sld [smem:$0x3FB8]  }
0x39: {  	_ = 	snop;
	(pc) =	sbr.ind lr, $3  }
0x3a: {  	_ = 	snop  }
0x3b: {  	_ = 	snop  }
0x3c: {  	p2 =	seq.s32 s10, $0x1;
	s10 =	sld [smem:$0x3FB7]  }
0x3d: {  	_ =	shalt  }
0x3e: {  	_ =	shalt  }
0x3f: {  	_ =	shalt  }
0x40: {  	_ =	shalt  }
0x41: {  	_ =	shalt  }
0x42: {  	_ =	shalt  }
0x43: {  	_ =	shalt  }
0x44: {  	_ =	shalt  }
0x45: {  	_ =	shalt  }
0x46: {  	_ =	shalt  }
0x47: {  	_ =	shalt  }
0x48: {  	_ =	shalt  }
0x49: {  	_ =	shalt  }
0x4a: {  	_ =	shalt  }
0x4b: {  	_ =	shalt  }
0x4c: {  	_ =	shalt  }
0x4d: {  	_ =	shalt  }
0x4e: {  	_ =	shalt  }
0x4f: {  	_ =	shalt  }
0x50: {  	_ =	shalt  }
0x51: {  	_ =	shalt  }
0x52: {  	_ =	shalt  }
0x53: {  	_ =	shalt  }
0x54: {  	_ =	shalt  }
0x55: {  	_ =	shalt  }
0x56: {  	_ =	shalt  }
0x57: {  	_ =	shalt  }
0x58: {  	_ =	shalt  }
0x59: {  	_ =	shalt  }
0x5a: {  	_ =	shalt  }
0x5b: {  	_ =	shalt  }
0x5c: {  	_ =	shalt  }
0x5d: {  	_ =	shalt  }
0x5e: {  	_ =	shalt  }
0x5f: {  	_ =	shalt  }
0x60: {  	_ =	shalt  }
0x61: {  	_ =	shalt  }
0x62: {  	_ =	shalt  }
0x63: {  	_ =	shalt  }
0x64: {  	_ =	shalt  }
0x65: {  	_ =	shalt  }
0x66: {  	_ =	shalt  }
0x67: {  	_ =	shalt  }
0x68: {  	_ =	shalt  }
0x69: {  	_ =	shalt  }
0x6a: {  	_ =	shalt  }
0x6b: {  	_ =	shalt  }
0x6c: {  	_ =	shalt  }
0x6d: {  	_ =	shalt  }
0x6e: {  	_ =	shalt  }
0x6f: {  	_ =	shalt  }
0x70: {  	_ =	shalt  }
0x71: {  	_ =	shalt  }
0x72: {  	_ =	shalt  }
0x73: {  	_ =	shalt  }
0x74: {  	_ =	shalt  }
0x75: {  	_ =	shalt  }
0x76: {  	_ =	shalt  }
0x77: {  	_ =	shalt  }
0x78: {  	_ =	shalt  }
0x79: {  	_ =	shalt  }
0x7a: {  	_ =	shalt  }
0x7b: {  	_ =	shalt  }
0x7c: {  	_ =	shalt  }
0x7d: {  	_ =	shalt  }
0x7e: {  	_ =	shalt  }
0x7f: {  	_ =	shalt  }
0x80: {  	_ =	shalt  }
0x81: {  	_ =	shalt  }
0x82: {  	_ =	shalt  }
0x83: {  	_ =	shalt  }
0x84: {  	_ =	shalt  }
0x85: {  	_ =	shalt  }
0x86: {  	_ =	shalt  }
0x87: {  	_ =	shalt  }
.Lfunc_end0:
.L_simem_size_0:
called_computation.1_lowered:
.L_overlay_start_0:
0x88: {  	s2 =	sld [smem:$0x3FD9]  }
0x89: {  	s3 =	sld [smem:$0x3FFE];
	_ =	sdelay $0x1  }
0x8a: {  	s1 =	srdreg.scid  }
0x8b: {  	s0 =	sand.u32 $0x1, s1  }
0x8c: {  	s17 =	sshll.u32 s0, $0xA;
	s2 =	sadd.s32 s3, s2  }
0x8d: {  	s2 =	sadd.s32 s2, s17  }
0x8e: {  	[smem:$0x3FC3] =	sst s2  }
0x8f: {  	_ = 	snop  }
0x90: {  	s2 =	sld [smem:$0x3FD0];
	(tm) =	ssettm $0x1  }
0x91: {  	s18 =	sld [smem:$0x3FFB];
	_ =	sdelay $0x3  }
0x92: {  	_ =	strace s18  }
0x93: {  	s3 =	sld [smem:$0x3FFC];
	_ =	sdelay $0x3  }
0x94: {  	_ =	strace s3  }
0x95: {  	s3 =	sld [smem:$0x3FFD];
	_ =	sdelay $0x3  }
0x96: {  	_ =	strace s3  }
0x97: {  	_ =	strace $0x8FFFFFFF  }
0x98: {  	s19 =	sld [smem:$0x3FDB];
	_ =	sdelay $0x1  }
0x99: {  	s4 =	simm.s32 $_scs_section_size  }
0x9a: {  	s5 =	simm.s32 $_size__tile_overlayer_lowered;
	s6 =	simm.s32 $_tile_overlayer_lowered  }
0x9b: {  	s22 =	simm.s32 $0x1BFF;
	s21 =	sshll.u32 s6, $0x1;
	s3 =	sadd.s32 s4, s19  }
0x9c: {  	s7 =	simm.s32 $0x0;
	s20 =	sshll.u32 s5, $0x1;
	s5 =	sadd.s32 s21, s3  }
0x9d: {  	[timem:s7], [sflag:s22] =	dma.local [hbm:s5], s20  }
0x9e: {  	_ =	swait.ge [sflag:s22], s20  }
0x9f: {  	s4 =	ssub.s32 $0x0, s20;
	[sflag:s22] =	ssyncset.done $0x0  }
0xa0: {  	[sflag:s22] =	ssyncadd.s32 s4;
	_ =	sdelay $0x1  }
0xa1: {  	s23 =	simm.s32 $0x1B8B  }
0xa2: {  	_ =	swait.ge [sflag:s23], $0x1  }
0xa3: {  	[sflag:s23] =	ssyncset.done $0x0  }
0xa4: {  	s25 =	simm.s32 $0x1B8E;
	s24 =	sld [smem:$0x3FFE];
	[sflag:s23] =	ssyncadd.s32 $0xFFFFFFFF  }
0xa5: {  	s26 =	simm.s32 $execute0_lowered;
	[smem:$0x3FD2] =	sst s25  }
0xa6: {  	s5 =	sshll.u32 s26, $0x1;
	_ =	strace $0x80000046;
	[dreg:$0x1] =	wrdreg $0xFFFFFFFF  }
0xa7: {  	s28 =	simm.s32 $_size_execute0_lowered;
	s3 =	sadd.s32 s3, s5;
	[dreg:$0x0] =	wrdreg $0x0  }
0xa8: {  	s5 =	sshll.u32 s28, $0x1;
	[dreg:$0x2] =	wrdreg s3  }
0xa9: {  	[dreg:$0x3] =	wrdreg s5  }
0xaa: {  	[dreg:$0x4] =	wrdreg $0xC0  }
0xab: {  	_ =	task [dreg:s7], $0x5FFFF  }
0xac: {  	[dreg:$0x1] =	wrdreg $0xFFFFFFFF  }
0xad: {  	[dreg:$0x0] =	wrdreg $0x60  }
0xae: {  	[dreg:$0x2] =	wrdreg s24  }
0xaf: {  	[dreg:$0x3] =	wrdreg s2  }
0xb0: {  	[dreg:$0x4] =	wrdreg $0xA  }
0xb1: {  	_ =	task.clear_ibuf [dreg:s7], $0x5FFFF;
	_ =	strace $0x90000046  }
0xb2: {  	s29 =	simm.s32 $0xA;
	_ =	strace $0x80000048  }
0xb3: {  	_ =	swait.ge [sflag:s29], $0x1  }
0xb4: {  	[sflag:s29] =	ssyncadd.s32 $0xFFFFFFFF  }
0xb5: {  	_ =	strace $0x90000048  }
0xb6: {  	_ =	sfence  }
0xb7: {  	s30 =	sld [smem:$0x0];
	_ =	sdelay $0x2  }
0xb8: {  	s31 =	sshll.u32 s1, $0xD;
	s1 =	sshrl.u32 s1, $0x2  }
0xb9: {  	s3 =	sand.u32 $0x4000, s31;
	s1 =	sadd.s32 s1, s30  }
0xba: {  	s0 =	sor.u32 s3, s0;
	s1 =	sshll.u32 s1, $0x11  }
0xbb: {  	s0 =	sor.u32 s1, s0  }
0xbc: {  	s0 =	sadd.s32 $0x8F2B, s0  }
0xbd: {  	[sflag:s0] =	ssyncadd.remote.s32 $0x1  }
0xbe: {  	_ =	sfence.sel $0xFFFF  }
0xbf: {  	[dreg:$0x0] =	wrdreg $0xFFFFFFFF;
	(pc) =	sbr.abs _section_cstart, $3  }
0xc0: {  	[dreg:$0x1] =	wrdreg $0xFFFFFFFF  }
0xc1: {  	_ =	task.clear_ibuf [dreg:s7], $0x2FFFF;
	_ =	strace $0x9FFFFFFF  }
0xc2: {  	(tm) =	ssettm $0x7FFFFFFF  }
0xc3: {  	_ =	shalt  }
tec
execute0_lowered:
.L_overlay_start_1:
0x0: {  	(tag) =	ssettag $0x1  }
0x1: {  	s0 =	rddreg [dreg:$0x0]  }
0x2: {  	s1 =	srdreg.scid;
	s2 =	stileid.u32  }
0x3: {  	s17 =	rddreg [dreg:$0x1];
	s20 =	simm.s32 $0x2;
	s21 =	simm.s32 $0x80  }
0x4: {  	s31 =	simm.s32 $0x500;
	s22 =	simm.s32 $0x1;
	s23 =	simm.s32 $0x7000  }
0x5: {  	s1 =	sand.u32 $0x1, s1;
	s3 =	sshll.u32 s2, $0x1;
	s2 =	simm.s32 $0x0  }
0x6: {  	s24 =	simm.s32 $0x0;
	s10 =	sor.u32 s1, s3;
	[smem:$0x7FF] =	sst s2  }
0x7: {  	s1 =	ssub.s32 $0x2, s1;
	s3 =	sshll.u32 s10, $0x4;
	_ =	strace $0x80000047  }
0x8: {  	s4 =	sshrl.u32 s1, $0x1;
	s30 =	smul.u32 $0xD000, s10;
	s16 =	sadd.s32 s3, s0  }
0x9: {  	s3 =	sadd.s32 $0x7000, s0;
	s29 =	ssub.s32 s1, s4;
	s0 =	simm.s32 $0x600  }
0xa: {  	s4 =	sadd.s32 $0x5600, s16;
	s5 =	sadd.s32 $0x5800, s16;
	s6 =	sadd.s32 $0x5A00, s16  }
0xb: {  	s7 =	sadd.s32 $0x5C00, s16;
	s8 =	sadd.s32 $0x5E00, s16;
	s9 =	sadd.s32 $0x6000, s16  }
0xc: {  	s10 =	sadd.s32 $0x6200, s16;
	s11 =	sadd.s32 $0x6400, s16;
	s12 =	sadd.s32 $0x6600, s16  }
0xd: {  	s13 =	sadd.s32 $0x6800, s16;
	s14 =	sadd.s32 $0x6A00, s16;
	s1 =	sshrl.u32 s30, $0x3  }
0xe: {  	s15 =	sadd.s32 $0x6C00, s16;
	s16 =	sadd.s32 $0x6E00, s16;
	s17 =	sadd.s32 s17, s1  }
0xf: {  	s19 =	smax.u32 s29, $0x1;
	s1 =	simm.s32 $0x580;
	s18 =	sadd.s32 $0xD00, s17  }
.LBB2_1:
0x10: {  	[tilespmem:s2], [sflag:$0x2] =	stream.linear.gather [hbm4b:s4+s2], $0x80, $0x38;
	[tilespmem:$0xD800] =	vst v63  }
0x11: {  	_ =	swait.ge [sflag:s20], $0x80  }
0x12: {  	[sflag:s20] =	ssyncset.done $0x0  }
0x13: {  	[sflag:s20] =	ssyncadd.s32 $0xFFFFFF80  }
0x14: {  	[tilespmem:s21], [sflag:$0x2] =	stream.linear.gather [hbm4b:s5+s2], $0x80, $0x38;
	[tilespmem:$0xD800] =	vst v63  }
0x15: {  	_ =	swait.ge [sflag:s20], $0x80  }
0x16: {  	[sflag:s20] =	ssyncset.done $0x0  }
0x17: {  	s25 =	simm.s32 $0x100;
	[sflag:s20] =	ssyncadd.s32 $0xFFFFFF80  }
0x18: {  	[tilespmem:s25], [sflag:$0x2] =	stream.linear.gather [hbm4b:s6+s2], $0x80, $0x38;
	[tilespmem:$0xD800] =	vst v63  }
0x19: {  	_ =	swait.ge [sflag:s20], $0x80  }
0x1a: {  	[sflag:s20] =	ssyncset.done $0x0  }
0x1b: {  	s26 =	simm.s32 $0x180;
	[sflag:s20] =	ssyncadd.s32 $0xFFFFFF80  }
0x1c: {  	[tilespmem:s26], [sflag:$0x2] =	stream.linear.gather [hbm4b:s7+s2], $0x80, $0x38;
	[tilespmem:$0xD800] =	vst v63  }
0x1d: {  	_ =	swait.ge [sflag:s20], $0x80  }
0x1e: {  	[sflag:s20] =	ssyncset.done $0x0  }
0x1f: {  	s26 =	simm.s32 $0x200;
	[sflag:s20] =	ssyncadd.s32 $0xFFFFFF80  }
0x20: {  	[tilespmem:s26], [sflag:$0x2] =	stream.linear.gather [hbm4b:s8+s2], $0x80, $0x38;
	[tilespmem:$0xD800] =	vst v63  }
0x21: {  	_ =	swait.ge [sflag:s20], $0x80  }
0x22: {  	[sflag:s20] =	ssyncset.done $0x0  }
0x23: {  	s26 =	simm.s32 $0x280;
	[sflag:s20] =	ssyncadd.s32 $0xFFFFFF80  }
0x24: {  	[tilespmem:s26], [sflag:$0x2] =	stream.linear.gather [hbm4b:s9+s2], $0x80, $0x38;
	[tilespmem:$0xD800] =	vst v63  }
0x25: {  	_ =	swait.ge [sflag:s20], $0x80  }
0x26: {  	[sflag:s20] =	ssyncset.done $0x0  }
0x27: {  	s26 =	simm.s32 $0x300;
	[sflag:s20] =	ssyncadd.s32 $0xFFFFFF80  }
0x28: {  	[tilespmem:s26], [sflag:$0x2] =	stream.linear.gather [hbm4b:s10+s2], $0x80, $0x38;
	[tilespmem:$0xD800] =	vst v63  }
0x29: {  	_ =	swait.ge [sflag:s20], $0x80  }
0x2a: {  	[sflag:s20] =	ssyncset.done $0x0  }
0x2b: {  	s26 =	simm.s32 $0x380;
	[sflag:s20] =	ssyncadd.s32 $0xFFFFFF80  }
0x2c: {  	[tilespmem:s26], [sflag:$0x2] =	stream.linear.gather [hbm4b:s11+s2], $0x80, $0x38;
	[tilespmem:$0xD800] =	vst v63  }
0x2d: {  	_ =	swait.ge [sflag:s20], $0x80  }
0x2e: {  	[sflag:s20] =	ssyncset.done $0x0  }
0x2f: {  	s26 =	simm.s32 $0x400;
	[sflag:s20] =	ssyncadd.s32 $0xFFFFFF80  }
0x30: {  	[tilespmem:s26], [sflag:$0x2] =	stream.linear.gather [hbm4b:s12+s2], $0x80, $0x38;
	[tilespmem:$0xD800] =	vst v63  }
0x31: {  	_ =	swait.ge [sflag:s20], $0x80  }
0x32: {  	[sflag:s20] =	ssyncset.done $0x0  }
0x33: {  	s26 =	simm.s32 $0x480;
	[sflag:s20] =	ssyncadd.s32 $0xFFFFFF80  }
0x34: {  	[tilespmem:s26], [sflag:$0x2] =	stream.linear.gather [hbm4b:s13+s2], $0x80, $0x38;
	[tilespmem:$0xD800] =	vst v63  }
0x35: {  	_ =	swait.ge [sflag:s20], $0x80  }
0x36: {  	[sflag:s20] =	ssyncset.done $0x0  }
0x37: {  	[sflag:s20] =	ssyncadd.s32 $0xFFFFFF80  }
0x38: {  	[tilespmem:s31], [sflag:$0x2] =	stream.linear.gather [hbm4b:s14+s2], $0x80, $0x38;
	[tilespmem:$0xD800] =	vst v63  }
0x39: {  	_ =	swait.ge [sflag:s20], $0x80  }
0x3a: {  	[sflag:s20] =	ssyncset.done $0x0  }
0x3b: {  	[sflag:s20] =	ssyncadd.s32 $0xFFFFFF80  }
0x3c: {  	[tilespmem:s1], [sflag:$0x2] =	stream.linear.gather [hbm4b:s15+s2], $0x80, $0x38;
	[tilespmem:$0xD800] =	vst v63  }
0x3d: {  	_ =	swait.ge [sflag:s20], $0x80  }
0x3e: {  	[sflag:s20] =	ssyncset.done $0x0  }
0x3f: {  	[sflag:s20] =	ssyncadd.s32 $0xFFFFFF80  }
0x40: {  	[tilespmem:s0], [sflag:$0x2] =	stream.linear.gather [hbm4b:s16+s2], $0x80, $0x38;
	[tilespmem:$0xD800] =	vst v63  }
0x41: {  	_ =	swait.ge [sflag:s20], $0x80  }
0x42: {  	[sflag:s20] =	ssyncset.done $0x0  }
0x43: {  	s26 =	sand.u32 $0x380, s2;
	[sflag:s20] =	ssyncadd.s32 $0xFFFFFF80  }
0x44: {  	v0 =	vld [tilespmem:s26+$0x0];
	_ =	sdelay $0x4  }
0x45: {  	s25 =	simm.s32 $0x840;
	v0 =	vadd.s32 s2, v0  }
0x46: {  	[tilespmem:s25+$0xFFFFFFC0] =	vst v0  }
0x47: {  	v0 =	vld [tilespmem:s26+$0x10];
	_ =	sdelay $0x4  }
0x48: {  	v0 =	vadd.s32 s2, v0  }
0x49: {  	[tilespmem:s25+$0xFFFFFFD0] =	vst v0  }
0x4a: {  	v0 =	vld [tilespmem:s26+$0x20];
	_ =	sdelay $0x4  }
0x4b: {  	v0 =	vadd.s32 s2, v0  }
0x4c: {  	[tilespmem:s25+$0xFFFFFFE0] =	vst v0  }
0x4d: {  	v0 =	vld [tilespmem:s26+$0x30];
	_ =	sdelay $0x4  }
0x4e: {  	v0 =	vadd.s32 s2, v0  }
0x4f: {  	[tilespmem:s25+$0xFFFFFFF0] =	vst v0  }
0x50: {  	v0 =	vld [tilespmem:s26+$0x40];
	_ =	sdelay $0x4  }
0x51: {  	v0 =	vadd.s32 s2, v0  }
0x52: {  	[tilespmem:s25+$0x0] =	vst v0  }
0x53: {  	v0 =	vld [tilespmem:s26+$0x50];
	_ =	sdelay $0x4  }
0x54: {  	v0 =	vadd.s32 s2, v0  }
0x55: {  	[tilespmem:s25+$0x10] =	vst v0  }
0x56: {  	v0 =	vld [tilespmem:s26+$0x60];
	_ =	sdelay $0x4  }
0x57: {  	v0 =	vadd.s32 s2, v0  }
0x58: {  	[tilespmem:s25+$0x20] =	vst v0  }
0x59: {  	v0 =	vld [tilespmem:s26+$0x70];
	_ =	sdelay $0x4  }
0x5a: {  	s29 =	simm.s32 $0x4;
	v0 =	vadd.s32 s2, v0  }
0x5b: {  	s30 =	simm.s32 $0x32000;
	s28 =	sand.u32 $0x380, s29;
	s26 =	simm.s32 $0x19000;
	[tilespmem:s25+$0x30] =	vst v0  }
.LBB2_2:
0x5c: {  	p0 =	sne.s32 s30, $0x1437000;
	v0 =	vld [tilespmem:s28+$0x0];
	_ =	sdelay $0x4  }
0x5d: {  	s25 =	sadd.s32 $0x80, s25;
	v0 =	vadd.s32 s26, v0  }
0x5e: {  	[tilespmem:s25+$0xFFFFFFC0] =	vst v0  }
0x5f: {  	v0 =	vld [tilespmem:s28+$0x10];
	_ =	sdelay $0x4  }
0x60: {  	v0 =	vadd.s32 s26, v0  }
0x61: {  	[tilespmem:s25+$0xFFFFFFD0] =	vst v0  }
0x62: {  	v0 =	vld [tilespmem:s28+$0x20];
	_ =	sdelay $0x4  }
0x63: {  	v0 =	vadd.s32 s26, v0  }
0x64: {  	[tilespmem:s25+$0xFFFFFFE0] =	vst v0  }
0x65: {  	v0 =	vld [tilespmem:s28+$0x30];
	_ =	sdelay $0x4  }
0x66: {  	v0 =	vadd.s32 s26, v0  }
0x67: {  	[tilespmem:s25+$0xFFFFFFF0] =	vst v0  }
0x68: {  	v0 =	vld [tilespmem:s28+$0x40];
	_ =	sdelay $0x4  }
0x69: {  	v0 =	vadd.s32 s26, v0  }
0x6a: {  	[tilespmem:s25+$0x0] =	vst v0  }
0x6b: {  	v0 =	vld [tilespmem:s28+$0x50];
	_ =	sdelay $0x4  }
0x6c: {  	v0 =	vadd.s32 s26, v0  }
0x6d: {  	[tilespmem:s25+$0x10] =	vst v0  }
0x6e: {  	v0 =	vld [tilespmem:s28+$0x60];
	_ =	sdelay $0x4  }
0x6f: {  	v0 =	vadd.s32 s26, v0  }
0x70: {  	[tilespmem:s25+$0x20] =	vst v0  }
0x71: {  	v0 =	vld [tilespmem:s28+$0x70];
	_ =	sdelay $0x1  }
.Ltmp0:
0x72: {  	(pc) =	sbr.rel @p0 .LBB2_2-.Ltmp0, $3  }
0x73: {  	_ =	sdelay $0x1  }
0x74: {  	s29 =	sadd.s32 $0x4, s29;
	v0 =	vadd.s32 s26, v0;
	s26 =	smov.u32 s30  }
0x75: {  	s28 =	sand.u32 $0x380, s29;
	s30 =	sadd.s32 $0x19000, s30;
	[tilespmem:s25+$0x30] =	vst v0  }
0x76: {  	v0 =	vld [tilespmem:s28+$0x0];
	_ =	sdelay $0x4  }
0x77: {  	s25 =	sadd.s32 $0x80, s25;
	v0 =	vadd.s32 s26, v0  }
0x78: {  	[tilespmem:s25+$0xFFFFFFC0] =	vst v0  }
0x79: {  	v0 =	vld [tilespmem:s28+$0x10];
	_ =	sdelay $0x4  }
0x7a: {  	v0 =	vadd.s32 s26, v0  }
0x7b: {  	[tilespmem:s25+$0xFFFFFFD0] =	vst v0  }
0x7c: {  	v0 =	vld [tilespmem:s28+$0x20];
	_ =	sdelay $0x4  }
0x7d: {  	v0 =	vadd.s32 s26, v0  }
0x7e: {  	[tilespmem:s25+$0xFFFFFFE0] =	vst v0  }
0x7f: {  	v0 =	vld [tilespmem:s28+$0x30];
	_ =	sdelay $0x4  }
0x80: {  	v0 =	vadd.s32 s26, v0  }
0x81: {  	[tilespmem:s25+$0xFFFFFFF0] =	vst v0  }
0x82: {  	v0 =	vld [tilespmem:s28+$0x40];
	_ =	sdelay $0x4  }
0x83: {  	v0 =	vadd.s32 s26, v0  }
0x84: {  	[tilespmem:s25+$0x0] =	vst v0  }
0x85: {  	v0 =	vld [tilespmem:s28+$0x50];
	_ =	sdelay $0x4  }
0x86: {  	v0 =	vadd.s32 s26, v0  }
0x87: {  	[tilespmem:s25+$0x10] =	vst v0  }
0x88: {  	v0 =	vld [tilespmem:s28+$0x60];
	_ =	sdelay $0x4  }
0x89: {  	v0 =	vadd.s32 s26, v0  }
0x8a: {  	[tilespmem:s25+$0x20] =	vst v0  }
0x8b: {  	v0 =	vld [tilespmem:s28+$0x70];
	_ =	sdelay $0x4  }
0x8c: {  	v0 =	vadd.s32 s26, v0  }
0x8d: {  	[tilespmem:s25+$0x30] =	vst v0;
	s25 =	simm.s32 $0x0  }
.LBB2_4:
0x8e: {  	p0 =	sne.s32 s25, $0x19E00  }
.Ltmp1:
0x8f: {  	_ = 	snop;
	(pc) =	sbr.rel @p0 .LBB2_4-.Ltmp1, $4  }
0x90: {  	_ = 	snop  }
0x91: {  	s26 =	sshra.s32 s25, $0x2  }
0x92: {  	s25 =	sadd.s32 $0x200, s25;
	s28 =	sadd.s32 $0x7000, s26;
	s26 =	sadd.s32 $0x800, s26  }
0x93: {  	[tilespmem:s28], [sflag:$0x1] =	stream.indirect.gather [hbm4b:s3+s21], $0x1, s26, s21, $0xb8;
	[tilespmem:$0xD800] =	vst v63  }
0x94: {  	_ =	swait.ge [sflag:s22], $0x80  }
0x95: {  	s25 =	simm.s32 $0xCF;
	[sflag:s22] =	ssyncset.done $0x0  }
.LBB2_6:
0x96: {  	p0 =	sne.s32 s25, $0x1;
	s25 =	sadd.s32 $0xFFFFFFFF, s25;
	[sflag:s22] =	ssyncadd.s32 $0xFFFFFF80  }
.Ltmp2:
0x97: {  	(pc) =	sbr.rel @p0 .LBB2_6-.Ltmp2, $3  }
0x98: {  	_ =	sdelay $0x1  }
0x99: {  	_ =	swait.ge [sflag:s22], $0x80  }
0x9a: {  	[sflag:s22] =	ssyncset.done $0x0  }
0x9b: {  	[sflag:s22] =	ssyncadd.s32 $0xFFFFFF80  }
0x9c: {  	[hbm4b:s17+s2] =	stream.linear.scatter [tilespmem:s23], [sflag:$0x2], $0x6800, $0x38;
	[tilespmem:$0xD800] =	vst v63  }
0x9d: {  	_ =	swait.ge [sflag:s20], $0x6800  }
0x9e: {  	s25 =	simm.s32 $0x340;
	[sflag:s20] =	ssyncset.done $0x0  }
0x9f: {  	s26 =	sand.u32 $0x780, s25;
	[sflag:s20] =	ssyncadd.s32 $0xFFFF9800  }
0xa0: {  	v0 =	vld [tilespmem:s26+$0x0];
	_ =	sdelay $0x3  }
0xa1: {  	s28 =	simm.s32 $0x1450000  }
0xa2: {  	s25 =	simm.s32 $0x840;
	v0 =	vadd.s32 s28, v0  }
0xa3: {  	[tilespmem:s25+$0xFFFFFFC0] =	vst v0  }
0xa4: {  	v0 =	vld [tilespmem:s26+$0x10];
	_ =	sdelay $0x4  }
0xa5: {  	v0 =	vadd.s32 s28, v0  }
0xa6: {  	[tilespmem:s25+$0xFFFFFFD0] =	vst v0  }
0xa7: {  	v0 =	vld [tilespmem:s26+$0x20];
	_ =	sdelay $0x4  }
0xa8: {  	v0 =	vadd.s32 s28, v0  }
0xa9: {  	[tilespmem:s25+$0xFFFFFFE0] =	vst v0  }
0xaa: {  	v0 =	vld [tilespmem:s26+$0x30];
	_ =	sdelay $0x4  }
0xab: {  	v0 =	vadd.s32 s28, v0  }
0xac: {  	[tilespmem:s25+$0xFFFFFFF0] =	vst v0  }
0xad: {  	v0 =	vld [tilespmem:s26+$0x40];
	_ =	sdelay $0x4  }
0xae: {  	v0 =	vadd.s32 s28, v0  }
0xaf: {  	[tilespmem:s25+$0x0] =	vst v0  }
0xb0: {  	v0 =	vld [tilespmem:s26+$0x50];
	_ =	sdelay $0x4  }
0xb1: {  	v0 =	vadd.s32 s28, v0  }
0xb2: {  	[tilespmem:s25+$0x10] =	vst v0  }
0xb3: {  	v0 =	vld [tilespmem:s26+$0x60];
	_ =	sdelay $0x4  }
0xb4: {  	v0 =	vadd.s32 s28, v0  }
0xb5: {  	[tilespmem:s25+$0x20] =	vst v0  }
0xb6: {  	v0 =	vld [tilespmem:s26+$0x70];
	_ =	sdelay $0x4  }
0xb7: {  	s29 =	simm.s32 $0x344;
	v0 =	vadd.s32 s28, v0  }
0xb8: {  	s30 =	simm.s32 $0x1482000;
	s26 =	simm.s32 $0x1469000;
	s28 =	sand.u32 $0x780, s29;
	[tilespmem:s25+$0x30] =	vst v0  }
.LBB2_8:
0xb9: {  	p0 =	sne.s32 s30, $0x2887000;
	v0 =	vld [tilespmem:s28+$0x0];
	_ =	sdelay $0x4  }
0xba: {  	s25 =	sadd.s32 $0x80, s25;
	v0 =	vadd.s32 s26, v0  }
0xbb: {  	[tilespmem:s25+$0xFFFFFFC0] =	vst v0  }
0xbc: {  	v0 =	vld [tilespmem:s28+$0x10];
	_ =	sdelay $0x4  }
0xbd: {  	v0 =	vadd.s32 s26, v0  }
0xbe: {  	[tilespmem:s25+$0xFFFFFFD0] =	vst v0  }
0xbf: {  	v0 =	vld [tilespmem:s28+$0x20];
	_ =	sdelay $0x4  }
0xc0: {  	v0 =	vadd.s32 s26, v0  }
0xc1: {  	[tilespmem:s25+$0xFFFFFFE0] =	vst v0  }
0xc2: {  	v0 =	vld [tilespmem:s28+$0x30];
	_ =	sdelay $0x4  }
0xc3: {  	v0 =	vadd.s32 s26, v0  }
0xc4: {  	[tilespmem:s25+$0xFFFFFFF0] =	vst v0  }
0xc5: {  	v0 =	vld [tilespmem:s28+$0x40];
	_ =	sdelay $0x4  }
0xc6: {  	v0 =	vadd.s32 s26, v0  }
0xc7: {  	[tilespmem:s25+$0x0] =	vst v0  }
0xc8: {  	v0 =	vld [tilespmem:s28+$0x50];
	_ =	sdelay $0x4  }
0xc9: {  	v0 =	vadd.s32 s26, v0  }
0xca: {  	[tilespmem:s25+$0x10] =	vst v0  }
0xcb: {  	v0 =	vld [tilespmem:s28+$0x60];
	_ =	sdelay $0x4  }
0xcc: {  	v0 =	vadd.s32 s26, v0  }
0xcd: {  	[tilespmem:s25+$0x20] =	vst v0  }
0xce: {  	v0 =	vld [tilespmem:s28+$0x70];
	_ =	sdelay $0x1  }
.Ltmp3:
0xcf: {  	(pc) =	sbr.rel @p0 .LBB2_8-.Ltmp3, $3  }
0xd0: {  	_ =	sdelay $0x1  }
0xd1: {  	s29 =	sadd.s32 $0x4, s29;
	v0 =	vadd.s32 s26, v0;
	s26 =	smov.u32 s30  }
0xd2: {  	s28 =	sand.u32 $0x780, s29;
	s30 =	sadd.s32 $0x19000, s30;
	[tilespmem:s25+$0x30] =	vst v0  }
0xd3: {  	v0 =	vld [tilespmem:s28+$0x0];
	_ =	sdelay $0x4  }
0xd4: {  	s25 =	sadd.s32 $0x80, s25;
	v0 =	vadd.s32 s26, v0  }
0xd5: {  	[tilespmem:s25+$0xFFFFFFC0] =	vst v0  }
0xd6: {  	v0 =	vld [tilespmem:s28+$0x10];
	_ =	sdelay $0x4  }
0xd7: {  	v0 =	vadd.s32 s26, v0  }
0xd8: {  	[tilespmem:s25+$0xFFFFFFD0] =	vst v0  }
0xd9: {  	v0 =	vld [tilespmem:s28+$0x20];
	_ =	sdelay $0x4  }
0xda: {  	v0 =	vadd.s32 s26, v0  }
0xdb: {  	[tilespmem:s25+$0xFFFFFFE0] =	vst v0  }
0xdc: {  	v0 =	vld [tilespmem:s28+$0x30];
	_ =	sdelay $0x4  }
0xdd: {  	v0 =	vadd.s32 s26, v0  }
0xde: {  	[tilespmem:s25+$0xFFFFFFF0] =	vst v0  }
0xdf: {  	v0 =	vld [tilespmem:s28+$0x40];
	_ =	sdelay $0x4  }
0xe0: {  	v0 =	vadd.s32 s26, v0  }
0xe1: {  	[tilespmem:s25+$0x0] =	vst v0  }
0xe2: {  	v0 =	vld [tilespmem:s28+$0x50];
	_ =	sdelay $0x4  }
0xe3: {  	v0 =	vadd.s32 s26, v0  }
0xe4: {  	[tilespmem:s25+$0x10] =	vst v0  }
0xe5: {  	v0 =	vld [tilespmem:s28+$0x60];
	_ =	sdelay $0x4  }
0xe6: {  	v0 =	vadd.s32 s26, v0  }
0xe7: {  	[tilespmem:s25+$0x20] =	vst v0  }
0xe8: {  	v0 =	vld [tilespmem:s28+$0x70];
	_ =	sdelay $0x4  }
0xe9: {  	v0 =	vadd.s32 s26, v0  }
0xea: {  	[tilespmem:s25+$0x30] =	vst v0;
	s25 =	simm.s32 $0x0  }
.LBB2_10:
0xeb: {  	p0 =	sne.s32 s25, $0x19E00  }
.Ltmp4:
0xec: {  	_ = 	snop;
	(pc) =	sbr.rel @p0 .LBB2_10-.Ltmp4, $4  }
0xed: {  	_ = 	snop  }
0xee: {  	s26 =	sshra.s32 s25, $0x2  }
0xef: {  	s25 =	sadd.s32 $0x200, s25;
	s28 =	sadd.s32 $0x7000, s26;
	s26 =	sadd.s32 $0x800, s26  }
0xf0: {  	[tilespmem:s28], [sflag:$0x1] =	stream.indirect.gather [hbm4b:s3+s21], $0x1, s26, s21, $0xb8;
	[tilespmem:$0xD800] =	vst v63  }
0xf1: {  	_ =	swait.ge [sflag:s22], $0x80  }
0xf2: {  	s25 =	simm.s32 $0xCF;
	[sflag:s22] =	ssyncset.done $0x0  }
.LBB2_12:
0xf3: {  	p0 =	sne.s32 s25, $0x1;
	s25 =	sadd.s32 $0xFFFFFFFF, s25;
	[sflag:s22] =	ssyncadd.s32 $0xFFFFFF80  }
.Ltmp5:
0xf4: {  	(pc) =	sbr.rel @p0 .LBB2_12-.Ltmp5, $3  }
0xf5: {  	_ =	sdelay $0x1  }
0xf6: {  	_ =	swait.ge [sflag:s22], $0x80  }
0xf7: {  	[sflag:s22] =	ssyncset.done $0x0  }
0xf8: {  	s24 =	sadd.s32 $0x1, s24  }
0xf9: {  	p0 =	sne.s32 s24, s19  }
.Ltmp6:
0xfa: {  	[sflag:s22] =	ssyncadd.s32 $0xFFFFFF80;
	(pc) =	sbr.rel @p0 .LBB2_1-.Ltmp6, $4  }
0xfb: {  	[hbm4b:s18+s2] =	stream.linear.scatter [tilespmem:s23], [sflag:$0x2], $0x6800, $0x38;
	[tilespmem:$0xD800] =	vst v63  }
0xfc: {  	_ =	swait.ge [sflag:s20], $0x6800  }
0xfd: {  	[sflag:s20] =	ssyncset.done $0x0  }
0xfe: {  	[sflag:s20] =	ssyncadd.s32 $0xFFFF9800  }
0xff: {  	_ =	sfence.sel $0x180000  }
0x100: {  	[bflag:$0x0] =	sbarrier.arrive $0xFFFF  }
0x101: {  	_ =	strace $0x90000047  }
0x102: {  	s0 =	stileid.u32;
	[bflag:$0x2] =	sbarrier.arrive $0xFFFF  }
0x103: {  	p0 =	sne.s32 s0, $0x0;
	s0 =	rddreg [dreg:$0x2]  }
0x104: {  	s0 =	sadd.s32 @!p0 $0x100000, s0  }
0x105: {  	[sflag:s0] =	ssyncadd.tile.s32 @!p0 $0x1;
	_ =	shalt  }
.Lfunc_end2:
_tile_overlayer_lowered:
.L_overlay_start_2:
0x106: {  	(tag) =	ssettag $0x2  }
0x107: {  	s0 =	rddreg [dreg:$0x0];
	s2 =	stileid.u32  }
0x108: {  	s1 =	rddreg [dreg:$0x1];
	p0 =	sne.s32 s2, $0x0  }
0x109: {  	s3 =	rddreg [dreg:$0x2];
	[bflag:$0x3] =	sbarrier.arrive $0xFFFF;
	s2 =	simm.s32 @!p0 $0x1C02  }
0x10a: {  	[timem:s3], [sflag:s2] =	dma.local @!p0 [hbm:s0], s1  }
0x10b: {  	s0 =	simm.s32 @!p0 $0x2  }
0x10c: {  	_ =	swait.ge @!p0 [sflag:s0], s1  }
0x10d: {  	s1 =	ssub.s32 @!p0 $0x0, s1;
	[sflag:s0] =	ssyncset.done @!p0 $0x0  }
0x10e: {  	[sflag:s0] =	ssyncadd.s32 @!p0 s1  }
0x10f: {  	[bflag:$0x3] =	sbarrier.arrive $0xFFFF  }
0x110: {  	_ =	shalt  }

// kernel: kernel.8.cloned.1.call-start
scs
__scs_entry_jumppad:
0x0: {  	(pc) =	sbr.rel $0x88, $3  }
0x1: {  	(tag) =	ssettag $0x0;
	lr =	simm.s32 $0x1  }
0x2: {  	[smem:$0x3F9C] =	sst lr;
	_ =	strace $0xD0000000  }
0x3: {  	_ = 	snop  }
0x4: {  	_ = 	snop  }
0x5: {  	_ = 	snop  }
0x6: {  	_ = 	snop  }
0x7: {  	_ = 	snop  }
__scs_overlays_trampoline_lowered:
0x8: {  	[smem:$0x3FAB] =	sst s0  }
0x9: {  	[smem:$0x3FAC] =	sst s1  }
0xa: {  	[smem:$0x3FAD] =	sst s2  }
0xb: {  	[smem:$0x3FAE] =	sst s3  }
0xc: {  	[smem:$0x3FAF] =	sst s4  }
0xd: {  	[smem:$0x3FB0] =	sst s5  }
0xe: {  	[smem:$0x3FB1] =	sst s6  }
0xf: {  	[smem:$0x3FB2] =	sst s7  }
0x10: {  	[smem:$0x3FB3] =	sst s8  }
0x11: {  	[smem:$0x3FB4] =	sst s9;
	s0 =	simm.s32 @!p0 $0x0  }
0x12: {  	s1 =	sld [smem:$0x3F9A];
	s0 =	simm.s32 @p0 $0x1  }
0x13: {  	[smem:$0x3FB5] =	sst s0;
	s0 =	simm.s32 @!p1 $0x0  }
0x14: {  	s2 =	sld [smem:$0x3F99];
	s0 =	simm.s32 @p1 $0x1  }
0x15: {  	[smem:$0x3FB6] =	sst s0;
	s0 =	simm.s32 @!p2 $0x0  }
0x16: {  	s3 =	sld [smem:$0x3FDB];
	s0 =	simm.s32 @p2 $0x1  }
0x17: {  	s4 =	simm.s32 $0x1BF5;
	[smem:$0x3FB8] =	sst s0  }
0x18: {  	s0 =	sld [smem:$0x3F9B];
	_ =	swait.ge [sflag:s4], $0x0  }
0x19: {  	s7 =	sld [smem:$0x3F9C]  }
0x1a: {  	s8 =	sadd.s32 $0xFFFFE003, lr  }
0x1b: {  	s9 =	sadd.s32 $0xFFFFFEF7, lr;
	s5 =	simm.s32 $0xFFFFFFFF;
	p2 =	slt.u32 s8, $0xFFFFF086  }
0x1c: {  	p1 =	slt.u32 s9, $0xF7A;
	s5 =	simm.s32 @!p2 $0x0  }
0x1d: {  	s5 =	simm.s32 @p1 $0x1;
	p0 =	seq.s32 s7, s2  }
0x1e: {  	s7 =	smul.u32 @!p0 $0xF7A, s2;
	p2 =	seq.s32 @!p0 s5, $0x0  }
0x1f: {  	s9 =	smul.u32 $0xF7A, s1;
	s8 =	simm.s32 @!p0 $0x1BF5;
	p2 =	por !p2, p0  }
0x20: {  	[sflag:s8] =	ssyncset.s32 @!p0 $0xFFFFF086;
	s6 =	sadd.s32 @!p0 s3, s7;
	s7 =	simm.s32 @!p0 $0x108  }
0x21: {  	s3 =	sadd.s32 s3, s9;
	s6 =	sadd.s32 @!p0 $0x88, s6;
	s7 =	simm.s32 @p2 $0x1082  }
0x22: {  	[simem:s7], [sflag:s8] =	dma.local @!p0 [hbm:s6], $0xF7A  }
0x23: {  	s9 =	sor.u32 $0xD0000000, s2;
	s6 =	simm.s32 $0x108;
	_ =	swait.ge @!p0 [sflag:s8], $0x0  }
0x24: {  	s3 =	sadd.s32 $0x88, s3;
	s6 =	simm.s32 @!p1 $0x1082;
	[sflag:s4] =	ssyncset.s32 $0xFFFFF086  }
0x25: {  	[simem:s6], [sflag:s4] =	dma.local [hbm:s3], $0xF7A  }
0x26: {  	[smem:$0x3F9C] =	sst s1;
	(tag) =	ssettag s2;
	_ =	strace s9  }
0x27: {  	s1 =	sld [smem:$0x3FAC]  }
0x28: {  	s2 =	sld [smem:$0x3FAD]  }
0x29: {  	s4 =	sld [smem:$0x3FAF]  }
0x2a: {  	p0 =	seq.s32 s5, $0x0;
	s5 =	sld [smem:$0x3FB0]  }
0x2b: {  	s6 =	sld [smem:$0x3FB1]  }
0x2c: {  	s7 =	sld [smem:$0x3FB2]  }
0x2d: {  	s3 =	simm.s32 $0x108;
	s8 =	sld [smem:$0x3FB3]  }
0x2e: {  	s3 =	simm.s32 @!p0 $0x1082;
	s9 =	sld [smem:$0x3FB4]  }
0x2f: {  	lr =	sadd.s32 s0, s3;
	s0 =	sld [smem:$0x3FAB]  }
0x30: {  	s3 =	sld [smem:$0x3FAE]  }
0x31: {  	[smem:$0x3FB7] =	sst s10  }
0x32: {  	s10 =	sld [smem:$0x3FB5];
	_ =	sdelay $0x3  }
0x33: {  	p0 =	seq.s32 s10, $0x1;
	s10 =	sld [smem:$0x3FB7];
	_ =	sdelay $0x3  }
0x34: {  	[smem:$0x3FB7] =	sst s10  }
0x35: {  	s10 =	sld [smem:$0x3FB6];
	_ =	sdelay $0x3  }
0x36: {  	p1 =	seq.s32 s10, $0x1;
	s10 =	sld [smem:$0x3FB7];
	_ =	sdelay $0x3  }
0x37: {  	[smem:$0x3FB7] =	sst s10  }
0x38: {  	s10 =	sld [smem:$0x3FB8]  }
0x39: {  	_ = 	snop;
	(pc) =	sbr.ind lr, $3  }
0x3a: {  	_ = 	snop  }
0x3b: {  	_ = 	snop  }
0x3c: {  	p2 =	seq.s32 s10, $0x1;
	s10 =	sld [smem:$0x3FB7]  }
0x3d: {  	_ =	shalt  }
0x3e: {  	_ =	shalt  }
0x3f: {  	_ =	shalt  }
0x40: {  	_ =	shalt  }
0x41: {  	_ =	shalt  }
0x42: {  	_ =	shalt  }
0x43: {  	_ =	shalt  }
0x44: {  	_ =	shalt  }
0x45: {  	_ =	shalt  }
0x46: {  	_ =	shalt  }
0x47: {  	_ =	shalt  }
0x48: {  	_ =	shalt  }
0x49: {  	_ =	shalt  }
0x4a: {  	_ =	shalt  }
0x4b: {  	_ =	shalt  }
0x4c: {  	_ =	shalt  }
0x4d: {  	_ =	shalt  }
0x4e: {  	_ =	shalt  }
0x4f: {  	_ =	shalt  }
0x50: {  	_ =	shalt  }
0x51: {  	_ =	shalt  }
0x52: {  	_ =	shalt  }
0x53: {  	_ =	shalt  }
0x54: {  	_ =	shalt  }
0x55: {  	_ =	shalt  }
0x56: {  	_ =	shalt  }
0x57: {  	_ =	shalt  }
0x58: {  	_ =	shalt  }
0x59: {  	_ =	shalt  }
0x5a: {  	_ =	shalt  }
0x5b: {  	_ =	shalt  }
0x5c: {  	_ =	shalt  }
0x5d: {  	_ =	shalt  }
0x5e: {  	_ =	shalt  }
0x5f: {  	_ =	shalt  }
0x60: {  	_ =	shalt  }
0x61: {  	_ =	shalt  }
0x62: {  	_ =	shalt  }
0x63: {  	_ =	shalt  }
0x64: {  	_ =	shalt  }
0x65: {  	_ =	shalt  }
0x66: {  	_ =	shalt  }
0x67: {  	_ =	shalt  }
0x68: {  	_ =	shalt  }
0x69: {  	_ =	shalt  }
0x6a: {  	_ =	shalt  }
0x6b: {  	_ =	shalt  }
0x6c: {  	_ =	shalt  }
0x6d: {  	_ =	shalt  }
0x6e: {  	_ =	shalt  }
0x6f: {  	_ =	shalt  }
0x70: {  	_ =	shalt  }
0x71: {  	_ =	shalt  }
0x72: {  	_ =	shalt  }
0x73: {  	_ =	shalt  }
0x74: {  	_ =	shalt  }
0x75: {  	_ =	shalt  }
0x76: {  	_ =	shalt  }
0x77: {  	_ =	shalt  }
0x78: {  	_ =	shalt  }
0x79: {  	_ =	shalt  }
0x7a: {  	_ =	shalt  }
0x7b: {  	_ =	shalt  }
0x7c: {  	_ =	shalt  }
0x7d: {  	_ =	shalt  }
0x7e: {  	_ =	shalt  }
0x7f: {  	_ =	shalt  }
0x80: {  	_ =	shalt  }
0x81: {  	_ =	shalt  }
0x82: {  	_ =	shalt  }
0x83: {  	_ =	shalt  }
0x84: {  	_ =	shalt  }
0x85: {  	_ =	shalt  }
0x86: {  	_ =	shalt  }
0x87: {  	_ =	shalt  }
.Lfunc_end0:
.L_simem_size_0:
called_computation_lowered:
.L_overlay_start_0:
0x88: {  	s2 =	sld [smem:$0x3FD9]  }
0x89: {  	s3 =	sld [smem:$0x3FFE];
	_ =	sdelay $0x1  }
0x8a: {  	s1 =	srdreg.scid  }
0x8b: {  	s0 =	sand.u32 $0x1, s1  }
0x8c: {  	s17 =	sshll.u32 s0, $0xA;
	s2 =	sadd.s32 s3, s2  }
0x8d: {  	s2 =	sadd.s32 s2, s17  }
0x8e: {  	[smem:$0x3FC3] =	sst s2  }
0x8f: {  	_ = 	snop  }
0x90: {  	(tm) =	ssettm $0x1  }
0x91: {  	s18 =	sld [smem:$0x3FFB];
	_ =	sdelay $0x3  }
0x92: {  	_ =	strace s18  }
0x93: {  	s2 =	sld [smem:$0x3FFC];
	_ =	sdelay $0x3  }
0x94: {  	_ =	strace s2  }
0x95: {  	s2 =	sld [smem:$0x3FFD];
	_ =	sdelay $0x3  }
0x96: {  	_ =	strace s2  }
0x97: {  	_ =	strace $0x8FFFFFFF  }
0x98: {  	s19 =	sld [smem:$0x3FDB];
	_ =	sdelay $0x1  }
0x99: {  	s20 =	simm.s32 $_scs_section_size  }
0x9a: {  	s4 =	simm.s32 $_size__tile_overlayer_lowered;
	s5 =	simm.s32 $_tile_overlayer_lowered  }
0x9b: {  	s6 =	simm.s32 $0x1BFF;
	s21 =	sshll.u32 s5, $0x1;
	s3 =	sadd.s32 s20, s19  }
0x9c: {  	s22 =	simm.s32 $0x0;
	s4 =	sshll.u32 s4, $0x1;
	s5 =	sadd.s32 s21, s3  }
0x9d: {  	[timem:s22], [sflag:s6] =	dma.local [hbm:s5], s4  }
0x9e: {  	_ =	swait.ge [sflag:s6], s4  }
0x9f: {  	s4 =	ssub.s32 $0x0, s4;
	[sflag:s6] =	ssyncset.done $0x0  }
0xa0: {  	[sflag:s6] =	ssyncadd.s32 s4;
	_ =	sdelay $0x1  }
0xa1: {  	s23 =	simm.s32 $0x1B8B  }
0xa2: {  	_ =	swait.ge [sflag:s23], $0x1  }
0xa3: {  	[sflag:s23] =	ssyncset.done $0x0  }
0xa4: {  	[sflag:s23] =	ssyncadd.s32 $0xFFFFFFFF  }
0xa5: {  	s4 =	sld [smem:$0x0]  }
0xa6: {  	s5 =	sand.u32 $0xFFFFFFFE, s1  }
0xa7: {  	p0 =	sne.s32 s1, s5  }
0xa8: {  	s5 =	sshll.u32 @p0 s5, $0xE  }
0xa9: {  	s5 =	sadd.s32 @p0 $0x11B8D, s5;
	s6 =	sshll.u32 @p0 s4, $0x11  }
0xaa: {  	s5 =	sor.u32 @p0 s6, s5  }
0xab: {  	[sflag:s5] =	ssyncadd.remote.s32 @p0 $0x1;
	_ =	sdelay $0x1  }
0xac: {  	s5 =	simm.s32 @p0 $0x1B8D  }
0xad: {  	_ =	swait.eq @p0 [sflag:s5], $0x1  }
0xae: {  	[sflag:s5] =	ssyncadd.s32 @p0 $0xFFFFFFFF  }
0xaf: {  	s6 =	sshll.u32 @!p0 s1, $0xE  }
0xb0: {  	s6 =	sor.u32 @!p0 $0x4000, s6;
	s5 =	simm.s32 @!p0 $0x1B8D  }
0xb1: {  	s4 =	sshll.u32 @!p0 s4, $0x11;
	s6 =	sadd.s32 @!p0 $0x11B8D, s6;
	_ =	swait.eq @!p0 [sflag:s5], $0x1  }
0xb2: {  	s4 =	sor.u32 @!p0 s4, s6;
	[sflag:s5] =	ssyncadd.s32 @!p0 $0xFFFFFFFF  }
0xb3: {  	s25 =	simm.s32 $0x1B8E;
	s24 =	sld [smem:$0x3FFE];
	[sflag:s4] =	ssyncadd.remote.s32 @!p0 $0x1  }
0xb4: {  	s26 =	simm.s32 $execute0_lowered;
	[smem:$0x3FD2] =	sst s25  }
0xb5: {  	s5 =	sshll.u32 s26, $0x1;
	_ =	strace $0x80000049;
	[dreg:$0x1] =	wrdreg $0xFFFFFFFF  }
0xb6: {  	s28 =	simm.s32 $_size_execute0_lowered;
	s3 =	sadd.s32 s3, s5;
	[dreg:$0x0] =	wrdreg $0x0  }
0xb7: {  	s5 =	sshll.u32 s28, $0x1;
	[dreg:$0x2] =	wrdreg s3  }
0xb8: {  	[dreg:$0x3] =	wrdreg s5  }
0xb9: {  	[dreg:$0x4] =	wrdreg $0xC0  }
0xba: {  	_ =	task [dreg:s22], $0x5FFFF  }
0xbb: {  	[dreg:$0x1] =	wrdreg $0xFFFFFFFF  }
0xbc: {  	[dreg:$0x0] =	wrdreg $0x60  }
0xbd: {  	[dreg:$0x2] =	wrdreg s24  }
0xbe: {  	[dreg:$0x3] =	wrdreg $0x9  }
0xbf: {  	_ =	task.clear_ibuf [dreg:s22], $0x4FFFF;
	_ =	strace $0x90000049  }
0xc0: {  	s29 =	simm.s32 $0x9;
	_ =	strace $0x8000004B  }
0xc1: {  	_ =	swait.ge [sflag:s29], $0x1  }
0xc2: {  	[sflag:s29] =	ssyncadd.s32 $0xFFFFFFFF  }
0xc3: {  	_ =	strace $0x9000004B  }
0xc4: {  	_ =	sfence  }
0xc5: {  	s30 =	sld [smem:$0x0];
	_ =	sdelay $0x2  }
0xc6: {  	s31 =	sshll.u32 s1, $0xD;
	s1 =	sshrl.u32 s1, $0x2  }
0xc7: {  	s4 =	sand.u32 $0x4000, s31;
	s1 =	sadd.s32 s1, s30  }
0xc8: {  	s0 =	sor.u32 s4, s0;
	s1 =	sshll.u32 s1, $0x11  }
0xc9: {  	s0 =	sor.u32 s1, s0  }
0xca: {  	s0 =	sadd.s32 $0x8F2B, s0  }
0xcb: {  	[sflag:s0] =	ssyncadd.remote.s32 $0x1  }
0xcc: {  	_ =	sfence.sel $0xFFFF  }
0xcd: {  	[dreg:$0x0] =	wrdreg $0xFFFFFFFF;
	(pc) =	sbr.abs _section_cstart, $3  }
0xce: {  	[dreg:$0x1] =	wrdreg $0xFFFFFFFF  }
0xcf: {  	_ =	task.clear_ibuf [dreg:s22], $0x2FFFF;
	_ =	strace $0x9FFFFFFF  }
0xd0: {  	(tm) =	ssettm $0x7FFFFFFF  }
0xd1: {  	_ =	shalt  }
tec
execute0_lowered:
.L_overlay_start_1:
0x0: {  	(tag) =	ssettag $0x1  }
0x1: {  	s0 =	rddreg [dreg:$0x0];
	s1 =	srdreg.scid  }
0x2: {  	s3 =	stileid.u32;
	s2 =	simm.s32 $0x0;
	s19 =	simm.s32 $0x2  }
0x3: {  	s20 =	simm.s32 $0x80;
	s29 =	simm.s32 $0x480;
	s30 =	simm.s32 $0x500  }
0x4: {  	s31 =	simm.s32 $0x580;
	s1 =	sand.u32 $0x1, s1;
	s3 =	sshll.u32 s3, $0x1  }
0x5: {  	s21 =	simm.s32 $0x7000;
	[smem:$0x7FF] =	sst s2;
	s4 =	sor.u32 s1, s3  }
0x6: {  	s22 =	simm.s32 $0x0;
	_ =	strace $0x8000004A;
	s3 =	sshll.u32 s4, $0x4  }
0x7: {  	s6 =	smul.u32 $0xD00, s4;
	s16 =	sadd.s32 s3, s0;
	s3 =	sadd.s32 $0x51CA00, s0  }
0x8: {  	s1 =	ssub.s32 $0x2, s1;
	s4 =	sadd.s32 $0x51B200, s16;
	s5 =	sadd.s32 $0x51B400, s16  }
0x9: {  	s0 =	sadd.s32 s6, s0;
	s6 =	sadd.s32 $0x51B600, s16;
	s7 =	sadd.s32 $0x51B800, s16  }
0xa: {  	s15 =	sshrl.u32 s1, $0x1;
	s8 =	sadd.s32 $0x51BA00, s16;
	s9 =	sadd.s32 $0x51BC00, s16  }
0xb: {  	s10 =	sadd.s32 $0x51B000, s16;
	s11 =	sadd.s32 $0x51BE00, s16;
	s12 =	sadd.s32 $0x51C000, s16  }
0xc: {  	s1 =	ssub.s32 s1, s15;
	s13 =	sadd.s32 $0x51C200, s16;
	s14 =	sadd.s32 $0x51C400, s16  }
0xd: {  	s15 =	sadd.s32 $0x51C600, s16;
	s16 =	sadd.s32 $0x51C800, s16;
	s18 =	smax.u32 s1, $0x1  }
0xe: {  	s1 =	simm.s32 $0x1;
	s17 =	sadd.s32 $0x7A6A00, s0;
	s0 =	simm.s32 $0x600  }
.LBB2_1:
0xf: {  	[tilespmem:s2], [sflag:$0x2] =	stream.linear.gather [hbm4b:s10+s2], $0x80, $0x38;
	[tilespmem:$0xD800] =	vst v63  }
0x10: {  	_ =	swait.ge [sflag:s19], $0x80  }
0x11: {  	[sflag:s19] =	ssyncset.done $0x0  }
0x12: {  	[sflag:s19] =	ssyncadd.s32 $0xFFFFFF80  }
0x13: {  	[tilespmem:s20], [sflag:$0x2] =	stream.linear.gather [hbm4b:s4+s2], $0x80, $0x38;
	[tilespmem:$0xD800] =	vst v63  }
0x14: {  	_ =	swait.ge [sflag:s19], $0x80  }
0x15: {  	[sflag:s19] =	ssyncset.done $0x0  }
0x16: {  	s23 =	simm.s32 $0x100;
	[sflag:s19] =	ssyncadd.s32 $0xFFFFFF80  }
0x17: {  	[tilespmem:s23], [sflag:$0x2] =	stream.linear.gather [hbm4b:s5+s2], $0x80, $0x38;
	[tilespmem:$0xD800] =	vst v63  }
0x18: {  	_ =	swait.ge [sflag:s19], $0x80  }
0x19: {  	[sflag:s19] =	ssyncset.done $0x0  }
0x1a: {  	s24 =	simm.s32 $0x180;
	[sflag:s19] =	ssyncadd.s32 $0xFFFFFF80  }
0x1b: {  	[tilespmem:s24], [sflag:$0x2] =	stream.linear.gather [hbm4b:s6+s2], $0x80, $0x38;
	[tilespmem:$0xD800] =	vst v63  }
0x1c: {  	_ =	swait.ge [sflag:s19], $0x80  }
0x1d: {  	[sflag:s19] =	ssyncset.done $0x0  }
0x1e: {  	s25 =	simm.s32 $0x200;
	[sflag:s19] =	ssyncadd.s32 $0xFFFFFF80  }
0x1f: {  	[tilespmem:s25], [sflag:$0x2] =	stream.linear.gather [hbm4b:s7+s2], $0x80, $0x38;
	[tilespmem:$0xD800] =	vst v63  }
0x20: {  	_ =	swait.ge [sflag:s19], $0x80  }
0x21: {  	[sflag:s19] =	ssyncset.done $0x0  }
0x22: {  	s26 =	simm.s32 $0x280;
	[sflag:s19] =	ssyncadd.s32 $0xFFFFFF80  }
0x23: {  	[tilespmem:s26], [sflag:$0x2] =	stream.linear.gather [hbm4b:s8+s2], $0x80, $0x38;
	[tilespmem:$0xD800] =	vst v63  }
0x24: {  	_ =	swait.ge [sflag:s19], $0x80  }
0x25: {  	[sflag:s19] =	ssyncset.done $0x0  }
0x26: {  	s24 =	simm.s32 $0x300;
	[sflag:s19] =	ssyncadd.s32 $0xFFFFFF80  }
0x27: {  	[tilespmem:s24], [sflag:$0x2] =	stream.linear.gather [hbm4b:s9+s2], $0x80, $0x38;
	[tilespmem:$0xD800] =	vst v63  }
0x28: {  	_ =	swait.ge [sflag:s19], $0x80  }
0x29: {  	[sflag:s19] =	ssyncset.done $0x0  }
0x2a: {  	s25 =	simm.s32 $0x380;
	[sflag:s19] =	ssyncadd.s32 $0xFFFFFF80  }
0x2b: {  	[tilespmem:s25], [sflag:$0x2] =	stream.linear.gather [hbm4b:s11+s2], $0x80, $0x38;
	[tilespmem:$0xD800] =	vst v63  }
0x2c: {  	_ =	swait.ge [sflag:s19], $0x80  }
0x2d: {  	[sflag:s19] =	ssyncset.done $0x0  }
0x2e: {  	s26 =	simm.s32 $0x400;
	[sflag:s19] =	ssyncadd.s32 $0xFFFFFF80  }
0x2f: {  	[tilespmem:s26], [sflag:$0x2] =	stream.linear.gather [hbm4b:s12+s2], $0x80, $0x38;
	[tilespmem:$0xD800] =	vst v63  }
0x30: {  	_ =	swait.ge [sflag:s19], $0x80  }
0x31: {  	[sflag:s19] =	ssyncset.done $0x0  }
0x32: {  	[sflag:s19] =	ssyncadd.s32 $0xFFFFFF80  }
0x33: {  	[tilespmem:s29], [sflag:$0x2] =	stream.linear.gather [hbm4b:s13+s2], $0x80, $0x38;
	[tilespmem:$0xD800] =	vst v63  }
0x34: {  	_ =	swait.ge [sflag:s19], $0x80  }
0x35: {  	[sflag:s19] =	ssyncset.done $0x0  }
0x36: {  	[sflag:s19] =	ssyncadd.s32 $0xFFFFFF80  }
0x37: {  	[tilespmem:s30], [sflag:$0x2] =	stream.linear.gather [hbm4b:s14+s2], $0x80, $0x38;
	[tilespmem:$0xD800] =	vst v63  }
0x38: {  	_ =	swait.ge [sflag:s19], $0x80  }
0x39: {  	[sflag:s19] =	ssyncset.done $0x0  }
0x3a: {  	[sflag:s19] =	ssyncadd.s32 $0xFFFFFF80  }
0x3b: {  	[tilespmem:s31], [sflag:$0x2] =	stream.linear.gather [hbm4b:s15+s2], $0x80, $0x38;
	[tilespmem:$0xD800] =	vst v63  }
0x3c: {  	_ =	swait.ge [sflag:s19], $0x80  }
0x3d: {  	[sflag:s19] =	ssyncset.done $0x0  }
0x3e: {  	[sflag:s19] =	ssyncadd.s32 $0xFFFFFF80  }
0x3f: {  	[tilespmem:s0], [sflag:$0x2] =	stream.linear.gather [hbm4b:s16+s2], $0x80, $0x38;
	[tilespmem:$0xD800] =	vst v63  }
0x40: {  	_ =	swait.ge [sflag:s19], $0x80  }
0x41: {  	[sflag:s19] =	ssyncset.done $0x0  }
0x42: {  	s24 =	sand.u32 $0x780, s2;
	[sflag:s19] =	ssyncadd.s32 $0xFFFFFF80  }
0x43: {  	v0 =	vld [tilespmem:s24+$0x0];
	_ =	sdelay $0x4  }
0x44: {  	s23 =	simm.s32 $0x840;
	v0 =	vadd.s32 s2, v0  }
0x45: {  	[tilespmem:s23+$0xFFFFFFC0] =	vst v0  }
0x46: {  	v0 =	vld [tilespmem:s24+$0x10];
	_ =	sdelay $0x4  }
0x47: {  	v0 =	vadd.s32 s2, v0  }
0x48: {  	[tilespmem:s23+$0xFFFFFFD0] =	vst v0  }
0x49: {  	v0 =	vld [tilespmem:s24+$0x20];
	_ =	sdelay $0x4  }
0x4a: {  	v0 =	vadd.s32 s2, v0  }
0x4b: {  	[tilespmem:s23+$0xFFFFFFE0] =	vst v0  }
0x4c: {  	v0 =	vld [tilespmem:s24+$0x30];
	_ =	sdelay $0x4  }
0x4d: {  	v0 =	vadd.s32 s2, v0  }
0x4e: {  	[tilespmem:s23+$0xFFFFFFF0] =	vst v0  }
0x4f: {  	v0 =	vld [tilespmem:s24+$0x40];
	_ =	sdelay $0x4  }
0x50: {  	v0 =	vadd.s32 s2, v0  }
0x51: {  	[tilespmem:s23+$0x0] =	vst v0  }
0x52: {  	v0 =	vld [tilespmem:s24+$0x50];
	_ =	sdelay $0x4  }
0x53: {  	v0 =	vadd.s32 s2, v0  }
0x54: {  	[tilespmem:s23+$0x10] =	vst v0  }
0x55: {  	v0 =	vld [tilespmem:s24+$0x60];
	_ =	sdelay $0x4  }
0x56: {  	v0 =	vadd.s32 s2, v0  }
0x57: {  	[tilespmem:s23+$0x20] =	vst v0  }
0x58: {  	v0 =	vld [tilespmem:s24+$0x70];
	_ =	sdelay $0x4  }
0x59: {  	s26 =	simm.s32 $0x8;
	v0 =	vadd.s32 s2, v0  }
0x5a: {  	s28 =	simm.s32 $0x32000;
	s25 =	sand.u32 $0x780, s26;
	s24 =	simm.s32 $0x19000;
	[tilespmem:s23+$0x30] =	vst v0  }
.LBB2_2:
0x5b: {  	p0 =	sne.s32 s28, $0x1437000;
	v0 =	vld [tilespmem:s25+$0x0];
	_ =	sdelay $0x4  }
0x5c: {  	s23 =	sadd.s32 $0x80, s23;
	v0 =	vadd.s32 s24, v0  }
0x5d: {  	[tilespmem:s23+$0xFFFFFFC0] =	vst v0  }
0x5e: {  	v0 =	vld [tilespmem:s25+$0x10];
	_ =	sdelay $0x4  }
0x5f: {  	v0 =	vadd.s32 s24, v0  }
0x60: {  	[tilespmem:s23+$0xFFFFFFD0] =	vst v0  }
0x61: {  	v0 =	vld [tilespmem:s25+$0x20];
	_ =	sdelay $0x4  }
0x62: {  	v0 =	vadd.s32 s24, v0  }
0x63: {  	[tilespmem:s23+$0xFFFFFFE0] =	vst v0  }
0x64: {  	v0 =	vld [tilespmem:s25+$0x30];
	_ =	sdelay $0x4  }
0x65: {  	v0 =	vadd.s32 s24, v0  }
0x66: {  	[tilespmem:s23+$0xFFFFFFF0] =	vst v0  }
0x67: {  	v0 =	vld [tilespmem:s25+$0x40];
	_ =	sdelay $0x4  }
0x68: {  	v0 =	vadd.s32 s24, v0  }
0x69: {  	[tilespmem:s23+$0x0] =	vst v0  }
0x6a: {  	v0 =	vld [tilespmem:s25+$0x50];
	_ =	sdelay $0x4  }
0x6b: {  	v0 =	vadd.s32 s24, v0  }
0x6c: {  	[tilespmem:s23+$0x10] =	vst v0  }
0x6d: {  	v0 =	vld [tilespmem:s25+$0x60];
	_ =	sdelay $0x4  }
0x6e: {  	v0 =	vadd.s32 s24, v0  }
0x6f: {  	[tilespmem:s23+$0x20] =	vst v0  }
0x70: {  	v0 =	vld [tilespmem:s25+$0x70];
	_ =	sdelay $0x1  }
.Ltmp0:
0x71: {  	(pc) =	sbr.rel @p0 .LBB2_2-.Ltmp0, $3  }
0x72: {  	_ =	sdelay $0x1  }
0x73: {  	s26 =	sadd.s32 $0x8, s26;
	v0 =	vadd.s32 s24, v0;
	s24 =	smov.u32 s28  }
0x74: {  	s25 =	sand.u32 $0x780, s26;
	s28 =	sadd.s32 $0x19000, s28;
	[tilespmem:s23+$0x30] =	vst v0  }
0x75: {  	v0 =	vld [tilespmem:s25+$0x0];
	_ =	sdelay $0x4  }
0x76: {  	s23 =	sadd.s32 $0x80, s23;
	v0 =	vadd.s32 s24, v0  }
0x77: {  	[tilespmem:s23+$0xFFFFFFC0] =	vst v0  }
0x78: {  	v0 =	vld [tilespmem:s25+$0x10];
	_ =	sdelay $0x4  }
0x79: {  	v0 =	vadd.s32 s24, v0  }
0x7a: {  	[tilespmem:s23+$0xFFFFFFD0] =	vst v0  }
0x7b: {  	v0 =	vld [tilespmem:s25+$0x20];
	_ =	sdelay $0x4  }
0x7c: {  	v0 =	vadd.s32 s24, v0  }
0x7d: {  	[tilespmem:s23+$0xFFFFFFE0] =	vst v0  }
0x7e: {  	v0 =	vld [tilespmem:s25+$0x30];
	_ =	sdelay $0x4  }
0x7f: {  	v0 =	vadd.s32 s24, v0  }
0x80: {  	[tilespmem:s23+$0xFFFFFFF0] =	vst v0  }
0x81: {  	v0 =	vld [tilespmem:s25+$0x40];
	_ =	sdelay $0x4  }
0x82: {  	v0 =	vadd.s32 s24, v0  }
0x83: {  	[tilespmem:s23+$0x0] =	vst v0  }
0x84: {  	v0 =	vld [tilespmem:s25+$0x50];
	_ =	sdelay $0x4  }
0x85: {  	v0 =	vadd.s32 s24, v0  }
0x86: {  	[tilespmem:s23+$0x10] =	vst v0  }
0x87: {  	v0 =	vld [tilespmem:s25+$0x60];
	_ =	sdelay $0x4  }
0x88: {  	v0 =	vadd.s32 s24, v0  }
0x89: {  	[tilespmem:s23+$0x20] =	vst v0  }
0x8a: {  	v0 =	vld [tilespmem:s25+$0x70];
	_ =	sdelay $0x4  }
0x8b: {  	v0 =	vadd.s32 s24, v0  }
0x8c: {  	[tilespmem:s23+$0x30] =	vst v0;
	s23 =	simm.s32 $0x0  }
.LBB2_4:
0x8d: {  	p0 =	sne.s32 s23, $0x19E00  }
.Ltmp1:
0x8e: {  	_ = 	snop;
	(pc) =	sbr.rel @p0 .LBB2_4-.Ltmp1, $4  }
0x8f: {  	_ = 	snop  }
0x90: {  	s24 =	sshra.s32 s23, $0x2  }
0x91: {  	s23 =	sadd.s32 $0x200, s23;
	s25 =	sadd.s32 $0x7000, s24;
	s24 =	sadd.s32 $0x800, s24  }
0x92: {  	[tilespmem:s25], [sflag:$0x1] =	stream.indirect.gather [hbm4b:s3+s20], $0x1, s24, s20, $0xb8;
	[tilespmem:$0xD800] =	vst v63  }
0x93: {  	_ =	swait.ge [sflag:s1], $0x80  }
0x94: {  	s23 =	simm.s32 $0xCF;
	[sflag:s1] =	ssyncset.done $0x0  }
.LBB2_6:
0x95: {  	p0 =	sne.s32 s23, $0x1;
	s23 =	sadd.s32 $0xFFFFFFFF, s23;
	[sflag:s1] =	ssyncadd.s32 $0xFFFFFF80  }
.Ltmp2:
0x96: {  	(pc) =	sbr.rel @p0 .LBB2_6-.Ltmp2, $3  }
0x97: {  	_ =	sdelay $0x1  }
0x98: {  	_ =	swait.ge [sflag:s1], $0x80  }
0x99: {  	[sflag:s1] =	ssyncset.done $0x0  }
0x9a: {  	s22 =	sadd.s32 $0x1, s22  }
0x9b: {  	p0 =	sne.s32 s22, s18  }
.Ltmp3:
0x9c: {  	[sflag:s1] =	ssyncadd.s32 $0xFFFFFF80;
	(pc) =	sbr.rel @p0 .LBB2_1-.Ltmp3, $4  }
0x9d: {  	[hbm4b:s17+s2] =	stream.linear.scatter [tilespmem:s21], [sflag:$0x2], $0x6800, $0x38;
	[tilespmem:$0xD800] =	vst v63  }
0x9e: {  	_ =	swait.ge [sflag:s19], $0x6800  }
0x9f: {  	[sflag:s19] =	ssyncset.done $0x0  }
0xa0: {  	[sflag:s19] =	ssyncadd.s32 $0xFFFF9800  }
0xa1: {  	_ =	sfence.sel $0x180000  }
0xa2: {  	[bflag:$0x0] =	sbarrier.arrive $0xFFFF  }
0xa3: {  	_ =	strace $0x9000004A  }
0xa4: {  	s0 =	stileid.u32;
	[bflag:$0x2] =	sbarrier.arrive $0xFFFF  }
0xa5: {  	p0 =	sne.s32 s0, $0x0;
	s0 =	rddreg [dreg:$0x1]  }
0xa6: {  	s0 =	sadd.s32 @!p0 $0x100000, s0  }
0xa7: {  	[sflag:s0] =	ssyncadd.tile.s32 @!p0 $0x1;
	_ =	shalt  }
.Lfunc_end2:
_tile_overlayer_lowered:
.L_overlay_start_2:
0xa8: {  	(tag) =	ssettag $0x2  }
0xa9: {  	s0 =	rddreg [dreg:$0x0];
	s2 =	stileid.u32  }
0xaa: {  	s1 =	rddreg [dreg:$0x1];
	p0 =	sne.s32 s2, $0x0  }
0xab: {  	s3 =	rddreg [dreg:$0x2];
	[bflag:$0x3] =	sbarrier.arrive $0xFFFF;
	s2 =	simm.s32 @!p0 $0x1C02  }
0xac: {  	[timem:s3], [sflag:s2] =	dma.local @!p0 [hbm:s0], s1  }
0xad: {  	s0 =	simm.s32 @!p0 $0x2  }
0xae: {  	_ =	swait.ge @!p0 [sflag:s0], s1  }
0xaf: {  	s1 =	ssub.s32 @!p0 $0x0, s1;
	[sflag:s0] =	ssyncset.done @!p0 $0x0  }
0xb0: {  	[sflag:s0] =	ssyncadd.s32 @!p0 s1  }
0xb1: {  	[bflag:$0x3] =	sbarrier.arrive $0xFFFF  }
0xb2: {  	_ =	shalt  }

</sc_bundles>
